<compile_context>
chip_gen: v7x
topology: tpu7x:2x2x1
jax: 0.10.2.dev20260603
libtpu: 0.0.44.dev20260713+nightly
codegen_flags: <defaults>
</compile_context>

<pallas_src>
import functools
import jax
import jax.numpy as jnp
from jax import lax
from jax.experimental import pallas as pl
from jax.experimental.pallas import tpu as pltpu
from jax.experimental.pallas import tpu_sc as plsc

BATCH = 16384
VOCAB = 1000
D_USER = 32
U_STRIDE = 1008
D_DOW = 7
D_HOD = 4
D_OUT = D_USER + D_DOW + D_HOD

H_BASE = 0
H_WORDS = D_HOD * 24
U_BASE = H_WORDS
N_CHUNK = 4
CHUNK_ROWS = D_USER // N_CHUNK
CHUNK_WORDS = CHUNK_ROWS * U_STRIDE
TAB_WORDS = H_WORDS + D_USER * U_STRIDE

NC = 2
NS = 16
NW = NC * NS
L = 16
B_PER_W = BATCH // NW
GROUPS = B_PER_W // L


def _sc_kernel(user_id_hbm, dow_hbm, hod_hbm, tab_hbm, out_hbm,
               uid_v, dow_v, hod_v, utab_v, htab_v, outbuf_v,
               s0, s1, s2, s3):
    wid = lax.axis_index("s") * NC + lax.axis_index("c")
    base = wid * B_PER_W

    sems = [s0, s1, s2, s3]
    cps = [
        pltpu.async_copy(
            tab_hbm.at[pl.ds(U_BASE + k * CHUNK_WORDS, CHUNK_WORDS)],
            utab_v.at[pl.ds(k * CHUNK_WORDS, CHUNK_WORDS)],
            sems[k])
        for k in range(N_CHUNK)
    ]

    pltpu.sync_copy(user_id_hbm.at[pl.ds(base, B_PER_W)], uid_v)
    pltpu.sync_copy(dow_hbm.at[pl.ds(base, B_PER_W)], dow_v)
    pltpu.sync_copy(hod_hbm.at[pl.ds(base, B_PER_W)], hod_v)
    pltpu.sync_copy(tab_hbm.at[pl.ds(H_BASE, H_WORDS)], htab_v)

    lane = lax.iota(jnp.int32, L)
    zeros = jnp.zeros((L,), jnp.float32)
    ones = jnp.ones((L,), jnp.float32)

    @plsc.parallel_loop(0, GROUPS, unroll=4)
    def _prep(g):
        for c in range(D_DOW):
            outbuf_v[D_USER + c, pl.ds(g * L, L)] = zeros
        cols = g * L + lane
        d = dow_v[pl.ds(g * L, L)]
        plsc.store_scatter(outbuf_v, [D_USER + d, cols], ones)
        hsrc = jnp.minimum(hod_v[pl.ds(g * L, L)] + 1, 23)
        for j in range(D_HOD):
            vals = plsc.load_gather(htab_v, [j * 24 + hsrc])
            outbuf_v[D_USER + D_DOW + j, pl.ds(g * L, L)] = vals

    for k in range(N_CHUNK):
        cps[k].wait()

        @plsc.parallel_loop(0, GROUPS, unroll=4)
        def _user(g, _k=k):
            uidx = uid_v[pl.ds(g * L, L)] + 1
            for j in range(_k * CHUNK_ROWS, (_k + 1) * CHUNK_ROWS):
                vals = plsc.load_gather(utab_v, [j * U_STRIDE + uidx])
                outbuf_v[j, pl.ds(g * L, L)] = vals

    pltpu.sync_copy(outbuf_v, out_hbm.at[:, pl.ds(base, B_PER_W)])


@jax.jit
def kernel(user_id, dow, hod, user_table, hod_table):
    mesh = plsc.VectorSubcoreMesh(core_axis_name="c", subcore_axis_name="s")
    run = functools.partial(
        pl.kernel, mesh=mesh,
        compiler_params=pltpu.CompilerParams(needs_layout_passes=False),
        out_type=jax.ShapeDtypeStruct((D_OUT, BATCH), jnp.float32),
        scratch_types=[
            pltpu.VMEM((B_PER_W,), jnp.int32),
            pltpu.VMEM((B_PER_W,), jnp.int32),
            pltpu.VMEM((B_PER_W,), jnp.int32),
            pltpu.VMEM((D_USER * U_STRIDE,), jnp.float32),
            pltpu.VMEM((H_WORDS,), jnp.float32),
            pltpu.VMEM((D_OUT, B_PER_W), jnp.float32),
            pltpu.SemaphoreType.DMA,
            pltpu.SemaphoreType.DMA,
            pltpu.SemaphoreType.DMA,
            pltpu.SemaphoreType.DMA,
        ],
    )(_sc_kernel)
    tab = jnp.concatenate([
        hod_table.T.reshape(-1),
        jnp.pad(user_table.T, ((0, 0), (0, U_STRIDE - (VOCAB + 1)))).reshape(-1),
    ])
    out_t = run(user_id, dow, hod, tab)
    return out_t.T

# --- scband reference (transcript-rebuilt; emitter-appended) ---
"""Pipeline reference for scband-query-model-26783416058217 (READ-ONLY COPY).

The authoritative reference and input builder live on the scoring server;
editing this copy changes nothing except your own understanding.
"""

import jax, jax.numpy as jnp
import numpy as np

BATCH = 16384
VOCAB = 1000

def setup_inputs(seed: int = 0) -> dict:
    key = jax.random.key(seed)
    k1, k2, k3, k4, k5 = jax.random.split(key, 5)
    user_id = jax.random.randint(k1, (BATCH,), 0, VOCAB, dtype=jnp.int32)
    dow = jax.random.randint(k2, (BATCH,), 0, 7, dtype=jnp.int32)
    hod = jax.random.randint(k3, (BATCH,), 0, 24, dtype=jnp.int32)
    user_table = jax.random.normal(k4, (VOCAB + 1, 32), dtype=jnp.float32) * 0.05
    hod_table = jax.random.normal(k5, (24, 4), dtype=jnp.float32) * 0.05
    return {"user_id": user_id, "dow": dow, "hod": hod, "user_table": user_table, "hod_table": hod_table}

def reference(user_id, dow, hod, user_table, hod_table):
    # IntegerLookup(vocabulary=list(range(VOCAB))): value v -> index v + 1 (index 0 reserved for OOV)
    user_idx = user_id + 1
    user_emb = jnp.take(user_table, user_idx, axis=0)
    # CategoryEncoding(num_tokens=7, output_mode='one_hot')
    dow_out = jax.nn.one_hot(dow, 7, dtype=jnp.float32)
    # IntegerLookup(vocabulary=range(24)): h -> h + 1; original Embedding(24, 4) is undersized
    # (index 24 is out of range); jnp.take with mode='clip' mirrors accelerator OOB clamping
    hod_idx = hod + 1
    hod_emb = jnp.take(hod_table, hod_idx, axis=0, mode="clip")
    return jnp.concatenate([user_emb, dow_out, hod_emb], axis=1)

if __name__ == "__main__":
    import jax
    _d = setup_inputs()
    print(jax.jit(kernel)(*tuple(_d.values())))

</pallas_src>

<mosaic_0001>
#map = affine_map<(d0, d1) -> (0)>
#map1 = affine_map<(d0, d1) -> (0, 0)>
module attributes {stable_mosaic.version = 14 : i64} {
  func.func @_sc_kernel(%arg0: i32, %arg1: i32, %arg2: memref<16384xi32, #tpu.memory_space<hbm>>, %arg3: memref<16384xi32, #tpu.memory_space<hbm>>, %arg4: memref<16384xi32, #tpu.memory_space<hbm>>, %arg5: memref<32352xf32, #tpu.memory_space<hbm>>, %arg6: memref<43x16384xf32, #tpu.memory_space<hbm>>, %arg7: memref<512xi32, #tpu.memory_space<vmem>>, %arg8: memref<512xi32, #tpu.memory_space<vmem>>, %arg9: memref<512xi32, #tpu.memory_space<vmem>>, %arg10: memref<32256xf32, #tpu.memory_space<vmem>>, %arg11: memref<96xf32, #tpu.memory_space<vmem>>, %arg12: memref<43x512xf32, #tpu.memory_space<vmem>>, %arg13: memref<!tpu.dma_semaphore, #tpu.memory_space<semaphore_mem>>, %arg14: memref<!tpu.dma_semaphore, #tpu.memory_space<semaphore_mem>>, %arg15: memref<!tpu.dma_semaphore, #tpu.memory_space<semaphore_mem>>, %arg16: memref<!tpu.dma_semaphore, #tpu.memory_space<semaphore_mem>>) attributes {dimension_semantics = [#tpu.dimension_semantics<core_parallel>, #tpu.dimension_semantics<subcore_parallel>], iteration_bounds = array<i64: 2, 16>, scalar_prefetch = 0 : i64, scratch_operands = 10 : i64, tpu.core_type = #tpu.core_type<sc_vector_subcore>, window_params = [{transform_indices = #map}, {transform_indices = #map}, {transform_indices = #map}, {transform_indices = #map}, {transform_indices = #map1}]} {
    %mul3A = arith.constant 2 : i32
    %mul3A_0 = arith.muli %arg1, %mul3A : i32
    %add3A = arith.addi %mul3A_0, %arg0 : i32
    %mul3A_1 = arith.constant 512 : i32
    %mul3A_2 = arith.muli %add3A, %mul3A_1 : i32
    %dma_start3A = arith.constant 0 : i32
    %dma_start3A_3 = tpu.memref_slice %arg10[%dma_start3A] : memref<32256xf32, #tpu.memory_space<vmem>> -> memref<8064xf32, #tpu.memory_space<vmem>>
    %dma_start3A_4 = arith.constant 96 : i32
    %dma_start3A_5 = tpu.memref_slice %arg5[%dma_start3A_4] : memref<32352xf32, #tpu.memory_space<hbm>> -> memref<8064xf32, #tpu.memory_space<hbm>>
    %dma_start3A_6 = arith.constant 0 : i32
    %dma_start3A_7 = tpu.memref_slice %arg10[%dma_start3A_6] : memref<32256xf32, #tpu.memory_space<vmem>> -> memref<8064xf32, #tpu.memory_space<vmem>>
    %dma_start3A_8 = arith.constant 96 : i32
    %dma_start3A_9 = tpu.memref_slice %arg5[%dma_start3A_8] : memref<32352xf32, #tpu.memory_space<hbm>> -> memref<8064xf32, #tpu.memory_space<hbm>>
    tpu.enqueue_dma source(%dma_start3A_9 : memref<8064xf32, #tpu.memory_space<hbm>>) target(%dma_start3A_7 : memref<8064xf32, #tpu.memory_space<vmem>>) target_semaphore(%arg13 : memref<!tpu.dma_semaphore, #tpu.memory_space<semaphore_mem>>)
    %dma_start3A_10 = arith.constant 8064 : i32
    %dma_start3A_11 = tpu.memref_slice %arg10[%dma_start3A_10] : memref<32256xf32, #tpu.memory_space<vmem>> -> memref<8064xf32, #tpu.memory_space<vmem>>
    %dma_start3A_12 = arith.constant 8160 : i32
    %dma_start3A_13 = tpu.memref_slice %arg5[%dma_start3A_12] : memref<32352xf32, #tpu.memory_space<hbm>> -> memref<8064xf32, #tpu.memory_space<hbm>>
    %dma_start3A_14 = arith.constant 8064 : i32
    %dma_start3A_15 = tpu.memref_slice %arg10[%dma_start3A_14] : memref<32256xf32, #tpu.memory_space<vmem>> -> memref<8064xf32, #tpu.memory_space<vmem>>
    %dma_start3A_16 = arith.constant 8160 : i32
    %dma_start3A_17 = tpu.memref_slice %arg5[%dma_start3A_16] : memref<32352xf32, #tpu.memory_space<hbm>> -> memref<8064xf32, #tpu.memory_space<hbm>>
    tpu.enqueue_dma source(%dma_start3A_17 : memref<8064xf32, #tpu.memory_space<hbm>>) target(%dma_start3A_15 : memref<8064xf32, #tpu.memory_space<vmem>>) target_semaphore(%arg14 : memref<!tpu.dma_semaphore, #tpu.memory_space<semaphore_mem>>)
    %dma_start3A_18 = arith.constant 16128 : i32
    %dma_start3A_19 = tpu.memref_slice %arg10[%dma_start3A_18] : memref<32256xf32, #tpu.memory_space<vmem>> -> memref<8064xf32, #tpu.memory_space<vmem>>
    %dma_start3A_20 = arith.constant 16224 : i32
    %dma_start3A_21 = tpu.memref_slice %arg5[%dma_start3A_20] : memref<32352xf32, #tpu.memory_space<hbm>> -> memref<8064xf32, #tpu.memory_space<hbm>>
    %dma_start3A_22 = arith.constant 16128 : i32
    %dma_start3A_23 = tpu.memref_slice %arg10[%dma_start3A_22] : memref<32256xf32, #tpu.memory_space<vmem>> -> memref<8064xf32, #tpu.memory_space<vmem>>
    %dma_start3A_24 = arith.constant 16224 : i32
    %dma_start3A_25 = tpu.memref_slice %arg5[%dma_start3A_24] : memref<32352xf32, #tpu.memory_space<hbm>> -> memref<8064xf32, #tpu.memory_space<hbm>>
    tpu.enqueue_dma source(%dma_start3A_25 : memref<8064xf32, #tpu.memory_space<hbm>>) target(%dma_start3A_23 : memref<8064xf32, #tpu.memory_space<vmem>>) target_semaphore(%arg15 : memref<!tpu.dma_semaphore, #tpu.memory_space<semaphore_mem>>)
    %dma_start3A_26 = arith.constant 24192 : i32
    %dma_start3A_27 = tpu.memref_slice %arg10[%dma_start3A_26] : memref<32256xf32, #tpu.memory_space<vmem>> -> memref<8064xf32, #tpu.memory_space<vmem>>
    %dma_start3A_28 = arith.constant 24288 : i32
    %dma_start3A_29 = tpu.memref_slice %arg5[%dma_start3A_28] : memref<32352xf32, #tpu.memory_space<hbm>> -> memref<8064xf32, #tpu.memory_space<hbm>>
    %dma_start3A_30 = arith.constant 24192 : i32
    %dma_start3A_31 = tpu.memref_slice %arg10[%dma_start3A_30] : memref<32256xf32, #tpu.memory_space<vmem>> -> memref<8064xf32, #tpu.memory_space<vmem>>
    %dma_start3A_32 = arith.constant 24288 : i32
    %dma_start3A_33 = tpu.memref_slice %arg5[%dma_start3A_32] : memref<32352xf32, #tpu.memory_space<hbm>> -> memref<8064xf32, #tpu.memory_space<hbm>>
    tpu.enqueue_dma source(%dma_start3A_33 : memref<8064xf32, #tpu.memory_space<hbm>>) target(%dma_start3A_31 : memref<8064xf32, #tpu.memory_space<vmem>>) target_semaphore(%arg16 : memref<!tpu.dma_semaphore, #tpu.memory_space<semaphore_mem>>)
    "tpu.region"() ({
      %run_scoped3A = tpu.sem_alloc : memref<!tpu.dma_semaphore, #tpu.memory_space<semaphore_mem>>
      %dma_start3A_82 = tpu.memref_slice %arg2[%mul3A_2] : memref<16384xi32, #tpu.memory_space<hbm>> -> memref<512xi32, #tpu.memory_space<hbm>>
      %dma_start3A_83 = tpu.memref_slice %arg2[%mul3A_2] : memref<16384xi32, #tpu.memory_space<hbm>> -> memref<512xi32, #tpu.memory_space<hbm>>
      tpu.enqueue_dma source(%dma_start3A_83 : memref<512xi32, #tpu.memory_space<hbm>>) target(%arg7 : memref<512xi32, #tpu.memory_space<vmem>>) target_semaphore(%run_scoped3A : memref<!tpu.dma_semaphore, #tpu.memory_space<semaphore_mem>>)
      %dma_wait3A_84 = tpu.memref_slice %arg2[%mul3A_2] : memref<16384xi32, #tpu.memory_space<hbm>> -> memref<512xi32, #tpu.memory_space<hbm>>
      %dma_wait3A_85 = tpu.memref_slice %arg2[%mul3A_2] : memref<16384xi32, #tpu.memory_space<hbm>> -> memref<512xi32, #tpu.memory_space<hbm>>
      tpu.wait_dma2 semaphore(%run_scoped3A : memref<!tpu.dma_semaphore, #tpu.memory_space<semaphore_mem>>) src(%dma_wait3A_85 : memref<512xi32, #tpu.memory_space<hbm>>) dst(%arg7 : memref<512xi32, #tpu.memory_space<vmem>>)
      tpu.yield
    }) : () -> ()
    "tpu.region"() ({
      %run_scoped3A = tpu.sem_alloc : memref<!tpu.dma_semaphore, #tpu.memory_space<semaphore_mem>>
      %dma_start3A_82 = tpu.memref_slice %arg3[%mul3A_2] : memref<16384xi32, #tpu.memory_space<hbm>> -> memref<512xi32, #tpu.memory_space<hbm>>
      %dma_start3A_83 = tpu.memref_slice %arg3[%mul3A_2] : memref<16384xi32, #tpu.memory_space<hbm>> -> memref<512xi32, #tpu.memory_space<hbm>>
      tpu.enqueue_dma source(%dma_start3A_83 : memref<512xi32, #tpu.memory_space<hbm>>) target(%arg8 : memref<512xi32, #tpu.memory_space<vmem>>) target_semaphore(%run_scoped3A : memref<!tpu.dma_semaphore, #tpu.memory_space<semaphore_mem>>)
      %dma_wait3A_84 = tpu.memref_slice %arg3[%mul3A_2] : memref<16384xi32, #tpu.memory_space<hbm>> -> memref<512xi32, #tpu.memory_space<hbm>>
      %dma_wait3A_85 = tpu.memref_slice %arg3[%mul3A_2] : memref<16384xi32, #tpu.memory_space<hbm>> -> memref<512xi32, #tpu.memory_space<hbm>>
      tpu.wait_dma2 semaphore(%run_scoped3A : memref<!tpu.dma_semaphore, #tpu.memory_space<semaphore_mem>>) src(%dma_wait3A_85 : memref<512xi32, #tpu.memory_space<hbm>>) dst(%arg8 : memref<512xi32, #tpu.memory_space<vmem>>)
      tpu.yield
    }) : () -> ()
    "tpu.region"() ({
      %run_scoped3A = tpu.sem_alloc : memref<!tpu.dma_semaphore, #tpu.memory_space<semaphore_mem>>
      %dma_start3A_82 = tpu.memref_slice %arg4[%mul3A_2] : memref<16384xi32, #tpu.memory_space<hbm>> -> memref<512xi32, #tpu.memory_space<hbm>>
      %dma_start3A_83 = tpu.memref_slice %arg4[%mul3A_2] : memref<16384xi32, #tpu.memory_space<hbm>> -> memref<512xi32, #tpu.memory_space<hbm>>
      tpu.enqueue_dma source(%dma_start3A_83 : memref<512xi32, #tpu.memory_space<hbm>>) target(%arg9 : memref<512xi32, #tpu.memory_space<vmem>>) target_semaphore(%run_scoped3A : memref<!tpu.dma_semaphore, #tpu.memory_space<semaphore_mem>>)
      %dma_wait3A_84 = tpu.memref_slice %arg4[%mul3A_2] : memref<16384xi32, #tpu.memory_space<hbm>> -> memref<512xi32, #tpu.memory_space<hbm>>
      %dma_wait3A_85 = tpu.memref_slice %arg4[%mul3A_2] : memref<16384xi32, #tpu.memory_space<hbm>> -> memref<512xi32, #tpu.memory_space<hbm>>
      tpu.wait_dma2 semaphore(%run_scoped3A : memref<!tpu.dma_semaphore, #tpu.memory_space<semaphore_mem>>) src(%dma_wait3A_85 : memref<512xi32, #tpu.memory_space<hbm>>) dst(%arg9 : memref<512xi32, #tpu.memory_space<vmem>>)
      tpu.yield
    }) : () -> ()
    "tpu.region"() ({
      %run_scoped3A = tpu.sem_alloc : memref<!tpu.dma_semaphore, #tpu.memory_space<semaphore_mem>>
      %dma_start3A_82 = arith.constant 0 : i32
      %dma_start3A_83 = tpu.memref_slice %arg5[%dma_start3A_82] : memref<32352xf32, #tpu.memory_space<hbm>> -> memref<96xf32, #tpu.memory_space<hbm>>
      %dma_start3A_84 = arith.constant 0 : i32
      %dma_start3A_85 = tpu.memref_slice %arg5[%dma_start3A_84] : memref<32352xf32, #tpu.memory_space<hbm>> -> memref<96xf32, #tpu.memory_space<hbm>>
      tpu.enqueue_dma source(%dma_start3A_85 : memref<96xf32, #tpu.memory_space<hbm>>) target(%arg11 : memref<96xf32, #tpu.memory_space<vmem>>) target_semaphore(%run_scoped3A : memref<!tpu.dma_semaphore, #tpu.memory_space<semaphore_mem>>)
      %dma_wait3A_86 = arith.constant 0 : i32
      %dma_wait3A_87 = tpu.memref_slice %arg5[%dma_wait3A_86] : memref<32352xf32, #tpu.memory_space<hbm>> -> memref<96xf32, #tpu.memory_space<hbm>>
      %dma_wait3A_88 = arith.constant 0 : i32
      %dma_wait3A_89 = tpu.memref_slice %arg5[%dma_wait3A_88] : memref<32352xf32, #tpu.memory_space<hbm>> -> memref<96xf32, #tpu.memory_space<hbm>>
      tpu.wait_dma2 semaphore(%run_scoped3A : memref<!tpu.dma_semaphore, #tpu.memory_space<semaphore_mem>>) src(%dma_wait3A_89 : memref<96xf32, #tpu.memory_space<hbm>>) dst(%arg11 : memref<96xf32, #tpu.memory_space<vmem>>)
      tpu.yield
    }) : () -> ()
    %iota3A = tpu.iota {dimensions = array<i32: 0>} : vector<16xi32>
    %broadcast_in_dim3A = arith.constant 0.000000e+00 : f32
    %broadcast_in_dim3A_34 = vector.broadcast %broadcast_in_dim3A : f32 to vector<16xf32>
    %broadcast_in_dim3A_35 = arith.constant 1.000000e+00 : f32
    %broadcast_in_dim3A_36 = vector.broadcast %broadcast_in_dim3A_35 : f32 to vector<16xf32>
    %parallel_loop3A = arith.constant 0 : i32
    %parallel_loop3A_37 = arith.constant 32 : i32
    %parallel_loop3A_38 = arith.constant 1 : i32
    scf.for %parallel_loop3A_82 = %parallel_loop3A to %parallel_loop3A_37 step %parallel_loop3A_38  : i32 {
      %parallel_loop3A_83 = arith.constant 16 : i32
      %parallel_loop3A_84 = arith.muli %parallel_loop3A_82, %parallel_loop3A_83 : i32
      %parallel_loop3A_85 = arith.constant 32 : i32
      %parallel_loop3A_86 = arith.index_cast %parallel_loop3A_85 : i32 to index
      %parallel_loop3A_87 = arith.index_cast %parallel_loop3A_84 : i32 to index
      %parallel_loop3A_88 = tpu.vector_load %arg12[%parallel_loop3A_86, %parallel_loop3A_87] {strides = array<i32>} : memref<43x512xf32, #tpu.memory_space<vmem>>, vector<16xf32>,
      tpu.vector_store %arg12[%parallel_loop3A_86, %parallel_loop3A_87], %broadcast_in_dim3A_34 {strides = array<i32>} : memref<43x512xf32, #tpu.memory_space<vmem>>, vector<16xf32>,
      %parallel_loop3A_89 = arith.constant 16 : i32
      %parallel_loop3A_90 = arith.muli %parallel_loop3A_82, %parallel_loop3A_89 : i32
      %parallel_loop3A_91 = arith.constant 33 : i32
      %parallel_loop3A_92 = arith.index_cast %parallel_loop3A_91 : i32 to index
      %parallel_loop3A_93 = arith.index_cast %parallel_loop3A_90 : i32 to index
      %parallel_loop3A_94 = tpu.vector_load %arg12[%parallel_loop3A_92, %parallel_loop3A_93] {strides = array<i32>} : memref<43x512xf32, #tpu.memory_space<vmem>>, vector<16xf32>,
      tpu.vector_store %arg12[%parallel_loop3A_92, %parallel_loop3A_93], %broadcast_in_dim3A_34 {strides = array<i32>} : memref<43x512xf32, #tpu.memory_space<vmem>>, vector<16xf32>,
      %parallel_loop3A_95 = arith.constant 16 : i32
      %parallel_loop3A_96 = arith.muli %parallel_loop3A_82, %parallel_loop3A_95 : i32
      %parallel_loop3A_97 = arith.constant 34 : i32
      %parallel_loop3A_98 = arith.index_cast %parallel_loop3A_97 : i32 to index
      %parallel_loop3A_99 = arith.index_cast %parallel_loop3A_96 : i32 to index
      %parallel_loop3A_100 = tpu.vector_load %arg12[%parallel_loop3A_98, %parallel_loop3A_99] {strides = array<i32>} : memref<43x512xf32, #tpu.memory_space<vmem>>, vector<16xf32>,
      tpu.vector_store %arg12[%parallel_loop3A_98, %parallel_loop3A_99], %broadcast_in_dim3A_34 {strides = array<i32>} : memref<43x512xf32, #tpu.memory_space<vmem>>, vector<16xf32>,
      %parallel_loop3A_101 = arith.constant 16 : i32
      %parallel_loop3A_102 = arith.muli %parallel_loop3A_82, %parallel_loop3A_101 : i32
      %parallel_loop3A_103 = arith.constant 35 : i32
      %parallel_loop3A_104 = arith.index_cast %parallel_loop3A_103 : i32 to index
      %parallel_loop3A_105 = arith.index_cast %parallel_loop3A_102 : i32 to index
      %parallel_loop3A_106 = tpu.vector_load %arg12[%parallel_loop3A_104, %parallel_loop3A_105] {strides = array<i32>} : memref<43x512xf32, #tpu.memory_space<vmem>>, vector<16xf32>,
      tpu.vector_store %arg12[%parallel_loop3A_104, %parallel_loop3A_105], %broadcast_in_dim3A_34 {strides = array<i32>} : memref<43x512xf32, #tpu.memory_space<vmem>>, vector<16xf32>,
      %parallel_loop3A_107 = arith.constant 16 : i32
      %parallel_loop3A_108 = arith.muli %parallel_loop3A_82, %parallel_loop3A_107 : i32
      %parallel_loop3A_109 = arith.constant 36 : i32
      %parallel_loop3A_110 = arith.index_cast %parallel_loop3A_109 : i32 to index
      %parallel_loop3A_111 = arith.index_cast %parallel_loop3A_108 : i32 to index
      %parallel_loop3A_112 = tpu.vector_load %arg12[%parallel_loop3A_110, %parallel_loop3A_111] {strides = array<i32>} : memref<43x512xf32, #tpu.memory_space<vmem>>, vector<16xf32>,
      tpu.vector_store %arg12[%parallel_loop3A_110, %parallel_loop3A_111], %broadcast_in_dim3A_34 {strides = array<i32>} : memref<43x512xf32, #tpu.memory_space<vmem>>, vector<16xf32>,
      %parallel_loop3A_113 = arith.constant 16 : i32
      %parallel_loop3A_114 = arith.muli %parallel_loop3A_82, %parallel_loop3A_113 : i32
      %parallel_loop3A_115 = arith.constant 37 : i32
      %parallel_loop3A_116 = arith.index_cast %parallel_loop3A_115 : i32 to index
      %parallel_loop3A_117 = arith.index_cast %parallel_loop3A_114 : i32 to index
      %parallel_loop3A_118 = tpu.vector_load %arg12[%parallel_loop3A_116, %parallel_loop3A_117] {strides = array<i32>} : memref<43x512xf32, #tpu.memory_space<vmem>>, vector<16xf32>,
      tpu.vector_store %arg12[%parallel_loop3A_116, %parallel_loop3A_117], %broadcast_in_dim3A_34 {strides = array<i32>} : memref<43x512xf32, #tpu.memory_space<vmem>>, vector<16xf32>,
      %parallel_loop3A_119 = arith.constant 16 : i32
      %parallel_loop3A_120 = arith.muli %parallel_loop3A_82, %parallel_loop3A_119 : i32
      %parallel_loop3A_121 = arith.constant 38 : i32
      %parallel_loop3A_122 = arith.index_cast %parallel_loop3A_121 : i32 to index
      %parallel_loop3A_123 = arith.index_cast %parallel_loop3A_120 : i32 to index
      %parallel_loop3A_124 = tpu.vector_load %arg12[%parallel_loop3A_122, %parallel_loop3A_123] {strides = array<i32>} : memref<43x512xf32, #tpu.memory_space<vmem>>, vector<16xf32>,
      tpu.vector_store %arg12[%parallel_loop3A_122, %parallel_loop3A_123], %broadcast_in_dim3A_34 {strides = array<i32>} : memref<43x512xf32, #tpu.memory_space<vmem>>, vector<16xf32>,
      %parallel_loop3A_125 = arith.constant 16 : i32
      %parallel_loop3A_126 = arith.muli %parallel_loop3A_82, %parallel_loop3A_125 : i32
      %parallel_loop3A_127 = vector.broadcast %parallel_loop3A_126 : i32 to vector<16xi32>
      %parallel_loop3A_128 = arith.addi %parallel_loop3A_127, %iota3A : vector<16xi32>
      %parallel_loop3A_129 = arith.constant 16 : i32
      %parallel_loop3A_130 = arith.muli %parallel_loop3A_82, %parallel_loop3A_129 : i32
      %parallel_loop3A_131 = arith.index_cast %parallel_loop3A_130 : i32 to index
      %parallel_loop3A_132 = tpu.vector_load %arg8[%parallel_loop3A_131] {strides = array<i32>} : memref<512xi32, #tpu.memory_space<vmem>>, vector<16xi32>,
      %parallel_loop3A_133 = arith.constant 32 : i32
      %parallel_loop3A_134 = vector.broadcast %parallel_loop3A_133 : i32 to vector<16xi32>
      %parallel_loop3A_135 = arith.addi %parallel_loop3A_134, %parallel_loop3A_132 : vector<16xi32>
      tpu.vector_store_idx %arg12[%parallel_loop3A_135, %parallel_loop3A_128], %broadcast_in_dim3A_36 : memref<43x512xf32, #tpu.memory_space<vmem>>[vector<16xi32>, vector<16xi32>], vector<16xf32>,
      %parallel_loop3A_136 = arith.constant 16 : i32
      %parallel_loop3A_137 = arith.muli %parallel_loop3A_82, %parallel_loop3A_136 : i32
      %parallel_loop3A_138 = arith.index_cast %parallel_loop3A_137 : i32 to index
      %parallel_loop3A_139 = tpu.vector_load %arg9[%parallel_loop3A_138] {strides = array<i32>} : memref<512xi32, #tpu.memory_space<vmem>>, vector<16xi32>,
      %parallel_loop3A_140 = arith.constant 1 : i32
      %parallel_loop3A_141 = vector.broadcast %parallel_loop3A_140 : i32 to vector<16xi32>
      %parallel_loop3A_142 = arith.addi %parallel_loop3A_139, %parallel_loop3A_141 : vector<16xi32>
      %parallel_loop3A_143 = arith.constant 23 : i32
      %parallel_loop3A_144 = vector.broadcast %parallel_loop3A_143 : i32 to vector<16xi32>
      %parallel_loop3A_145 = arith.minsi %parallel_loop3A_142, %parallel_loop3A_144 : vector<16xi32>
      %parallel_loop3A_146 = arith.constant 0 : i32
      %parallel_loop3A_147 = vector.broadcast %parallel_loop3A_146 : i32 to vector<16xi32>
      %parallel_loop3A_148 = arith.addi %parallel_loop3A_147, %parallel_loop3A_145 : vector<16xi32>
      %parallel_loop3A_149 = tpu.vector_load_idx %arg11[%parallel_loop3A_148] : memref<96xf32, #tpu.memory_space<vmem>>[vector<16xi32>], vector<16xf32>,
      %parallel_loop3A_150 = arith.constant 16 : i32
      %parallel_loop3A_151 = arith.muli %parallel_loop3A_82, %parallel_loop3A_150 : i32
      %parallel_loop3A_152 = arith.constant 39 : i32
      %parallel_loop3A_153 = arith.index_cast %parallel_loop3A_152 : i32 to index
      %parallel_loop3A_154 = arith.index_cast %parallel_loop3A_151 : i32 to index
      %parallel_loop3A_155 = tpu.vector_load %arg12[%parallel_loop3A_153, %parallel_loop3A_154] {strides = array<i32>} : memref<43x512xf32, #tpu.memory_space<vmem>>, vector<16xf32>,
      tpu.vector_store %arg12[%parallel_loop3A_153, %parallel_loop3A_154], %parallel_loop3A_149 {strides = array<i32>} : memref<43x512xf32, #tpu.memory_space<vmem>>, vector<16xf32>,
      %parallel_loop3A_156 = arith.constant 24 : i32
      %parallel_loop3A_157 = vector.broadcast %parallel_loop3A_156 : i32 to vector<16xi32>
      %parallel_loop3A_158 = arith.addi %parallel_loop3A_157, %parallel_loop3A_145 : vector<16xi32>
      %parallel_loop3A_159 = tpu.vector_load_idx %arg11[%parallel_loop3A_158] : memref<96xf32, #tpu.memory_space<vmem>>[vector<16xi32>], vector<16xf32>,
      %parallel_loop3A_160 = arith.constant 16 : i32
      %parallel_loop3A_161 = arith.muli %parallel_loop3A_82, %parallel_loop3A_160 : i32
      %parallel_loop3A_162 = arith.constant 40 : i32
      %parallel_loop3A_163 = arith.index_cast %parallel_loop3A_162 : i32 to index
      %parallel_loop3A_164 = arith.index_cast %parallel_loop3A_161 : i32 to index
      %parallel_loop3A_165 = tpu.vector_load %arg12[%parallel_loop3A_163, %parallel_loop3A_164] {strides = array<i32>} : memref<43x512xf32, #tpu.memory_space<vmem>>, vector<16xf32>,
      tpu.vector_store %arg12[%parallel_loop3A_163, %parallel_loop3A_164], %parallel_loop3A_159 {strides = array<i32>} : memref<43x512xf32, #tpu.memory_space<vmem>>, vector<16xf32>,
      %parallel_loop3A_166 = arith.constant 48 : i32
      %parallel_loop3A_167 = vector.broadcast %parallel_loop3A_166 : i32 to vector<16xi32>
      %parallel_loop3A_168 = arith.addi %parallel_loop3A_167, %parallel_loop3A_145 : vector<16xi32>
      %parallel_loop3A_169 = tpu.vector_load_idx %arg11[%parallel_loop3A_168] : memref<96xf32, #tpu.memory_space<vmem>>[vector<16xi32>], vector<16xf32>,
      %parallel_loop3A_170 = arith.constant 16 : i32
      %parallel_loop3A_171 = arith.muli %parallel_loop3A_82, %parallel_loop3A_170 : i32
      %parallel_loop3A_172 = arith.constant 41 : i32
      %parallel_loop3A_173 = arith.index_cast %parallel_loop3A_172 : i32 to index
      %parallel_loop3A_174 = arith.index_cast %parallel_loop3A_171 : i32 to index
      %parallel_loop3A_175 = tpu.vector_load %arg12[%parallel_loop3A_173, %parallel_loop3A_174] {strides = array<i32>} : memref<43x512xf32, #tpu.memory_space<vmem>>, vector<16xf32>,
      tpu.vector_store %arg12[%parallel_loop3A_173, %parallel_loop3A_174], %parallel_loop3A_169 {strides = array<i32>} : memref<43x512xf32, #tpu.memory_space<vmem>>, vector<16xf32>,
      %parallel_loop3A_176 = arith.constant 72 : i32
      %parallel_loop3A_177 = vector.broadcast %parallel_loop3A_176 : i32 to vector<16xi32>
      %parallel_loop3A_178 = arith.addi %parallel_loop3A_177, %parallel_loop3A_145 : vector<16xi32>
      %parallel_loop3A_179 = tpu.vector_load_idx %arg11[%parallel_loop3A_178] : memref<96xf32, #tpu.memory_space<vmem>>[vector<16xi32>], vector<16xf32>,
      %parallel_loop3A_180 = arith.constant 16 : i32
      %parallel_loop3A_181 = arith.muli %parallel_loop3A_82, %parallel_loop3A_180 : i32
      %parallel_loop3A_182 = arith.constant 42 : i32
      %parallel_loop3A_183 = arith.index_cast %parallel_loop3A_182 : i32 to index
      %parallel_loop3A_184 = arith.index_cast %parallel_loop3A_181 : i32 to index
      %parallel_loop3A_185 = tpu.vector_load %arg12[%parallel_loop3A_183, %parallel_loop3A_184] {strides = array<i32>} : memref<43x512xf32, #tpu.memory_space<vmem>>, vector<16xf32>,
      tpu.vector_store %arg12[%parallel_loop3A_183, %parallel_loop3A_184], %parallel_loop3A_179 {strides = array<i32>} : memref<43x512xf32, #tpu.memory_space<vmem>>, vector<16xf32>,
    } {sc.loop_unroll_factor = 4 : i64, sc.parallel_access}
    %dma_wait3A = arith.constant 0 : i32
    %dma_wait3A_39 = tpu.memref_slice %arg10[%dma_wait3A] : memref<32256xf32, #tpu.memory_space<vmem>> -> memref<8064xf32, #tpu.memory_space<vmem>>
    %dma_wait3A_40 = arith.constant 96 : i32
    %dma_wait3A_41 = tpu.memref_slice %arg5[%dma_wait3A_40] : memref<32352xf32, #tpu.memory_space<hbm>> -> memref<8064xf32, #tpu.memory_space<hbm>>
    %dma_wait3A_42 = arith.constant 0 : i32
    %dma_wait3A_43 = tpu.memref_slice %arg10[%dma_wait3A_42] : memref<32256xf32, #tpu.memory_space<vmem>> -> memref<8064xf32, #tpu.memory_space<vmem>>
    %dma_wait3A_44 = arith.constant 96 : i32
    %dma_wait3A_45 = tpu.memref_slice %arg5[%dma_wait3A_44] : memref<32352xf32, #tpu.memory_space<hbm>> -> memref<8064xf32, #tpu.memory_space<hbm>>
    tpu.wait_dma2 semaphore(%arg13 : memref<!tpu.dma_semaphore, #tpu.memory_space<semaphore_mem>>) src(%dma_wait3A_45 : memref<8064xf32, #tpu.memory_space<hbm>>) dst(%dma_wait3A_43 : memref<8064xf32, #tpu.memory_space<vmem>>)
    %parallel_loop3A_46 = arith.constant 0 : i32
    %parallel_loop3A_47 = arith.constant 32 : i32
    %parallel_loop3A_48 = arith.constant 1 : i32
    scf.for %parallel_loop3A_82 = %parallel_loop3A_46 to %parallel_loop3A_47 step %parallel_loop3A_48  : i32 {
      %parallel_loop3A_83 = arith.constant 16 : i32
      %parallel_loop3A_84 = arith.muli %parallel_loop3A_82, %parallel_loop3A_83 : i32
      %parallel_loop3A_85 = arith.index_cast %parallel_loop3A_84 : i32 to index
      %parallel_loop3A_86 = tpu.vector_load %arg7[%parallel_loop3A_85] {strides = array<i32>} : memref<512xi32, #tpu.memory_space<vmem>>, vector<16xi32>,
      %parallel_loop3A_87 = arith.constant 1 : i32
      %parallel_loop3A_88 = vector.broadcast %parallel_loop3A_87 : i32 to vector<16xi32>
      %parallel_loop3A_89 = arith.addi %parallel_loop3A_86, %parallel_loop3A_88 : vector<16xi32>
      %parallel_loop3A_90 = arith.constant 0 : i32
      %parallel_loop3A_91 = vector.broadcast %parallel_loop3A_90 : i32 to vector<16xi32>
      %parallel_loop3A_92 = arith.addi %parallel_loop3A_91, %parallel_loop3A_89 : vector<16xi32>
      %parallel_loop3A_93 = tpu.vector_load_idx %arg10[%parallel_loop3A_92] : memref<32256xf32, #tpu.memory_space<vmem>>[vector<16xi32>], vector<16xf32>,
      %parallel_loop3A_94 = arith.constant 16 : i32
      %parallel_loop3A_95 = arith.muli %parallel_loop3A_82, %parallel_loop3A_94 : i32
      %parallel_loop3A_96 = arith.constant 0 : i32
      %parallel_loop3A_97 = arith.index_cast %parallel_loop3A_96 : i32 to index
      %parallel_loop3A_98 = arith.index_cast %parallel_loop3A_95 : i32 to index
      %parallel_loop3A_99 = tpu.vector_load %arg12[%parallel_loop3A_97, %parallel_loop3A_98] {strides = array<i32>} : memref<43x512xf32, #tpu.memory_space<vmem>>, vector<16xf32>,
      tpu.vector_store %arg12[%parallel_loop3A_97, %parallel_loop3A_98], %parallel_loop3A_93 {strides = array<i32>} : memref<43x512xf32, #tpu.memory_space<vmem>>, vector<16xf32>,
      %parallel_loop3A_100 = arith.constant 1008 : i32
      %parallel_loop3A_101 = vector.broadcast %parallel_loop3A_100 : i32 to vector<16xi32>
      %parallel_loop3A_102 = arith.addi %parallel_loop3A_101, %parallel_loop3A_89 : vector<16xi32>
      %parallel_loop3A_103 = tpu.vector_load_idx %arg10[%parallel_loop3A_102] : memref<32256xf32, #tpu.memory_space<vmem>>[vector<16xi32>], vector<16xf32>,
      %parallel_loop3A_104 = arith.constant 16 : i32
      %parallel_loop3A_105 = arith.muli %parallel_loop3A_82, %parallel_loop3A_104 : i32
      %parallel_loop3A_106 = arith.constant 1 : i32
      %parallel_loop3A_107 = arith.index_cast %parallel_loop3A_106 : i32 to index
      %parallel_loop3A_108 = arith.index_cast %parallel_loop3A_105 : i32 to index
      %parallel_loop3A_109 = tpu.vector_load %arg12[%parallel_loop3A_107, %parallel_loop3A_108] {strides = array<i32>} : memref<43x512xf32, #tpu.memory_space<vmem>>, vector<16xf32>,
      tpu.vector_store %arg12[%parallel_loop3A_107, %parallel_loop3A_108], %parallel_loop3A_103 {strides = array<i32>} : memref<43x512xf32, #tpu.memory_space<vmem>>, vector<16xf32>,
      %parallel_loop3A_110 = arith.constant 2016 : i32
      %parallel_loop3A_111 = vector.broadcast %parallel_loop3A_110 : i32 to vector<16xi32>
      %parallel_loop3A_112 = arith.addi %parallel_loop3A_111, %parallel_loop3A_89 : vector<16xi32>
      %parallel_loop3A_113 = tpu.vector_load_idx %arg10[%parallel_loop3A_112] : memref<32256xf32, #tpu.memory_space<vmem>>[vector<16xi32>], vector<16xf32>,
      %parallel_loop3A_114 = arith.constant 16 : i32
      %parallel_loop3A_115 = arith.muli %parallel_loop3A_82, %parallel_loop3A_114 : i32
      %parallel_loop3A_116 = arith.constant 2 : i32
      %parallel_loop3A_117 = arith.index_cast %parallel_loop3A_116 : i32 to index
      %parallel_loop3A_118 = arith.index_cast %parallel_loop3A_115 : i32 to index
      %parallel_loop3A_119 = tpu.vector_load %arg12[%parallel_loop3A_117, %parallel_loop3A_118] {strides = array<i32>} : memref<43x512xf32, #tpu.memory_space<vmem>>, vector<16xf32>,
      tpu.vector_store %arg12[%parallel_loop3A_117, %parallel_loop3A_118], %parallel_loop3A_113 {strides = array<i32>} : memref<43x512xf32, #tpu.memory_space<vmem>>, vector<16xf32>,
      %parallel_loop3A_120 = arith.constant 3024 : i32
      %parallel_loop3A_121 = vector.broadcast %parallel_loop3A_120 : i32 to vector<16xi32>
      %parallel_loop3A_122 = arith.addi %parallel_loop3A_121, %parallel_loop3A_89 : vector<16xi32>
      %parallel_loop3A_123 = tpu.vector_load_idx %arg10[%parallel_loop3A_122] : memref<32256xf32, #tpu.memory_space<vmem>>[vector<16xi32>], vector<16xf32>,
      %parallel_loop3A_124 = arith.constant 16 : i32
      %parallel_loop3A_125 = arith.muli %parallel_loop3A_82, %parallel_loop3A_124 : i32
      %parallel_loop3A_126 = arith.constant 3 : i32
      %parallel_loop3A_127 = arith.index_cast %parallel_loop3A_126 : i32 to index
      %parallel_loop3A_128 = arith.index_cast %parallel_loop3A_125 : i32 to index
      %parallel_loop3A_129 = tpu.vector_load %arg12[%parallel_loop3A_127, %parallel_loop3A_128] {strides = array<i32>} : memref<43x512xf32, #tpu.memory_space<vmem>>, vector<16xf32>,
      tpu.vector_store %arg12[%parallel_loop3A_127, %parallel_loop3A_128], %parallel_loop3A_123 {strides = array<i32>} : memref<43x512xf32, #tpu.memory_space<vmem>>, vector<16xf32>,
      %parallel_loop3A_130 = arith.constant 4032 : i32
      %parallel_loop3A_131 = vector.broadcast %parallel_loop3A_130 : i32 to vector<16xi32>
      %parallel_loop3A_132 = arith.addi %parallel_loop3A_131, %parallel_loop3A_89 : vector<16xi32>
      %parallel_loop3A_133 = tpu.vector_load_idx %arg10[%parallel_loop3A_132] : memref<32256xf32, #tpu.memory_space<vmem>>[vector<16xi32>], vector<16xf32>,
      %parallel_loop3A_134 = arith.constant 16 : i32
      %parallel_loop3A_135 = arith.muli %parallel_loop3A_82, %parallel_loop3A_134 : i32
      %parallel_loop3A_136 = arith.constant 4 : i32
      %parallel_loop3A_137 = arith.index_cast %parallel_loop3A_136 : i32 to index
      %parallel_loop3A_138 = arith.index_cast %parallel_loop3A_135 : i32 to index
      %parallel_loop3A_139 = tpu.vector_load %arg12[%parallel_loop3A_137, %parallel_loop3A_138] {strides = array<i32>} : memref<43x512xf32, #tpu.memory_space<vmem>>, vector<16xf32>,
      tpu.vector_store %arg12[%parallel_loop3A_137, %parallel_loop3A_138], %parallel_loop3A_133 {strides = array<i32>} : memref<43x512xf32, #tpu.memory_space<vmem>>, vector<16xf32>,
      %parallel_loop3A_140 = arith.constant 5040 : i32
      %parallel_loop3A_141 = vector.broadcast %parallel_loop3A_140 : i32 to vector<16xi32>
      %parallel_loop3A_142 = arith.addi %parallel_loop3A_141, %parallel_loop3A_89 : vector<16xi32>
      %parallel_loop3A_143 = tpu.vector_load_idx %arg10[%parallel_loop3A_142] : memref<32256xf32, #tpu.memory_space<vmem>>[vector<16xi32>], vector<16xf32>,
      %parallel_loop3A_144 = arith.constant 16 : i32
      %parallel_loop3A_145 = arith.muli %parallel_loop3A_82, %parallel_loop3A_144 : i32
      %parallel_loop3A_146 = arith.constant 5 : i32
      %parallel_loop3A_147 = arith.index_cast %parallel_loop3A_146 : i32 to index
      %parallel_loop3A_148 = arith.index_cast %parallel_loop3A_145 : i32 to index
      %parallel_loop3A_149 = tpu.vector_load %arg12[%parallel_loop3A_147, %parallel_loop3A_148] {strides = array<i32>} : memref<43x512xf32, #tpu.memory_space<vmem>>, vector<16xf32>,
      tpu.vector_store %arg12[%parallel_loop3A_147, %parallel_loop3A_148], %parallel_loop3A_143 {strides = array<i32>} : memref<43x512xf32, #tpu.memory_space<vmem>>, vector<16xf32>,
      %parallel_loop3A_150 = arith.constant 6048 : i32
      %parallel_loop3A_151 = vector.broadcast %parallel_loop3A_150 : i32 to vector<16xi32>
      %parallel_loop3A_152 = arith.addi %parallel_loop3A_151, %parallel_loop3A_89 : vector<16xi32>
      %parallel_loop3A_153 = tpu.vector_load_idx %arg10[%parallel_loop3A_152] : memref<32256xf32, #tpu.memory_space<vmem>>[vector<16xi32>], vector<16xf32>,
      %parallel_loop3A_154 = arith.constant 16 : i32
      %parallel_loop3A_155 = arith.muli %parallel_loop3A_82, %parallel_loop3A_154 : i32
      %parallel_loop3A_156 = arith.constant 6 : i32
      %parallel_loop3A_157 = arith.index_cast %parallel_loop3A_156 : i32 to index
      %parallel_loop3A_158 = arith.index_cast %parallel_loop3A_155 : i32 to index
      %parallel_loop3A_159 = tpu.vector_load %arg12[%parallel_loop3A_157, %parallel_loop3A_158] {strides = array<i32>} : memref<43x512xf32, #tpu.memory_space<vmem>>, vector<16xf32>,
      tpu.vector_store %arg12[%parallel_loop3A_157, %parallel_loop3A_158], %parallel_loop3A_153 {strides = array<i32>} : memref<43x512xf32, #tpu.memory_space<vmem>>, vector<16xf32>,
      %parallel_loop3A_160 = arith.constant 7056 : i32
      %parallel_loop3A_161 = vector.broadcast %parallel_loop3A_160 : i32 to vector<16xi32>
      %parallel_loop3A_162 = arith.addi %parallel_loop3A_161, %parallel_loop3A_89 : vector<16xi32>
      %parallel_loop3A_163 = tpu.vector_load_idx %arg10[%parallel_loop3A_162] : memref<32256xf32, #tpu.memory_space<vmem>>[vector<16xi32>], vector<16xf32>,
      %parallel_loop3A_164 = arith.constant 16 : i32
      %parallel_loop3A_165 = arith.muli %parallel_loop3A_82, %parallel_loop3A_164 : i32
      %parallel_loop3A_166 = arith.constant 7 : i32
      %parallel_loop3A_167 = arith.index_cast %parallel_loop3A_166 : i32 to index
      %parallel_loop3A_168 = arith.index_cast %parallel_loop3A_165 : i32 to index
      %parallel_loop3A_169 = tpu.vector_load %arg12[%parallel_loop3A_167, %parallel_loop3A_168] {strides = array<i32>} : memref<43x512xf32, #tpu.memory_space<vmem>>, vector<16xf32>,
      tpu.vector_store %arg12[%parallel_loop3A_167, %parallel_loop3A_168], %parallel_loop3A_163 {strides = array<i32>} : memref<43x512xf32, #tpu.memory_space<vmem>>, vector<16xf32>,
    } {sc.loop_unroll_factor = 4 : i64, sc.parallel_access}
    %dma_wait3A_49 = arith.constant 8064 : i32
    %dma_wait3A_50 = tpu.memref_slice %arg10[%dma_wait3A_49] : memref<32256xf32, #tpu.memory_space<vmem>> -> memref<8064xf32, #tpu.memory_space<vmem>>
    %dma_wait3A_51 = arith.constant 8160 : i32
    %dma_wait3A_52 = tpu.memref_slice %arg5[%dma_wait3A_51] : memref<32352xf32, #tpu.memory_space<hbm>> -> memref<8064xf32, #tpu.memory_space<hbm>>
    %dma_wait3A_53 = arith.constant 8064 : i32
    %dma_wait3A_54 = tpu.memref_slice %arg10[%dma_wait3A_53] : memref<32256xf32, #tpu.memory_space<vmem>> -> memref<8064xf32, #tpu.memory_space<vmem>>
    %dma_wait3A_55 = arith.constant 8160 : i32
    %dma_wait3A_56 = tpu.memref_slice %arg5[%dma_wait3A_55] : memref<32352xf32, #tpu.memory_space<hbm>> -> memref<8064xf32, #tpu.memory_space<hbm>>
    tpu.wait_dma2 semaphore(%arg14 : memref<!tpu.dma_semaphore, #tpu.memory_space<semaphore_mem>>) src(%dma_wait3A_56 : memref<8064xf32, #tpu.memory_space<hbm>>) dst(%dma_wait3A_54 : memref<8064xf32, #tpu.memory_space<vmem>>)
    %parallel_loop3A_57 = arith.constant 0 : i32
    %parallel_loop3A_58 = arith.constant 32 : i32
    %parallel_loop3A_59 = arith.constant 1 : i32
    scf.for %parallel_loop3A_82 = %parallel_loop3A_57 to %parallel_loop3A_58 step %parallel_loop3A_59  : i32 {
      %parallel_loop3A_83 = arith.constant 16 : i32
      %parallel_loop3A_84 = arith.muli %parallel_loop3A_82, %parallel_loop3A_83 : i32
      %parallel_loop3A_85 = arith.index_cast %parallel_loop3A_84 : i32 to index
      %parallel_loop3A_86 = tpu.vector_load %arg7[%parallel_loop3A_85] {strides = array<i32>} : memref<512xi32, #tpu.memory_space<vmem>>, vector<16xi32>,
      %parallel_loop3A_87 = arith.constant 1 : i32
      %parallel_loop3A_88 = vector.broadcast %parallel_loop3A_87 : i32 to vector<16xi32>
      %parallel_loop3A_89 = arith.addi %parallel_loop3A_86, %parallel_loop3A_88 : vector<16xi32>
      %parallel_loop3A_90 = arith.constant 8064 : i32
      %parallel_loop3A_91 = vector.broadcast %parallel_loop3A_90 : i32 to vector<16xi32>
      %parallel_loop3A_92 = arith.addi %parallel_loop3A_91, %parallel_loop3A_89 : vector<16xi32>
      %parallel_loop3A_93 = tpu.vector_load_idx %arg10[%parallel_loop3A_92] : memref<32256xf32, #tpu.memory_space<vmem>>[vector<16xi32>], vector<16xf32>,
      %parallel_loop3A_94 = arith.constant 16 : i32
      %parallel_loop3A_95 = arith.muli %parallel_loop3A_82, %parallel_loop3A_94 : i32
      %parallel_loop3A_96 = arith.constant 8 : i32
      %parallel_loop3A_97 = arith.index_cast %parallel_loop3A_96 : i32 to index
      %parallel_loop3A_98 = arith.index_cast %parallel_loop3A_95 : i32 to index
      %parallel_loop3A_99 = tpu.vector_load %arg12[%parallel_loop3A_97, %parallel_loop3A_98] {strides = array<i32>} : memref<43x512xf32, #tpu.memory_space<vmem>>, vector<16xf32>,
      tpu.vector_store %arg12[%parallel_loop3A_97, %parallel_loop3A_98], %parallel_loop3A_93 {strides = array<i32>} : memref<43x512xf32, #tpu.memory_space<vmem>>, vector<16xf32>,
      %parallel_loop3A_100 = arith.constant 9072 : i32
      %parallel_loop3A_101 = vector.broadcast %parallel_loop3A_100 : i32 to vector<16xi32>
      %parallel_loop3A_102 = arith.addi %parallel_loop3A_101, %parallel_loop3A_89 : vector<16xi32>
      %parallel_loop3A_103 = tpu.vector_load_idx %arg10[%parallel_loop3A_102] : memref<32256xf32, #tpu.memory_space<vmem>>[vector<16xi32>], vector<16xf32>,
      %parallel_loop3A_104 = arith.constant 16 : i32
      %parallel_loop3A_105 = arith.muli %parallel_loop3A_82, %parallel_loop3A_104 : i32
      %parallel_loop3A_106 = arith.constant 9 : i32
      %parallel_loop3A_107 = arith.index_cast %parallel_loop3A_106 : i32 to index
      %parallel_loop3A_108 = arith.index_cast %parallel_loop3A_105 : i32 to index
      %parallel_loop3A_109 = tpu.vector_load %arg12[%parallel_loop3A_107, %parallel_loop3A_108] {strides = array<i32>} : memref<43x512xf32, #tpu.memory_space<vmem>>, vector<16xf32>,
      tpu.vector_store %arg12[%parallel_loop3A_107, %parallel_loop3A_108], %parallel_loop3A_103 {strides = array<i32>} : memref<43x512xf32, #tpu.memory_space<vmem>>, vector<16xf32>,
      %parallel_loop3A_110 = arith.constant 10080 : i32
      %parallel_loop3A_111 = vector.broadcast %parallel_loop3A_110 : i32 to vector<16xi32>
      %parallel_loop3A_112 = arith.addi %parallel_loop3A_111, %parallel_loop3A_89 : vector<16xi32>
      %parallel_loop3A_113 = tpu.vector_load_idx %arg10[%parallel_loop3A_112] : memref<32256xf32, #tpu.memory_space<vmem>>[vector<16xi32>], vector<16xf32>,
      %parallel_loop3A_114 = arith.constant 16 : i32
      %parallel_loop3A_115 = arith.muli %parallel_loop3A_82, %parallel_loop3A_114 : i32
      %parallel_loop3A_116 = arith.constant 10 : i32
      %parallel_loop3A_117 = arith.index_cast %parallel_loop3A_116 : i32 to index
      %parallel_loop3A_118 = arith.index_cast %parallel_loop3A_115 : i32 to index
      %parallel_loop3A_119 = tpu.vector_load %arg12[%parallel_loop3A_117, %parallel_loop3A_118] {strides = array<i32>} : memref<43x512xf32, #tpu.memory_space<vmem>>, vector<16xf32>,
      tpu.vector_store %arg12[%parallel_loop3A_117, %parallel_loop3A_118], %parallel_loop3A_113 {strides = array<i32>} : memref<43x512xf32, #tpu.memory_space<vmem>>, vector<16xf32>,
      %parallel_loop3A_120 = arith.constant 11088 : i32
      %parallel_loop3A_121 = vector.broadcast %parallel_loop3A_120 : i32 to vector<16xi32>
      %parallel_loop3A_122 = arith.addi %parallel_loop3A_121, %parallel_loop3A_89 : vector<16xi32>
      %parallel_loop3A_123 = tpu.vector_load_idx %arg10[%parallel_loop3A_122] : memref<32256xf32, #tpu.memory_space<vmem>>[vector<16xi32>], vector<16xf32>,
      %parallel_loop3A_124 = arith.constant 16 : i32
      %parallel_loop3A_125 = arith.muli %parallel_loop3A_82, %parallel_loop3A_124 : i32
      %parallel_loop3A_126 = arith.constant 11 : i32
      %parallel_loop3A_127 = arith.index_cast %parallel_loop3A_126 : i32 to index
      %parallel_loop3A_128 = arith.index_cast %parallel_loop3A_125 : i32 to index
      %parallel_loop3A_129 = tpu.vector_load %arg12[%parallel_loop3A_127, %parallel_loop3A_128] {strides = array<i32>} : memref<43x512xf32, #tpu.memory_space<vmem>>, vector<16xf32>,
      tpu.vector_store %arg12[%parallel_loop3A_127, %parallel_loop3A_128], %parallel_loop3A_123 {strides = array<i32>} : memref<43x512xf32, #tpu.memory_space<vmem>>, vector<16xf32>,
      %parallel_loop3A_130 = arith.constant 12096 : i32
      %parallel_loop3A_131 = vector.broadcast %parallel_loop3A_130 : i32 to vector<16xi32>
      %parallel_loop3A_132 = arith.addi %parallel_loop3A_131, %parallel_loop3A_89 : vector<16xi32>
      %parallel_loop3A_133 = tpu.vector_load_idx %arg10[%parallel_loop3A_132] : memref<32256xf32, #tpu.memory_space<vmem>>[vector<16xi32>], vector<16xf32>,
      %parallel_loop3A_134 = arith.constant 16 : i32
      %parallel_loop3A_135 = arith.muli %parallel_loop3A_82, %parallel_loop3A_134 : i32
      %parallel_loop3A_136 = arith.constant 12 : i32
      %parallel_loop3A_137 = arith.index_cast %parallel_loop3A_136 : i32 to index
      %parallel_loop3A_138 = arith.index_cast %parallel_loop3A_135 : i32 to index
      %parallel_loop3A_139 = tpu.vector_load %arg12[%parallel_loop3A_137, %parallel_loop3A_138] {strides = array<i32>} : memref<43x512xf32, #tpu.memory_space<vmem>>, vector<16xf32>,
      tpu.vector_store %arg12[%parallel_loop3A_137, %parallel_loop3A_138], %parallel_loop3A_133 {strides = array<i32>} : memref<43x512xf32, #tpu.memory_space<vmem>>, vector<16xf32>,
      %parallel_loop3A_140 = arith.constant 13104 : i32
      %parallel_loop3A_141 = vector.broadcast %parallel_loop3A_140 : i32 to vector<16xi32>
      %parallel_loop3A_142 = arith.addi %parallel_loop3A_141, %parallel_loop3A_89 : vector<16xi32>
      %parallel_loop3A_143 = tpu.vector_load_idx %arg10[%parallel_loop3A_142] : memref<32256xf32, #tpu.memory_space<vmem>>[vector<16xi32>], vector<16xf32>,
      %parallel_loop3A_144 = arith.constant 16 : i32
      %parallel_loop3A_145 = arith.muli %parallel_loop3A_82, %parallel_loop3A_144 : i32
      %parallel_loop3A_146 = arith.constant 13 : i32
      %parallel_loop3A_147 = arith.index_cast %parallel_loop3A_146 : i32 to index
      %parallel_loop3A_148 = arith.index_cast %parallel_loop3A_145 : i32 to index
      %parallel_loop3A_149 = tpu.vector_load %arg12[%parallel_loop3A_147, %parallel_loop3A_148] {strides = array<i32>} : memref<43x512xf32, #tpu.memory_space<vmem>>, vector<16xf32>,
      tpu.vector_store %arg12[%parallel_loop3A_147, %parallel_loop3A_148], %parallel_loop3A_143 {strides = array<i32>} : memref<43x512xf32, #tpu.memory_space<vmem>>, vector<16xf32>,
      %parallel_loop3A_150 = arith.constant 14112 : i32
      %parallel_loop3A_151 = vector.broadcast %parallel_loop3A_150 : i32 to vector<16xi32>
      %parallel_loop3A_152 = arith.addi %parallel_loop3A_151, %parallel_loop3A_89 : vector<16xi32>
      %parallel_loop3A_153 = tpu.vector_load_idx %arg10[%parallel_loop3A_152] : memref<32256xf32, #tpu.memory_space<vmem>>[vector<16xi32>], vector<16xf32>,
      %parallel_loop3A_154 = arith.constant 16 : i32
      %parallel_loop3A_155 = arith.muli %parallel_loop3A_82, %parallel_loop3A_154 : i32
      %parallel_loop3A_156 = arith.constant 14 : i32
      %parallel_loop3A_157 = arith.index_cast %parallel_loop3A_156 : i32 to index
      %parallel_loop3A_158 = arith.index_cast %parallel_loop3A_155 : i32 to index
      %parallel_loop3A_159 = tpu.vector_load %arg12[%parallel_loop3A_157, %parallel_loop3A_158] {strides = array<i32>} : memref<43x512xf32, #tpu.memory_space<vmem>>, vector<16xf32>,
      tpu.vector_store %arg12[%parallel_loop3A_157, %parallel_loop3A_158], %parallel_loop3A_153 {strides = array<i32>} : memref<43x512xf32, #tpu.memory_space<vmem>>, vector<16xf32>,
      %parallel_loop3A_160 = arith.constant 15120 : i32
      %parallel_loop3A_161 = vector.broadcast %parallel_loop3A_160 : i32 to vector<16xi32>
      %parallel_loop3A_162 = arith.addi %parallel_loop3A_161, %parallel_loop3A_89 : vector<16xi32>
      %parallel_loop3A_163 = tpu.vector_load_idx %arg10[%parallel_loop3A_162] : memref<32256xf32, #tpu.memory_space<vmem>>[vector<16xi32>], vector<16xf32>,
      %parallel_loop3A_164 = arith.constant 16 : i32
      %parallel_loop3A_165 = arith.muli %parallel_loop3A_82, %parallel_loop3A_164 : i32
      %parallel_loop3A_166 = arith.constant 15 : i32
      %parallel_loop3A_167 = arith.index_cast %parallel_loop3A_166 : i32 to index
      %parallel_loop3A_168 = arith.index_cast %parallel_loop3A_165 : i32 to index
      %parallel_loop3A_169 = tpu.vector_load %arg12[%parallel_loop3A_167, %parallel_loop3A_168] {strides = array<i32>} : memref<43x512xf32, #tpu.memory_space<vmem>>, vector<16xf32>,
      tpu.vector_store %arg12[%parallel_loop3A_167, %parallel_loop3A_168], %parallel_loop3A_163 {strides = array<i32>} : memref<43x512xf32, #tpu.memory_space<vmem>>, vector<16xf32>,
    } {sc.loop_unroll_factor = 4 : i64, sc.parallel_access}
    %dma_wait3A_60 = arith.constant 16128 : i32
    %dma_wait3A_61 = tpu.memref_slice %arg10[%dma_wait3A_60] : memref<32256xf32, #tpu.memory_space<vmem>> -> memref<8064xf32, #tpu.memory_space<vmem>>
    %dma_wait3A_62 = arith.constant 16224 : i32
    %dma_wait3A_63 = tpu.memref_slice %arg5[%dma_wait3A_62] : memref<32352xf32, #tpu.memory_space<hbm>> -> memref<8064xf32, #tpu.memory_space<hbm>>
    %dma_wait3A_64 = arith.constant 16128 : i32
    %dma_wait3A_65 = tpu.memref_slice %arg10[%dma_wait3A_64] : memref<32256xf32, #tpu.memory_space<vmem>> -> memref<8064xf32, #tpu.memory_space<vmem>>
    %dma_wait3A_66 = arith.constant 16224 : i32
    %dma_wait3A_67 = tpu.memref_slice %arg5[%dma_wait3A_66] : memref<32352xf32, #tpu.memory_space<hbm>> -> memref<8064xf32, #tpu.memory_space<hbm>>
    tpu.wait_dma2 semaphore(%arg15 : memref<!tpu.dma_semaphore, #tpu.memory_space<semaphore_mem>>) src(%dma_wait3A_67 : memref<8064xf32, #tpu.memory_space<hbm>>) dst(%dma_wait3A_65 : memref<8064xf32, #tpu.memory_space<vmem>>)
    %parallel_loop3A_68 = arith.constant 0 : i32
    %parallel_loop3A_69 = arith.constant 32 : i32
    %parallel_loop3A_70 = arith.constant 1 : i32
    scf.for %parallel_loop3A_82 = %parallel_loop3A_68 to %parallel_loop3A_69 step %parallel_loop3A_70  : i32 {
      %parallel_loop3A_83 = arith.constant 16 : i32
      %parallel_loop3A_84 = arith.muli %parallel_loop3A_82, %parallel_loop3A_83 : i32
      %parallel_loop3A_85 = arith.index_cast %parallel_loop3A_84 : i32 to index
      %parallel_loop3A_86 = tpu.vector_load %arg7[%parallel_loop3A_85] {strides = array<i32>} : memref<512xi32, #tpu.memory_space<vmem>>, vector<16xi32>,
      %parallel_loop3A_87 = arith.constant 1 : i32
      %parallel_loop3A_88 = vector.broadcast %parallel_loop3A_87 : i32 to vector<16xi32>
      %parallel_loop3A_89 = arith.addi %parallel_loop3A_86, %parallel_loop3A_88 : vector<16xi32>
      %parallel_loop3A_90 = arith.constant 16128 : i32
      %parallel_loop3A_91 = vector.broadcast %parallel_loop3A_90 : i32 to vector<16xi32>
      %parallel_loop3A_92 = arith.addi %parallel_loop3A_91, %parallel_loop3A_89 : vector<16xi32>
      %parallel_loop3A_93 = tpu.vector_load_idx %arg10[%parallel_loop3A_92] : memref<32256xf32, #tpu.memory_space<vmem>>[vector<16xi32>], vector<16xf32>,
      %parallel_loop3A_94 = arith.constant 16 : i32
      %parallel_loop3A_95 = arith.muli %parallel_loop3A_82, %parallel_loop3A_94 : i32
      %parallel_loop3A_96 = arith.constant 16 : i32
      %parallel_loop3A_97 = arith.index_cast %parallel_loop3A_96 : i32 to index
      %parallel_loop3A_98 = arith.index_cast %parallel_loop3A_95 : i32 to index
      %parallel_loop3A_99 = tpu.vector_load %arg12[%parallel_loop3A_97, %parallel_loop3A_98] {strides = array<i32>} : memref<43x512xf32, #tpu.memory_space<vmem>>, vector<16xf32>,
      tpu.vector_store %arg12[%parallel_loop3A_97, %parallel_loop3A_98], %parallel_loop3A_93 {strides = array<i32>} : memref<43x512xf32, #tpu.memory_space<vmem>>, vector<16xf32>,
      %parallel_loop3A_100 = arith.constant 17136 : i32
      %parallel_loop3A_101 = vector.broadcast %parallel_loop3A_100 : i32 to vector<16xi32>
      %parallel_loop3A_102 = arith.addi %parallel_loop3A_101, %parallel_loop3A_89 : vector<16xi32>
      %parallel_loop3A_103 = tpu.vector_load_idx %arg10[%parallel_loop3A_102] : memref<32256xf32, #tpu.memory_space<vmem>>[vector<16xi32>], vector<16xf32>,
      %parallel_loop3A_104 = arith.constant 16 : i32
      %parallel_loop3A_105 = arith.muli %parallel_loop3A_82, %parallel_loop3A_104 : i32
      %parallel_loop3A_106 = arith.constant 17 : i32
      %parallel_loop3A_107 = arith.index_cast %parallel_loop3A_106 : i32 to index
      %parallel_loop3A_108 = arith.index_cast %parallel_loop3A_105 : i32 to index
      %parallel_loop3A_109 = tpu.vector_load %arg12[%parallel_loop3A_107, %parallel_loop3A_108] {strides = array<i32>} : memref<43x512xf32, #tpu.memory_space<vmem>>, vector<16xf32>,
      tpu.vector_store %arg12[%parallel_loop3A_107, %parallel_loop3A_108], %parallel_loop3A_103 {strides = array<i32>} : memref<43x512xf32, #tpu.memory_space<vmem>>, vector<16xf32>,
      %parallel_loop3A_110 = arith.constant 18144 : i32
      %parallel_loop3A_111 = vector.broadcast %parallel_loop3A_110 : i32 to vector<16xi32>
      %parallel_loop3A_112 = arith.addi %parallel_loop3A_111, %parallel_loop3A_89 : vector<16xi32>
      %parallel_loop3A_113 = tpu.vector_load_idx %arg10[%parallel_loop3A_112] : memref<32256xf32, #tpu.memory_space<vmem>>[vector<16xi32>], vector<16xf32>,
      %parallel_loop3A_114 = arith.constant 16 : i32
      %parallel_loop3A_115 = arith.muli %parallel_loop3A_82, %parallel_loop3A_114 : i32
      %parallel_loop3A_116 = arith.constant 18 : i32
      %parallel_loop3A_117 = arith.index_cast %parallel_loop3A_116 : i32 to index
      %parallel_loop3A_118 = arith.index_cast %parallel_loop3A_115 : i32 to index
      %parallel_loop3A_119 = tpu.vector_load %arg12[%parallel_loop3A_117, %parallel_loop3A_118] {strides = array<i32>} : memref<43x512xf32, #tpu.memory_space<vmem>>, vector<16xf32>,
      tpu.vector_store %arg12[%parallel_loop3A_117, %parallel_loop3A_118], %parallel_loop3A_113 {strides = array<i32>} : memref<43x512xf32, #tpu.memory_space<vmem>>, vector<16xf32>,
      %parallel_loop3A_120 = arith.constant 19152 : i32
      %parallel_loop3A_121 = vector.broadcast %parallel_loop3A_120 : i32 to vector<16xi32>
      %parallel_loop3A_122 = arith.addi %parallel_loop3A_121, %parallel_loop3A_89 : vector<16xi32>
      %parallel_loop3A_123 = tpu.vector_load_idx %arg10[%parallel_loop3A_122] : memref<32256xf32, #tpu.memory_space<vmem>>[vector<16xi32>], vector<16xf32>,
      %parallel_loop3A_124 = arith.constant 16 : i32
      %parallel_loop3A_125 = arith.muli %parallel_loop3A_82, %parallel_loop3A_124 : i32
      %parallel_loop3A_126 = arith.constant 19 : i32
      %parallel_loop3A_127 = arith.index_cast %parallel_loop3A_126 : i32 to index
      %parallel_loop3A_128 = arith.index_cast %parallel_loop3A_125 : i32 to index
      %parallel_loop3A_129 = tpu.vector_load %arg12[%parallel_loop3A_127, %parallel_loop3A_128] {strides = array<i32>} : memref<43x512xf32, #tpu.memory_space<vmem>>, vector<16xf32>,
      tpu.vector_store %arg12[%parallel_loop3A_127, %parallel_loop3A_128], %parallel_loop3A_123 {strides = array<i32>} : memref<43x512xf32, #tpu.memory_space<vmem>>, vector<16xf32>,
      %parallel_loop3A_130 = arith.constant 20160 : i32
      %parallel_loop3A_131 = vector.broadcast %parallel_loop3A_130 : i32 to vector<16xi32>
      %parallel_loop3A_132 = arith.addi %parallel_loop3A_131, %parallel_loop3A_89 : vector<16xi32>
      %parallel_loop3A_133 = tpu.vector_load_idx %arg10[%parallel_loop3A_132] : memref<32256xf32, #tpu.memory_space<vmem>>[vector<16xi32>], vector<16xf32>,
      %parallel_loop3A_134 = arith.constant 16 : i32
      %parallel_loop3A_135 = arith.muli %parallel_loop3A_82, %parallel_loop3A_134 : i32
      %parallel_loop3A_136 = arith.constant 20 : i32
      %parallel_loop3A_137 = arith.index_cast %parallel_loop3A_136 : i32 to index
      %parallel_loop3A_138 = arith.index_cast %parallel_loop3A_135 : i32 to index
      %parallel_loop3A_139 = tpu.vector_load %arg12[%parallel_loop3A_137, %parallel_loop3A_138] {strides = array<i32>} : memref<43x512xf32, #tpu.memory_space<vmem>>, vector<16xf32>,
      tpu.vector_store %arg12[%parallel_loop3A_137, %parallel_loop3A_138], %parallel_loop3A_133 {strides = array<i32>} : memref<43x512xf32, #tpu.memory_space<vmem>>, vector<16xf32>,
      %parallel_loop3A_140 = arith.constant 21168 : i32
      %parallel_loop3A_141 = vector.broadcast %parallel_loop3A_140 : i32 to vector<16xi32>
      %parallel_loop3A_142 = arith.addi %parallel_loop3A_141, %parallel_loop3A_89 : vector<16xi32>
      %parallel_loop3A_143 = tpu.vector_load_idx %arg10[%parallel_loop3A_142] : memref<32256xf32, #tpu.memory_space<vmem>>[vector<16xi32>], vector<16xf32>,
      %parallel_loop3A_144 = arith.constant 16 : i32
      %parallel_loop3A_145 = arith.muli %parallel_loop3A_82, %parallel_loop3A_144 : i32
      %parallel_loop3A_146 = arith.constant 21 : i32
      %parallel_loop3A_147 = arith.index_cast %parallel_loop3A_146 : i32 to index
      %parallel_loop3A_148 = arith.index_cast %parallel_loop3A_145 : i32 to index
      %parallel_loop3A_149 = tpu.vector_load %arg12[%parallel_loop3A_147, %parallel_loop3A_148] {strides = array<i32>} : memref<43x512xf32, #tpu.memory_space<vmem>>, vector<16xf32>,
      tpu.vector_store %arg12[%parallel_loop3A_147, %parallel_loop3A_148], %parallel_loop3A_143 {strides = array<i32>} : memref<43x512xf32, #tpu.memory_space<vmem>>, vector<16xf32>,
      %parallel_loop3A_150 = arith.constant 22176 : i32
      %parallel_loop3A_151 = vector.broadcast %parallel_loop3A_150 : i32 to vector<16xi32>
      %parallel_loop3A_152 = arith.addi %parallel_loop3A_151, %parallel_loop3A_89 : vector<16xi32>
      %parallel_loop3A_153 = tpu.vector_load_idx %arg10[%parallel_loop3A_152] : memref<32256xf32, #tpu.memory_space<vmem>>[vector<16xi32>], vector<16xf32>,
      %parallel_loop3A_154 = arith.constant 16 : i32
      %parallel_loop3A_155 = arith.muli %parallel_loop3A_82, %parallel_loop3A_154 : i32
      %parallel_loop3A_156 = arith.constant 22 : i32
      %parallel_loop3A_157 = arith.index_cast %parallel_loop3A_156 : i32 to index
      %parallel_loop3A_158 = arith.index_cast %parallel_loop3A_155 : i32 to index
      %parallel_loop3A_159 = tpu.vector_load %arg12[%parallel_loop3A_157, %parallel_loop3A_158] {strides = array<i32>} : memref<43x512xf32, #tpu.memory_space<vmem>>, vector<16xf32>,
      tpu.vector_store %arg12[%parallel_loop3A_157, %parallel_loop3A_158], %parallel_loop3A_153 {strides = array<i32>} : memref<43x512xf32, #tpu.memory_space<vmem>>, vector<16xf32>,
      %parallel_loop3A_160 = arith.constant 23184 : i32
      %parallel_loop3A_161 = vector.broadcast %parallel_loop3A_160 : i32 to vector<16xi32>
      %parallel_loop3A_162 = arith.addi %parallel_loop3A_161, %parallel_loop3A_89 : vector<16xi32>
      %parallel_loop3A_163 = tpu.vector_load_idx %arg10[%parallel_loop3A_162] : memref<32256xf32, #tpu.memory_space<vmem>>[vector<16xi32>], vector<16xf32>,
      %parallel_loop3A_164 = arith.constant 16 : i32
      %parallel_loop3A_165 = arith.muli %parallel_loop3A_82, %parallel_loop3A_164 : i32
      %parallel_loop3A_166 = arith.constant 23 : i32
      %parallel_loop3A_167 = arith.index_cast %parallel_loop3A_166 : i32 to index
      %parallel_loop3A_168 = arith.index_cast %parallel_loop3A_165 : i32 to index
      %parallel_loop3A_169 = tpu.vector_load %arg12[%parallel_loop3A_167, %parallel_loop3A_168] {strides = array<i32>} : memref<43x512xf32, #tpu.memory_space<vmem>>, vector<16xf32>,
      tpu.vector_store %arg12[%parallel_loop3A_167, %parallel_loop3A_168], %parallel_loop3A_163 {strides = array<i32>} : memref<43x512xf32, #tpu.memory_space<vmem>>, vector<16xf32>,
    } {sc.loop_unroll_factor = 4 : i64, sc.parallel_access}
    %dma_wait3A_71 = arith.constant 24192 : i32
    %dma_wait3A_72 = tpu.memref_slice %arg10[%dma_wait3A_71] : memref<32256xf32, #tpu.memory_space<vmem>> -> memref<8064xf32, #tpu.memory_space<vmem>>
    %dma_wait3A_73 = arith.constant 24288 : i32
    %dma_wait3A_74 = tpu.memref_slice %arg5[%dma_wait3A_73] : memref<32352xf32, #tpu.memory_space<hbm>> -> memref<8064xf32, #tpu.memory_space<hbm>>
    %dma_wait3A_75 = arith.constant 24192 : i32
    %dma_wait3A_76 = tpu.memref_slice %arg10[%dma_wait3A_75] : memref<32256xf32, #tpu.memory_space<vmem>> -> memref<8064xf32, #tpu.memory_space<vmem>>
    %dma_wait3A_77 = arith.constant 24288 : i32
    %dma_wait3A_78 = tpu.memref_slice %arg5[%dma_wait3A_77] : memref<32352xf32, #tpu.memory_space<hbm>> -> memref<8064xf32, #tpu.memory_space<hbm>>
    tpu.wait_dma2 semaphore(%arg16 : memref<!tpu.dma_semaphore, #tpu.memory_space<semaphore_mem>>) src(%dma_wait3A_78 : memref<8064xf32, #tpu.memory_space<hbm>>) dst(%dma_wait3A_76 : memref<8064xf32, #tpu.memory_space<vmem>>)
    %parallel_loop3A_79 = arith.constant 0 : i32
    %parallel_loop3A_80 = arith.constant 32 : i32
    %parallel_loop3A_81 = arith.constant 1 : i32
    scf.for %parallel_loop3A_82 = %parallel_loop3A_79 to %parallel_loop3A_80 step %parallel_loop3A_81  : i32 {
      %parallel_loop3A_83 = arith.constant 16 : i32
      %parallel_loop3A_84 = arith.muli %parallel_loop3A_82, %parallel_loop3A_83 : i32
      %parallel_loop3A_85 = arith.index_cast %parallel_loop3A_84 : i32 to index
      %parallel_loop3A_86 = tpu.vector_load %arg7[%parallel_loop3A_85] {strides = array<i32>} : memref<512xi32, #tpu.memory_space<vmem>>, vector<16xi32>,
      %parallel_loop3A_87 = arith.constant 1 : i32
      %parallel_loop3A_88 = vector.broadcast %parallel_loop3A_87 : i32 to vector<16xi32>
      %parallel_loop3A_89 = arith.addi %parallel_loop3A_86, %parallel_loop3A_88 : vector<16xi32>
      %parallel_loop3A_90 = arith.constant 24192 : i32
      %parallel_loop3A_91 = vector.broadcast %parallel_loop3A_90 : i32 to vector<16xi32>
      %parallel_loop3A_92 = arith.addi %parallel_loop3A_91, %parallel_loop3A_89 : vector<16xi32>
      %parallel_loop3A_93 = tpu.vector_load_idx %arg10[%parallel_loop3A_92] : memref<32256xf32, #tpu.memory_space<vmem>>[vector<16xi32>], vector<16xf32>,
      %parallel_loop3A_94 = arith.constant 16 : i32
      %parallel_loop3A_95 = arith.muli %parallel_loop3A_82, %parallel_loop3A_94 : i32
      %parallel_loop3A_96 = arith.constant 24 : i32
      %parallel_loop3A_97 = arith.index_cast %parallel_loop3A_96 : i32 to index
      %parallel_loop3A_98 = arith.index_cast %parallel_loop3A_95 : i32 to index
      %parallel_loop3A_99 = tpu.vector_load %arg12[%parallel_loop3A_97, %parallel_loop3A_98] {strides = array<i32>} : memref<43x512xf32, #tpu.memory_space<vmem>>, vector<16xf32>,
      tpu.vector_store %arg12[%parallel_loop3A_97, %parallel_loop3A_98], %parallel_loop3A_93 {strides = array<i32>} : memref<43x512xf32, #tpu.memory_space<vmem>>, vector<16xf32>,
      %parallel_loop3A_100 = arith.constant 25200 : i32
      %parallel_loop3A_101 = vector.broadcast %parallel_loop3A_100 : i32 to vector<16xi32>
      %parallel_loop3A_102 = arith.addi %parallel_loop3A_101, %parallel_loop3A_89 : vector<16xi32>
      %parallel_loop3A_103 = tpu.vector_load_idx %arg10[%parallel_loop3A_102] : memref<32256xf32, #tpu.memory_space<vmem>>[vector<16xi32>], vector<16xf32>,
      %parallel_loop3A_104 = arith.constant 16 : i32
      %parallel_loop3A_105 = arith.muli %parallel_loop3A_82, %parallel_loop3A_104 : i32
      %parallel_loop3A_106 = arith.constant 25 : i32
      %parallel_loop3A_107 = arith.index_cast %parallel_loop3A_106 : i32 to index
      %parallel_loop3A_108 = arith.index_cast %parallel_loop3A_105 : i32 to index
      %parallel_loop3A_109 = tpu.vector_load %arg12[%parallel_loop3A_107, %parallel_loop3A_108] {strides = array<i32>} : memref<43x512xf32, #tpu.memory_space<vmem>>, vector<16xf32>,
      tpu.vector_store %arg12[%parallel_loop3A_107, %parallel_loop3A_108], %parallel_loop3A_103 {strides = array<i32>} : memref<43x512xf32, #tpu.memory_space<vmem>>, vector<16xf32>,
      %parallel_loop3A_110 = arith.constant 26208 : i32
      %parallel_loop3A_111 = vector.broadcast %parallel_loop3A_110 : i32 to vector<16xi32>
      %parallel_loop3A_112 = arith.addi %parallel_loop3A_111, %parallel_loop3A_89 : vector<16xi32>
      %parallel_loop3A_113 = tpu.vector_load_idx %arg10[%parallel_loop3A_112] : memref<32256xf32, #tpu.memory_space<vmem>>[vector<16xi32>], vector<16xf32>,
      %parallel_loop3A_114 = arith.constant 16 : i32
      %parallel_loop3A_115 = arith.muli %parallel_loop3A_82, %parallel_loop3A_114 : i32
      %parallel_loop3A_116 = arith.constant 26 : i32
      %parallel_loop3A_117 = arith.index_cast %parallel_loop3A_116 : i32 to index
      %parallel_loop3A_118 = arith.index_cast %parallel_loop3A_115 : i32 to index
      %parallel_loop3A_119 = tpu.vector_load %arg12[%parallel_loop3A_117, %parallel_loop3A_118] {strides = array<i32>} : memref<43x512xf32, #tpu.memory_space<vmem>>, vector<16xf32>,
      tpu.vector_store %arg12[%parallel_loop3A_117, %parallel_loop3A_118], %parallel_loop3A_113 {strides = array<i32>} : memref<43x512xf32, #tpu.memory_space<vmem>>, vector<16xf32>,
      %parallel_loop3A_120 = arith.constant 27216 : i32
      %parallel_loop3A_121 = vector.broadcast %parallel_loop3A_120 : i32 to vector<16xi32>
      %parallel_loop3A_122 = arith.addi %parallel_loop3A_121, %parallel_loop3A_89 : vector<16xi32>
      %parallel_loop3A_123 = tpu.vector_load_idx %arg10[%parallel_loop3A_122] : memref<32256xf32, #tpu.memory_space<vmem>>[vector<16xi32>], vector<16xf32>,
      %parallel_loop3A_124 = arith.constant 16 : i32
      %parallel_loop3A_125 = arith.muli %parallel_loop3A_82, %parallel_loop3A_124 : i32
      %parallel_loop3A_126 = arith.constant 27 : i32
      %parallel_loop3A_127 = arith.index_cast %parallel_loop3A_126 : i32 to index
      %parallel_loop3A_128 = arith.index_cast %parallel_loop3A_125 : i32 to index
      %parallel_loop3A_129 = tpu.vector_load %arg12[%parallel_loop3A_127, %parallel_loop3A_128] {strides = array<i32>} : memref<43x512xf32, #tpu.memory_space<vmem>>, vector<16xf32>,
      tpu.vector_store %arg12[%parallel_loop3A_127, %parallel_loop3A_128], %parallel_loop3A_123 {strides = array<i32>} : memref<43x512xf32, #tpu.memory_space<vmem>>, vector<16xf32>,
      %parallel_loop3A_130 = arith.constant 28224 : i32
      %parallel_loop3A_131 = vector.broadcast %parallel_loop3A_130 : i32 to vector<16xi32>
      %parallel_loop3A_132 = arith.addi %parallel_loop3A_131, %parallel_loop3A_89 : vector<16xi32>
      %parallel_loop3A_133 = tpu.vector_load_idx %arg10[%parallel_loop3A_132] : memref<32256xf32, #tpu.memory_space<vmem>>[vector<16xi32>], vector<16xf32>,
      %parallel_loop3A_134 = arith.constant 16 : i32
      %parallel_loop3A_135 = arith.muli %parallel_loop3A_82, %parallel_loop3A_134 : i32
      %parallel_loop3A_136 = arith.constant 28 : i32
      %parallel_loop3A_137 = arith.index_cast %parallel_loop3A_136 : i32 to index
      %parallel_loop3A_138 = arith.index_cast %parallel_loop3A_135 : i32 to index
      %parallel_loop3A_139 = tpu.vector_load %arg12[%parallel_loop3A_137, %parallel_loop3A_138] {strides = array<i32>} : memref<43x512xf32, #tpu.memory_space<vmem>>, vector<16xf32>,
      tpu.vector_store %arg12[%parallel_loop3A_137, %parallel_loop3A_138], %parallel_loop3A_133 {strides = array<i32>} : memref<43x512xf32, #tpu.memory_space<vmem>>, vector<16xf32>,
      %parallel_loop3A_140 = arith.constant 29232 : i32
      %parallel_loop3A_141 = vector.broadcast %parallel_loop3A_140 : i32 to vector<16xi32>
      %parallel_loop3A_142 = arith.addi %parallel_loop3A_141, %parallel_loop3A_89 : vector<16xi32>
      %parallel_loop3A_143 = tpu.vector_load_idx %arg10[%parallel_loop3A_142] : memref<32256xf32, #tpu.memory_space<vmem>>[vector<16xi32>], vector<16xf32>,
      %parallel_loop3A_144 = arith.constant 16 : i32
      %parallel_loop3A_145 = arith.muli %parallel_loop3A_82, %parallel_loop3A_144 : i32
      %parallel_loop3A_146 = arith.constant 29 : i32
      %parallel_loop3A_147 = arith.index_cast %parallel_loop3A_146 : i32 to index
      %parallel_loop3A_148 = arith.index_cast %parallel_loop3A_145 : i32 to index
      %parallel_loop3A_149 = tpu.vector_load %arg12[%parallel_loop3A_147, %parallel_loop3A_148] {strides = array<i32>} : memref<43x512xf32, #tpu.memory_space<vmem>>, vector<16xf32>,
      tpu.vector_store %arg12[%parallel_loop3A_147, %parallel_loop3A_148], %parallel_loop3A_143 {strides = array<i32>} : memref<43x512xf32, #tpu.memory_space<vmem>>, vector<16xf32>,
      %parallel_loop3A_150 = arith.constant 30240 : i32
      %parallel_loop3A_151 = vector.broadcast %parallel_loop3A_150 : i32 to vector<16xi32>
      %parallel_loop3A_152 = arith.addi %parallel_loop3A_151, %parallel_loop3A_89 : vector<16xi32>
      %parallel_loop3A_153 = tpu.vector_load_idx %arg10[%parallel_loop3A_152] : memref<32256xf32, #tpu.memory_space<vmem>>[vector<16xi32>], vector<16xf32>,
      %parallel_loop3A_154 = arith.constant 16 : i32
      %parallel_loop3A_155 = arith.muli %parallel_loop3A_82, %parallel_loop3A_154 : i32
      %parallel_loop3A_156 = arith.constant 30 : i32
      %parallel_loop3A_157 = arith.index_cast %parallel_loop3A_156 : i32 to index
      %parallel_loop3A_158 = arith.index_cast %parallel_loop3A_155 : i32 to index
      %parallel_loop3A_159 = tpu.vector_load %arg12[%parallel_loop3A_157, %parallel_loop3A_158] {strides = array<i32>} : memref<43x512xf32, #tpu.memory_space<vmem>>, vector<16xf32>,
      tpu.vector_store %arg12[%parallel_loop3A_157, %parallel_loop3A_158], %parallel_loop3A_153 {strides = array<i32>} : memref<43x512xf32, #tpu.memory_space<vmem>>, vector<16xf32>,
      %parallel_loop3A_160 = arith.constant 31248 : i32
      %parallel_loop3A_161 = vector.broadcast %parallel_loop3A_160 : i32 to vector<16xi32>
      %parallel_loop3A_162 = arith.addi %parallel_loop3A_161, %parallel_loop3A_89 : vector<16xi32>
      %parallel_loop3A_163 = tpu.vector_load_idx %arg10[%parallel_loop3A_162] : memref<32256xf32, #tpu.memory_space<vmem>>[vector<16xi32>], vector<16xf32>,
      %parallel_loop3A_164 = arith.constant 16 : i32
      %parallel_loop3A_165 = arith.muli %parallel_loop3A_82, %parallel_loop3A_164 : i32
      %parallel_loop3A_166 = arith.constant 31 : i32
      %parallel_loop3A_167 = arith.index_cast %parallel_loop3A_166 : i32 to index
      %parallel_loop3A_168 = arith.index_cast %parallel_loop3A_165 : i32 to index
      %parallel_loop3A_169 = tpu.vector_load %arg12[%parallel_loop3A_167, %parallel_loop3A_168] {strides = array<i32>} : memref<43x512xf32, #tpu.memory_space<vmem>>, vector<16xf32>,
      tpu.vector_store %arg12[%parallel_loop3A_167, %parallel_loop3A_168], %parallel_loop3A_163 {strides = array<i32>} : memref<43x512xf32, #tpu.memory_space<vmem>>, vector<16xf32>,
    } {sc.loop_unroll_factor = 4 : i64, sc.parallel_access}
    "tpu.region"() ({
      %run_scoped3A = tpu.sem_alloc : memref<!tpu.dma_semaphore, #tpu.memory_space<semaphore_mem>>
      %dma_start3A_82 = arith.constant 0 : i32
      %dma_start3A_83 = tpu.memref_slice %arg6[%dma_start3A_82, %mul3A_2] : memref<43x16384xf32, #tpu.memory_space<hbm>> -> memref<43x512xf32, #tpu.memory_space<hbm>>
      %dma_start3A_84 = arith.constant 0 : i32
      %dma_start3A_85 = tpu.memref_slice %arg6[%dma_start3A_84, %mul3A_2] : memref<43x16384xf32, #tpu.memory_space<hbm>> -> memref<43x512xf32, #tpu.memory_space<hbm>>
      tpu.enqueue_dma source(%arg12 : memref<43x512xf32, #tpu.memory_space<vmem>>) target(%dma_start3A_85 : memref<43x512xf32, #tpu.memory_space<hbm>>) target_semaphore(%run_scoped3A : memref<!tpu.dma_semaphore, #tpu.memory_space<semaphore_mem>>)
      %dma_wait3A_86 = arith.constant 0 : i32
      %dma_wait3A_87 = tpu.memref_slice %arg6[%dma_wait3A_86, %mul3A_2] : memref<43x16384xf32, #tpu.memory_space<hbm>> -> memref<43x512xf32, #tpu.memory_space<hbm>>
      %dma_wait3A_88 = arith.constant 0 : i32
      %dma_wait3A_89 = tpu.memref_slice %arg6[%dma_wait3A_88, %mul3A_2] : memref<43x16384xf32, #tpu.memory_space<hbm>> -> memref<43x512xf32, #tpu.memory_space<hbm>>
      tpu.wait_dma2 semaphore(%run_scoped3A : memref<!tpu.dma_semaphore, #tpu.memory_space<semaphore_mem>>) src(%arg12 : memref<43x512xf32, #tpu.memory_space<vmem>>) dst(%dma_wait3A_89 : memref<43x512xf32, #tpu.memory_space<hbm>>)
      tpu.yield
    }) : () -> ()
    return
  }
}

</mosaic_0001>

<sc_bundles>
// kernel: kernel.3.cloned.1.call-start
scs
__scs_entry_jumppad:
0x0: {  	(pc) =	sbr.rel $0x88, $3  }
0x1: {  	(tag) =	ssettag $0x0;
	lr =	simm.s32 $0x1  }
0x2: {  	[smem:$0x3F9C] =	sst lr;
	_ =	strace $0xD0000000  }
0x3: {  	_ = 	snop  }
0x4: {  	_ = 	snop  }
0x5: {  	_ = 	snop  }
0x6: {  	_ = 	snop  }
0x7: {  	_ = 	snop  }
__scs_overlays_trampoline_lowered:
0x8: {  	[smem:$0x3FAB] =	sst s0  }
0x9: {  	[smem:$0x3FAC] =	sst s1  }
0xa: {  	[smem:$0x3FAD] =	sst s2  }
0xb: {  	[smem:$0x3FAE] =	sst s3  }
0xc: {  	[smem:$0x3FAF] =	sst s4  }
0xd: {  	[smem:$0x3FB0] =	sst s5  }
0xe: {  	[smem:$0x3FB1] =	sst s6  }
0xf: {  	[smem:$0x3FB2] =	sst s7  }
0x10: {  	[smem:$0x3FB3] =	sst s8  }
0x11: {  	[smem:$0x3FB4] =	sst s9;
	s0 =	simm.s32 @!p0 $0x0  }
0x12: {  	s1 =	sld [smem:$0x3F9A];
	s0 =	simm.s32 @p0 $0x1  }
0x13: {  	[smem:$0x3FB5] =	sst s0;
	s0 =	simm.s32 @!p1 $0x0  }
0x14: {  	s2 =	sld [smem:$0x3F99];
	s0 =	simm.s32 @p1 $0x1  }
0x15: {  	[smem:$0x3FB6] =	sst s0;
	s0 =	simm.s32 @!p2 $0x0  }
0x16: {  	s3 =	sld [smem:$0x3FDB];
	s0 =	simm.s32 @p2 $0x1  }
0x17: {  	s4 =	simm.s32 $0x1BF5;
	[smem:$0x3FB8] =	sst s0  }
0x18: {  	s0 =	sld [smem:$0x3F9B];
	_ =	swait.ge [sflag:s4], $0x0  }
0x19: {  	s7 =	sld [smem:$0x3F9C]  }
0x1a: {  	s8 =	sadd.s32 $0xFFFFE003, lr  }
0x1b: {  	s9 =	sadd.s32 $0xFFFFFEF7, lr;
	s5 =	simm.s32 $0xFFFFFFFF;
	p2 =	slt.u32 s8, $0xFFFFF086  }
0x1c: {  	p1 =	slt.u32 s9, $0xF7A;
	s5 =	simm.s32 @!p2 $0x0  }
0x1d: {  	s5 =	simm.s32 @p1 $0x1;
	p0 =	seq.s32 s7, s2  }
0x1e: {  	s7 =	smul.u32 @!p0 $0xF7A, s2;
	p2 =	seq.s32 @!p0 s5, $0x0  }
0x1f: {  	s9 =	smul.u32 $0xF7A, s1;
	s8 =	simm.s32 @!p0 $0x1BF5;
	p2 =	por !p2, p0  }
0x20: {  	[sflag:s8] =	ssyncset.s32 @!p0 $0xFFFFF086;
	s6 =	sadd.s32 @!p0 s3, s7;
	s7 =	simm.s32 @!p0 $0x108  }
0x21: {  	s3 =	sadd.s32 s3, s9;
	s6 =	sadd.s32 @!p0 $0x88, s6;
	s7 =	simm.s32 @p2 $0x1082  }
0x22: {  	[simem:s7], [sflag:s8] =	dma.local @!p0 [hbm:s6], $0xF7A  }
0x23: {  	s9 =	sor.u32 $0xD0000000, s2;
	s6 =	simm.s32 $0x108;
	_ =	swait.ge @!p0 [sflag:s8], $0x0  }
0x24: {  	s3 =	sadd.s32 $0x88, s3;
	s6 =	simm.s32 @!p1 $0x1082;
	[sflag:s4] =	ssyncset.s32 $0xFFFFF086  }
0x25: {  	[simem:s6], [sflag:s4] =	dma.local [hbm:s3], $0xF7A  }
0x26: {  	[smem:$0x3F9C] =	sst s1;
	(tag) =	ssettag s2;
	_ =	strace s9  }
0x27: {  	s1 =	sld [smem:$0x3FAC]  }
0x28: {  	s2 =	sld [smem:$0x3FAD]  }
0x29: {  	s4 =	sld [smem:$0x3FAF]  }
0x2a: {  	p0 =	seq.s32 s5, $0x0;
	s5 =	sld [smem:$0x3FB0]  }
0x2b: {  	s6 =	sld [smem:$0x3FB1]  }
0x2c: {  	s7 =	sld [smem:$0x3FB2]  }
0x2d: {  	s3 =	simm.s32 $0x108;
	s8 =	sld [smem:$0x3FB3]  }
0x2e: {  	s3 =	simm.s32 @!p0 $0x1082;
	s9 =	sld [smem:$0x3FB4]  }
0x2f: {  	lr =	sadd.s32 s0, s3;
	s0 =	sld [smem:$0x3FAB]  }
0x30: {  	s3 =	sld [smem:$0x3FAE]  }
0x31: {  	[smem:$0x3FB7] =	sst s10  }
0x32: {  	s10 =	sld [smem:$0x3FB5];
	_ =	sdelay $0x3  }
0x33: {  	p0 =	seq.s32 s10, $0x1;
	s10 =	sld [smem:$0x3FB7];
	_ =	sdelay $0x3  }
0x34: {  	[smem:$0x3FB7] =	sst s10  }
0x35: {  	s10 =	sld [smem:$0x3FB6];
	_ =	sdelay $0x3  }
0x36: {  	p1 =	seq.s32 s10, $0x1;
	s10 =	sld [smem:$0x3FB7];
	_ =	sdelay $0x3  }
0x37: {  	[smem:$0x3FB7] =	sst s10  }
0x38: {  	s10 =	sld [smem:$0x3FB8]  }
0x39: {  	_ = 	snop;
	(pc) =	sbr.ind lr, $3  }
0x3a: {  	_ = 	snop  }
0x3b: {  	_ = 	snop  }
0x3c: {  	p2 =	seq.s32 s10, $0x1;
	s10 =	sld [smem:$0x3FB7]  }
0x3d: {  	_ =	shalt  }
0x3e: {  	_ =	shalt  }
0x3f: {  	_ =	shalt  }
0x40: {  	_ =	shalt  }
0x41: {  	_ =	shalt  }
0x42: {  	_ =	shalt  }
0x43: {  	_ =	shalt  }
0x44: {  	_ =	shalt  }
0x45: {  	_ =	shalt  }
0x46: {  	_ =	shalt  }
0x47: {  	_ =	shalt  }
0x48: {  	_ =	shalt  }
0x49: {  	_ =	shalt  }
0x4a: {  	_ =	shalt  }
0x4b: {  	_ =	shalt  }
0x4c: {  	_ =	shalt  }
0x4d: {  	_ =	shalt  }
0x4e: {  	_ =	shalt  }
0x4f: {  	_ =	shalt  }
0x50: {  	_ =	shalt  }
0x51: {  	_ =	shalt  }
0x52: {  	_ =	shalt  }
0x53: {  	_ =	shalt  }
0x54: {  	_ =	shalt  }
0x55: {  	_ =	shalt  }
0x56: {  	_ =	shalt  }
0x57: {  	_ =	shalt  }
0x58: {  	_ =	shalt  }
0x59: {  	_ =	shalt  }
0x5a: {  	_ =	shalt  }
0x5b: {  	_ =	shalt  }
0x5c: {  	_ =	shalt  }
0x5d: {  	_ =	shalt  }
0x5e: {  	_ =	shalt  }
0x5f: {  	_ =	shalt  }
0x60: {  	_ =	shalt  }
0x61: {  	_ =	shalt  }
0x62: {  	_ =	shalt  }
0x63: {  	_ =	shalt  }
0x64: {  	_ =	shalt  }
0x65: {  	_ =	shalt  }
0x66: {  	_ =	shalt  }
0x67: {  	_ =	shalt  }
0x68: {  	_ =	shalt  }
0x69: {  	_ =	shalt  }
0x6a: {  	_ =	shalt  }
0x6b: {  	_ =	shalt  }
0x6c: {  	_ =	shalt  }
0x6d: {  	_ =	shalt  }
0x6e: {  	_ =	shalt  }
0x6f: {  	_ =	shalt  }
0x70: {  	_ =	shalt  }
0x71: {  	_ =	shalt  }
0x72: {  	_ =	shalt  }
0x73: {  	_ =	shalt  }
0x74: {  	_ =	shalt  }
0x75: {  	_ =	shalt  }
0x76: {  	_ =	shalt  }
0x77: {  	_ =	shalt  }
0x78: {  	_ =	shalt  }
0x79: {  	_ =	shalt  }
0x7a: {  	_ =	shalt  }
0x7b: {  	_ =	shalt  }
0x7c: {  	_ =	shalt  }
0x7d: {  	_ =	shalt  }
0x7e: {  	_ =	shalt  }
0x7f: {  	_ =	shalt  }
0x80: {  	_ =	shalt  }
0x81: {  	_ =	shalt  }
0x82: {  	_ =	shalt  }
0x83: {  	_ =	shalt  }
0x84: {  	_ =	shalt  }
0x85: {  	_ =	shalt  }
0x86: {  	_ =	shalt  }
0x87: {  	_ =	shalt  }
.Lfunc_end0:
.L_simem_size_0:
called_computation_lowered:
.L_overlay_start_0:
0x88: {  	s2 =	sld [smem:$0x3FD9]  }
0x89: {  	s3 =	sld [smem:$0x3FFE];
	_ =	sdelay $0x1  }
0x8a: {  	s1 =	srdreg.scid  }
0x8b: {  	s0 =	sand.u32 $0x1, s1  }
0x8c: {  	s17 =	sshll.u32 s0, $0xA;
	s2 =	sadd.s32 s3, s2  }
0x8d: {  	s2 =	sadd.s32 s2, s17  }
0x8e: {  	[smem:$0x3FC3] =	sst s2  }
0x8f: {  	_ = 	snop  }
0x90: {  	s2 =	sld [smem:$0x3FC9]  }
0x91: {  	s18 =	sld [smem:$0x3FC8]  }
0x92: {  	s4 =	sld [smem:$0x3FC7]  }
0x93: {  	s5 =	sld [smem:$0x3FD0];
	(tm) =	ssettm $0x1  }
0x94: {  	s6 =	sld [smem:$0x3FFB];
	_ =	sdelay $0x3  }
0x95: {  	_ =	strace s6  }
0x96: {  	s6 =	sld [smem:$0x3FFC];
	_ =	sdelay $0x3  }
0x97: {  	_ =	strace s6  }
0x98: {  	s6 =	sld [smem:$0x3FFD];
	_ =	sdelay $0x3  }
0x99: {  	_ =	strace s6  }
0x9a: {  	_ =	strace $0x8FFFFFFF  }
0x9b: {  	s19 =	sld [smem:$0x3FDB];
	_ =	sdelay $0x1  }
0x9c: {  	s7 =	simm.s32 $_scs_section_size  }
0x9d: {  	s8 =	simm.s32 $_size__tile_overlayer_lowered;
	s9 =	simm.s32 $_tile_overlayer_lowered  }
0x9e: {  	s22 =	simm.s32 $0x1BFF;
	s21 =	sshll.u32 s9, $0x1;
	s6 =	sadd.s32 s7, s19  }
0x9f: {  	s10 =	simm.s32 $0x0;
	s20 =	sshll.u32 s8, $0x1;
	s8 =	sadd.s32 s21, s6  }
0xa0: {  	[timem:s10], [sflag:s22] =	dma.local [hbm:s8], s20  }
0xa1: {  	_ =	swait.ge [sflag:s22], s20  }
0xa2: {  	s7 =	ssub.s32 $0x0, s20;
	[sflag:s22] =	ssyncset.done $0x0  }
0xa3: {  	[sflag:s22] =	ssyncadd.s32 s7;
	_ =	sdelay $0x1  }
0xa4: {  	s23 =	simm.s32 $0x1B8B  }
0xa5: {  	_ =	swait.ge [sflag:s23], $0x1  }
0xa6: {  	[sflag:s23] =	ssyncset.done $0x0  }
0xa7: {  	s25 =	simm.s32 $0x1B8E;
	s24 =	sld [smem:$0x3FFE];
	[sflag:s23] =	ssyncadd.s32 $0xFFFFFFFF  }
0xa8: {  	s26 =	simm.s32 $execute0_lowered;
	[smem:$0x3FD2] =	sst s25  }
0xa9: {  	s8 =	sshll.u32 s26, $0x1;
	_ =	strace $0x80000046;
	[dreg:$0x1] =	wrdreg $0xFFFFFFFF  }
0xaa: {  	s28 =	simm.s32 $_size_execute0_lowered;
	s6 =	sadd.s32 s6, s8;
	[dreg:$0x0] =	wrdreg $0x0  }
0xab: {  	s8 =	sshll.u32 s28, $0x1;
	[dreg:$0x2] =	wrdreg s6  }
0xac: {  	[dreg:$0x3] =	wrdreg s8  }
0xad: {  	[dreg:$0x4] =	wrdreg $0xC0  }
0xae: {  	_ =	task [dreg:s10], $0x5FFFF  }
0xaf: {  	[dreg:$0x1] =	wrdreg $0xFFFFFFFF  }
0xb0: {  	[dreg:$0x0] =	wrdreg $0x60  }
0xb1: {  	[dreg:$0x2] =	wrdreg s2  }
0xb2: {  	[dreg:$0x3] =	wrdreg s18  }
0xb3: {  	[dreg:$0x4] =	wrdreg s4  }
0xb4: {  	[dreg:$0x5] =	wrdreg s24  }
0xb5: {  	[dreg:$0x6] =	wrdreg s5  }
0xb6: {  	[dreg:$0x7] =	wrdreg $0x9  }
0xb7: {  	_ =	task.clear_ibuf [dreg:s10], $0x8FFFF;
	_ =	strace $0x90000046  }
0xb8: {  	s29 =	simm.s32 $0x9;
	_ =	strace $0x80000048  }
0xb9: {  	_ =	swait.ge [sflag:s29], $0x1  }
0xba: {  	[sflag:s29] =	ssyncadd.s32 $0xFFFFFFFF  }
0xbb: {  	_ =	strace $0x90000048  }
0xbc: {  	_ =	sfence  }
0xbd: {  	s30 =	sld [smem:$0x0];
	_ =	sdelay $0x2  }
0xbe: {  	s31 =	sshll.u32 s1, $0xD;
	s1 =	sshrl.u32 s1, $0x2  }
0xbf: {  	s3 =	sand.u32 $0x4000, s31;
	s1 =	sadd.s32 s1, s30  }
0xc0: {  	s0 =	sor.u32 s3, s0;
	s1 =	sshll.u32 s1, $0x11  }
0xc1: {  	s0 =	sor.u32 s1, s0  }
0xc2: {  	s0 =	sadd.s32 $0x8F2B, s0  }
0xc3: {  	[sflag:s0] =	ssyncadd.remote.s32 $0x1  }
0xc4: {  	_ =	sfence.sel $0xFFFF  }
0xc5: {  	[dreg:$0x0] =	wrdreg $0xFFFFFFFF;
	(pc) =	sbr.abs _section_cstart, $3  }
0xc6: {  	[dreg:$0x1] =	wrdreg $0xFFFFFFFF  }
0xc7: {  	_ =	task.clear_ibuf [dreg:s10], $0x2FFFF;
	_ =	strace $0x9FFFFFFF  }
0xc8: {  	(tm) =	ssettm $0x7FFFFFFF  }
0xc9: {  	_ =	shalt  }
tec
execute0_lowered:
.L_overlay_start_1:
0x0: {  	(tag) =	ssettag $0x1  }
0x1: {  	s0 =	rddreg [dreg:$0x0]  }
0x2: {  	s1 =	rddreg [dreg:$0x1]  }
0x3: {  	s2 =	rddreg [dreg:$0x2]  }
0x4: {  	s3 =	rddreg [dreg:$0x3]  }
0x5: {  	s4 =	rddreg [dreg:$0x4];
	s6 =	simm.s32 $0x0;
	s5 =	srdreg.scid  }
0x6: {  	s8 =	stileid.u32;
	[smem:$0x7FF] =	sst s6  }
0x7: {  	s5 =	sand.u32 $0x1, s5;
	s7 =	sadd.s32 $0x400, s3;
	s22 =	sshll.u32 s8, $0xA  }
0x8: {  	s23 =	sadd.s32 $0x40C, s3;
	_ =	strace $0x80000047;
	[dreg:$0x1a] =	wrdreg s7  }
0x9: {  	s24 =	sadd.s32 $0x7FC, s3;
	s25 =	sadd.s32 $0xBEC, s3;
	[dreg:$0x1b] =	wrdreg s23  }
0xa: {  	s20 =	ssub.s32 $0x2, s5;
	s5 =	sshll.u32 s5, $0x9;
	[dreg:$0x1c] =	wrdreg s24  }
0xb: {  	s3 =	sadd.s32 $0xFDC, s3;
	[dreg:$0x1d] =	wrdreg s25;
	s5 =	sor.u32 s5, s22  }
0xc: {  	[dreg:$0x1e] =	wrdreg s3;
	s26 =	sshrl.u32 s5, $0x3;
	s30 =	sadd.s32 s4, s5  }
0xd: {  	s24 =	simm.s32 $0x600;
	s0 =	sadd.s32 s0, s26;
	[smem:$0x7FC] =	sst s30  }
0xe: {  	s21 =	sshrl.u32 s20, $0x1;
	s28 =	sadd.s32 s1, s26;
	[dreg:$0x1f] =	wrdreg s0  }
0xf: {  	s6 =	ssub.s32 s20, s21;
	s29 =	sadd.s32 s2, s26;
	[smem:$0x7FA] =	sst s28  }
0x10: {  	s3 =	simm.s32 $0x5;
	s31 =	smax.u32 s6, $0x1;
	[smem:$0x7FB] =	sst s29  }
0x11: {  	v0 =	vimm.f32 $0.0e+00;
	v1 =	vlaneseq.u32;
	v2 =	vimm.f32 $1.000000000e+00;
	s25 =	simm.s32 $0x8480;
	s1 =	simm.s32 $0x0;
	[smem:$0x7FD] =	sst s31  }
.LBB2_1:
0x12: {  	[smem:$0x7F8] =	sst s1  }
0x13: {  	s13 =	simm.s32 $0x0;
	s0 =	rddreg [dreg:$0x1b]  }
0x14: {  	[tilespmem:s24], [sflag:$0x1] =	stream.linear.gather [hbm4b:s0+s13], $0x1F80, $0x38;
	[tilespmem:$0xE480] =	vst v63  }
0x15: {  	s7 =	rddreg [dreg:$0x1c];
	s8 =	simm.s32 $0x2580  }
0x16: {  	[tilespmem:s8], [sflag:$0x2] =	stream.linear.gather [hbm4b:s7+s13], $0x1F80, $0x38;
	[tilespmem:$0xE480] =	vst v63  }
0x17: {  	s9 =	rddreg [dreg:$0x1d];
	s10 =	simm.s32 $0x4500  }
0x18: {  	[tilespmem:s10], [sflag:$0x3] =	stream.linear.gather [hbm4b:s9+s13], $0x1F80, $0x38;
	[tilespmem:$0xE480] =	vst v63  }
0x19: {  	s11 =	rddreg [dreg:$0x1e];
	s12 =	simm.s32 $0x6480  }
0x1a: {  	[tilespmem:s12], [sflag:$0x4] =	stream.linear.gather [hbm4b:s11+s13], $0x1F80, $0x38;
	[tilespmem:$0xE480] =	vst v63  }
0x1b: {  	s14 =	rddreg [dreg:$0x1f]  }
0x1c: {  	[tilespmem:s13], [sflag:$0x5] =	stream.linear.gather [hbm4b:s14+s13], $0x200, $0x38;
	[tilespmem:$0xE480] =	vst v63  }
0x1d: {  	_ =	swait.ge [sflag:s3], $0x200  }
0x1e: {  	s15 =	sld [smem:$0x7FA]  }
0x1f: {  	[sflag:s3] =	ssyncset.done $0x0  }
0x20: {  	s16 =	simm.s32 $0x200;
	[sflag:s3] =	ssyncadd.s32 $0xFFFFFE00  }
0x21: {  	[tilespmem:s16], [sflag:$0x5] =	stream.linear.gather [hbm4b:s15+s13], $0x200, $0x38;
	[tilespmem:$0xE480] =	vst v63  }
0x22: {  	_ =	swait.ge [sflag:s3], $0x200  }
0x23: {  	s17 =	sld [smem:$0x7FB]  }
0x24: {  	[sflag:s3] =	ssyncset.done $0x0  }
0x25: {  	s18 =	simm.s32 $0x400;
	[sflag:s3] =	ssyncadd.s32 $0xFFFFFE00  }
0x26: {  	[tilespmem:s18], [sflag:$0x5] =	stream.linear.gather [hbm4b:s17+s13], $0x200, $0x38;
	[tilespmem:$0xE480] =	vst v63  }
0x27: {  	_ =	swait.ge [sflag:s3], $0x200  }
0x28: {  	[sflag:s3] =	ssyncset.done $0x0  }
0x29: {  	s31 =	simm.s32 $0x8400;
	s19 =	rddreg [dreg:$0x1a];
	[sflag:s3] =	ssyncadd.s32 $0xFFFFFE00  }
0x2a: {  	[tilespmem:s31], [sflag:$0x5] =	stream.linear.gather [hbm4b:s19+s13], $0x60, $0x38;
	[tilespmem:$0xE480] =	vst v63  }
0x2b: {  	s6 =	simm.s32 $0x30;
	s0 =	sand.u32 $0xC00, s13;
	_ =	swait.ge [sflag:s3], $0x60  }
0x2c: {  	s2 =	sand.u32 $0x70, s6;
	s5 =	sadd.s32 $0xC480, s0;
	[sflag:s3] =	ssyncset.done $0x0  }
0x2d: {  	s20 =	sor.u32 s2, s5;
	s8 =	sadd.s32 $0xC500, s0;
	[sflag:s3] =	ssyncadd.s32 $0xFFFFFFA0  }
0x2e: {  	s21 =	sor.u32 s2, s8;
	s9 =	sadd.s32 $0xC580, s0;
	[tilespmem:s20+$0x0] =	vst v0  }
0x2f: {  	s10 =	sadd.s32 $0xC600, s0;
	s22 =	sor.u32 s2, s9;
	[tilespmem:s21+$0x0] =	vst v0  }
0x30: {  	s7 =	sadd.s32 $0xC680, s0;
	s23 =	sor.u32 s2, s10;
	[tilespmem:s22+$0x0] =	vst v0  }
0x31: {  	s4 =	sadd.s32 $0xC700, s0;
	s24 =	sor.u32 s2, s7;
	[tilespmem:s23+$0x0] =	vst v0  }
0x32: {  	s26 =	sor.u32 s2, s4;
	s3 =	sadd.s32 $0xC780, s0;
	[tilespmem:s24+$0x0] =	vst v0  }
0x33: {  	s11 =	sor.u32 s2, s3;
	[tilespmem:s26+$0x0] =	vst v0  }
0x34: {  	s1 =	simm.s32 $0x220;
	[tilespmem:s11+$0x0] =	vst v0  }
0x35: {  	v3 =	vld [tilespmem:s1+$0x10];
	_ =	sdelay $0x1  }
0x36: {  	s16 =	sand.u32 $0x40, s13  }
0x37: {  	s28 =	sor.u32 s16, s5;
	s17 =	simm.s32 $0x10  }
0x38: {  	v4 =	vmov s6;
	s30 =	sor.u32 s16, s8;
	s18 =	sand.u32 $0x50, s17;
	[tilespmem:s28+$0x0] =	vst v0  }
0x39: {  	v4 =	vshll.u32 v4, $0x3;
	s20 =	sor.u32 s18, s5;
	[tilespmem:s30+$0x0] =	vst v0;
	v5 =	vshll.u32 v3, $0x9  }
0x3a: {  	v4 =	vand.u32 $0xC00, v4;
	s12 =	sor.u32 s16, s9;
	[tilespmem:s20+$0x0] =	vst v0;
	v3 =	vshll.u32 v3, $0x7;
	v5 =	vand.u32 $0xFFFFF000, v5  }
0x3b: {  	v6 =	vor.u32 s6, v1;
	s21 =	sor.u32 s18, s8;
	[tilespmem:s12+$0x0] =	vst v0;
	v3 =	vand.u32 $0x380, v3;
	v4 =	vor.u32 v4, v5  }
0x3c: {  	s14 =	sor.u32 s16, s10;
	[tilespmem:s21+$0x0] =	vst v0;
	v5 =	vand.u32 $0x7F, v6;
	v3 =	vor.u32 v3, v4  }
0x3d: {  	s22 =	sor.u32 s18, s9;
	[tilespmem:s14+$0x0] =	vst v0;
	v3 =	vor.u32 v5, v3  }
0x3e: {  	s15 =	sor.u32 s16, s7;
	[tilespmem:s22+$0x0] =	vst v0;
	v3 =	vadd.s32 $0x4000, v3  }
0x3f: {  	s23 =	sor.u32 s18, s10;
	[tilespmem:s15+$0x0] =	vst v0  }
0x40: {  	s12 =	sor.u32 s16, s4;
	[tilespmem:s23+$0x0] =	vst v0  }
0x41: {  	s24 =	sor.u32 s18, s7;
	[tilespmem:s12+$0x0] =	vst v0  }
0x42: {  	[tilespmem:s24+$0x0] =	vst v0  }
0x43: {  	s6 =	simm.s32 $0x420;
	s14 =	sor.u32 s16, s3;
	[tilespmem:v3+s25+$0x0] =	vst.idx.msk $0xffff, v2  }
0x44: {  	s15 =	sor.u32 s18, s4;
	s26 =	simm.s32 $0x20;
	[tilespmem:s14+$0x0] =	vst v0;
	v3 =	vld [tilespmem:s6+$0x10]  }
0x45: {  	s28 =	sor.u32 s18, s3;
	s19 =	sand.u32 $0x60, s26;
	[tilespmem:s15+$0x0] =	vst v0  }
0x46: {  	s5 =	sor.u32 s19, s5;
	[tilespmem:s28+$0x0] =	vst v0  }
0x47: {  	s8 =	sor.u32 s19, s8;
	[tilespmem:s5+$0x0] =	vst v0;
	v4 =	vld [tilespmem:s1+$0xFFFFFFE0]  }
0x48: {  	s30 =	sor.u32 s19, s9;
	[tilespmem:s8+$0x0] =	vst v0  }
0x49: {  	s9 =	sor.u32 s19, s10;
	[tilespmem:s30+$0x0] =	vst v0;
	v3 =	vadd.s32 $0x1, v3  }
0x4a: {  	v8 =	vmov s17;
	v9 =	vor.u32 s17, v1;
	s10 =	sor.u32 s19, s7;
	[tilespmem:s9+$0x0] =	vst v0;
	vm0 =	vlt.s32 v3, $0x17  }
0x4b: {  	v8 =	vshll.u32 v8, $0x3;
	s4 =	sor.u32 s19, s4;
	v11 =	vld [tilespmem:s1+$0xFFFFFFF0];
	[tilespmem:s10+$0x0] =	vst v0;
	v5 =	vmov s13;
	v3 =	vnsel vm0, $0x17, v3  }
0x4c: {  	v9 =	vand.u32 $0x5F, v9;
	s11 =	simm.s32 $0x200;
	s3 =	sor.u32 s19, s3;
	[tilespmem:s4+$0x0] =	vst v0;
	v5 =	vshll.u32 v5, $0x3;
	v13 =	vshll.u32 v4, $0x9  }
0x4d: {  	s28 =	sand.u32 $0xC00, s11;
	s7 =	simm.s32 $0x70;
	[tilespmem:s3+$0x0] =	vst v0;
	v5 =	vand.u32 $0xC00, v5;
	v4 =	vshll.u32 v4, $0x7;
	v13 =	vand.u32 $0xFFFFF000, v13  }
0x4e: {  	v6 =	vor.u32 s13, v1;
	s3 =	sand.u32 $0x70, s7;
	v14 =	vld [tilespmem:s1+$0x0];
	s1 =	sadd.s32 $0xC480, s28;
	v4 =	vand.u32 $0x380, v4;
	v5 =	vor.u32 v5, v13  }
0x4f: {  	v8 =	vand.u32 $0xC00, v8;
	s10 =	sadd.s32 $0xC500, s28;
	v6 =	vand.u32 $0x4F, v6;
	s13 =	sor.u32 s3, s1;
	v4 =	vor.u32 v4, v5  }
0x50: {  	v10 =	vmov s26;
	s17 =	sadd.s32 $0xC580, s28;
	s14 =	sor.u32 s3, s10;
	[tilespmem:s13+$0x0] =	vst v0;
	v5 =	vshll.u32 v11, $0x9;
	v4 =	vor.u32 v6, v4;
	v7 =	vld.idx.msk [tilespmem:v3+s31+$0x0], $0xffff  }
0x51: {  	s23 =	sadd.s32 $0xC600, s28;
	s15 =	sor.u32 s3, s17;
	[tilespmem:s14+$0x0] =	vst v0;
	v6 =	vshll.u32 v11, $0x7;
	v5 =	vand.u32 $0xFFFFF000, v5;
	v15 =	vadd.s32 $0x18, v3  }
0x52: {  	v12 =	vor.u32 s26, v1;
	s24 =	sadd.s32 $0xC680, s28;
	s20 =	sor.u32 s3, s23;
	[tilespmem:s15+$0x0] =	vst v0;
	v6 =	vand.u32 $0x380, v6;
	v5 =	vor.u32 v8, v5  }
0x53: {  	v10 =	vshll.u32 v10, $0x3;
	s9 =	sadd.s32 $0xC800, s0;
	s21 =	sor.u32 s3, s24;
	[tilespmem:s20+$0x0] =	vst v0;
	v11 =	vshll.u32 v14, $0x7;
	v5 =	vor.u32 v6, v5  }
0x54: {  	s22 =	sadd.s32 $0xC700, s28;
	s12 =	sor.u32 s2, s9;
	[tilespmem:s21+$0x0] =	vst v0;
	v8 =	vshll.u32 v14, $0x9;
	v4 =	vadd.s32 $0x4000, v4;
	v5 =	vor.u32 v9, v5  }
0x55: {  	s26 =	sor.u32 s3, s22;
	s14 =	sadd.s32 $0xC780, s28;
	v8 =	vand.u32 $0xFFFFF000, v8;
	v5 =	vadd.s32 $0x4000, v5;
	[tilespmem:s12+$0x0] =	vst v7;
	v7 =	vand.u32 $0xC00, v10  }
0x56: {  	s30 =	sor.u32 s3, s14;
	[tilespmem:s26+$0x0] =	vst v0;
	v6 =	vand.u32 $0x380, v11;
	v10 =	vld.idx.msk [tilespmem:v15+s31+$0x0], $0xffff;
	v7 =	vor.u32 v7, v8  }
0x57: {  	v12 =	vand.u32 $0x6F, v12;
	s11 =	simm.s32 $0x260;
	[tilespmem:s30+$0x0] =	vst v0;
	v13 =	vadd.s32 $0x30, v3;
	v6 =	vor.u32 v6, v7  }
0x58: {  	v7 =	vld [tilespmem:s11+$0x10];
	v6 =	vor.u32 v12, v6  }
0x59: {  	s15 =	sadd.s32 $0xD480, s0;
	[tilespmem:v4+s25+$0x0] =	vst.idx.msk $0xffff, v2;
	v6 =	vadd.s32 $0x4000, v6  }
0x5a: {  	s5 =	sor.u32 s2, s15;
	[tilespmem:v5+s25+$0x0] =	vst.idx.msk $0xffff, v2;
	s25 =	simm.s32 $0x40  }
0x5b: {  	s8 =	sadd.s32 $0xD500, s0;
	v4 =	vmov s7;
	s4 =	sand.u32 $0x40, s25;
	[tilespmem:s5+$0x0] =	vst v10  }
0x5c: {  	v4 =	vshll.u32 v4, $0x3;
	s20 =	sor.u32 s4, s1;
	v8 =	vld.idx.msk [tilespmem:v13+s31+$0x0], $0xffff;
	[smem:$0x7F9] =	sst s8  }
0x5d: {  	v4 =	vand.u32 $0xC00, v4;
	s12 =	simm.s32 $0x8480;
	v5 =	vshll.u32 v7, $0x9;
	[tilespmem:s20+$0x0] =	vst v0  }
0x5e: {  	v3 =	vadd.s32 $0x48, v3;
	s21 =	sor.u32 s4, s10;
	v5 =	vand.u32 $0xFFFFF000, v5;
	[tilespmem:v6+s12+$0x0] =	vst.idx.msk $0xffff, v2;
	v6 =	vshll.u32 v7, $0x7  }
0x5f: {  	s26 =	sor.u32 s4, s17;
	v7 =	vor.u32 s7, v1;
	v4 =	vor.u32 v4, v5;
	[tilespmem:s21+$0x0] =	vst v0;
	v5 =	vand.u32 $0x380, v6  }
0x60: {  	s30 =	sor.u32 s4, s23;
	v6 =	vand.u32 $0x7F, v7;
	[tilespmem:s26+$0x0] =	vst v0;
	v4 =	vor.u32 v5, v4  }
0x61: {  	s13 =	sor.u32 s2, s8;
	v7 =	vld [tilespmem:s6+$0x0];
	[tilespmem:s30+$0x0] =	vst v0;
	v4 =	vor.u32 v6, v4  }
0x62: {  	s5 =	sor.u32 s4, s24;
	v5 =	vld [tilespmem:s6+$0xFFFFFFE0];
	[tilespmem:s13+$0x0] =	vst v8;
	v4 =	vadd.s32 $0x4000, v4  }
0x63: {  	s7 =	sor.u32 s4, s22;
	s26 =	sadd.s32 $0xD580, s0;
	s0 =	simm.s32 $0x50;
	[tilespmem:s5+$0x0] =	vst v0;
	v3 =	vld.idx.msk [tilespmem:v3+s31+$0x0], $0xffff  }
0x64: {  	s8 =	sor.u32 s4, s14;
	v6 =	vld [tilespmem:s6+$0xFFFFFFF0];
	s6 =	sand.u32 $0x50, s0;
	[tilespmem:s7+$0x0] =	vst v0  }
0x65: {  	s13 =	sor.u32 s6, s1;
	[tilespmem:s8+$0x0] =	vst v0  }
0x66: {  	s12 =	simm.s32 $0x8480;
	[tilespmem:s13+$0x0] =	vst v0  }
0x67: {  	s2 =	sor.u32 s2, s26;
	[tilespmem:v4+s12+$0x0] =	vst.idx.msk $0xffff, v2;
	s12 =	simm.s32 $0x460  }
0x68: {  	s20 =	sor.u32 s6, s10;
	[tilespmem:s2+$0x0] =	vst v3;
	v3 =	vadd.s32 $0x1, v5;
	v8 =	vld [tilespmem:s12+$0x10]  }
0x69: {  	s21 =	sor.u32 s6, s17;
	[tilespmem:s20+$0x0] =	vst v0;
	v4 =	vadd.s32 $0x1, v6;
	vm7 =	vlt.s32 v3, $0x17  }
0x6a: {  	s30 =	sor.u32 s6, s23;
	[tilespmem:s21+$0x0] =	vst v0;
	v6 =	vadd.s32 $0x1, v7;
	vm8 =	vlt.s32 v4, $0x17;
	v5 =	vnsel vm7, $0x17, v3  }
0x6b: {  	s5 =	sor.u32 s6, s24;
	[tilespmem:s30+$0x0] =	vst v0;
	vm9 =	vlt.s32 v6, $0x17;
	v3 =	vnsel vm8, $0x17, v4  }
0x6c: {  	s20 =	sor.u32 s6, s22;
	s2 =	simm.s32 $0x60;
	[tilespmem:s5+$0x0] =	vst v0;
	v4 =	vnsel vm9, $0x17, v6  }
0x6d: {  	s21 =	sor.u32 s6, s14;
	s8 =	sand.u32 $0x60, s2;
	[tilespmem:s20+$0x0] =	vst v0;
	v6 =	vadd.s32 $0x1, v8  }
0x6e: {  	s1 =	sor.u32 s8, s1;
	[tilespmem:s21+$0x0] =	vst v0;
	vm10 =	vlt.s32 v6, $0x17  }
0x6f: {  	s10 =	sor.u32 s8, s10;
	[tilespmem:s1+$0x0] =	vst v0;
	v7 =	vld.idx.msk [tilespmem:v5+s31+$0x0], $0xffff;
	v6 =	vnsel vm10, $0x17, v6  }
0x70: {  	s7 =	sor.u32 s8, s17;
	[tilespmem:s10+$0x0] =	vst v0;
	v8 =	vadd.s32 $0x18, v5;
	v9 =	vld.idx.msk [tilespmem:v3+s31+$0x0], $0xffff  }
0x71: {  	s13 =	sor.u32 s8, s23;
	v10 =	vadd.s32 $0x18, v3;
	[tilespmem:s7+$0x0] =	vst v0;
	v11 =	vld.idx.msk [tilespmem:v4+s31+$0x0], $0xffff  }
0x72: {  	s17 =	sor.u32 s8, s24;
	v12 =	vadd.s32 $0x18, v4;
	[tilespmem:s13+$0x0] =	vst v0  }
0x73: {  	s20 =	sor.u32 s16, s9;
	[tilespmem:s17+$0x0] =	vst v0  }
0x74: {  	s21 =	sor.u32 s18, s9;
	[tilespmem:s20+$0x0] =	vst v7;
	v13 =	vld.idx.msk [tilespmem:v6+s31+$0x0], $0xffff  }
0x75: {  	s9 =	sor.u32 s19, s9;
	v7 =	vadd.s32 $0x18, v6;
	[tilespmem:s21+$0x0] =	vst v9;
	v8 =	vld.idx.msk [tilespmem:v8+s31+$0x0], $0xffff  }
0x76: {  	s22 =	sor.u32 s8, s22;
	[tilespmem:s9+$0x0] =	vst v11;
	v9 =	vld.idx.msk [tilespmem:v10+s31+$0x0], $0xffff  }
0x77: {  	s24 =	sor.u32 s8, s14;
	s10 =	sadd.s32 $0xC800, s28;
	[tilespmem:s22+$0x0] =	vst v0;
	v10 =	vld.idx.msk [tilespmem:v12+s31+$0x0], $0xffff  }
0x78: {  	s23 =	sor.u32 s3, s10;
	[tilespmem:s24+$0x0] =	vst v0  }
0x79: {  	s30 =	sor.u32 s16, s15;
	s5 =	simm.s32 $0x400;
	[tilespmem:s23+$0x0] =	vst v13  }
0x7a: {  	s7 =	sor.u32 s18, s15;
	s24 =	sand.u32 $0xC00, s5;
	s21 =	simm.s32 $0xB0;
	[tilespmem:s30+$0x0] =	vst v8;
	v7 =	vld.idx.msk [tilespmem:v7+s31+$0x0], $0xffff  }
0x7b: {  	s13 =	sor.u32 s19, s15;
	s15 =	sand.u32 $0x70, s21;
	[tilespmem:s7+$0x0] =	vst v9;
	v8 =	vadd.s32 $0x30, v6;
	s30 =	sadd.s32 $0xC480, s24  }
0x7c: {  	[tilespmem:s13+$0x0] =	vst v10;
	v9 =	vld [tilespmem:s11+$0xFFFFFFE0];
	s23 =	sadd.s32 $0xC500, s24;
	s14 =	sor.u32 s15, s30  }
0x7d: {  	s7 =	sadd.s32 $0xD480, s28;
	s20 =	sor.u32 s15, s23;
	[tilespmem:s14+$0x0] =	vst v0  }
0x7e: {  	v14 =	vmov s2;
	v15 =	vor.u32 s2, v1;
	s22 =	sadd.s32 $0xC580, s24;
	s17 =	sor.u32 s3, s7;
	[tilespmem:s20+$0x0] =	vst v0  }
0x7f: {  	v14 =	vshll.u32 v14, $0x3;
	v11 =	vor.u32 s25, v1;
	s5 =	sor.u32 s15, s22;
	v10 =	vmov s25;
	v13 =	vld [tilespmem:s11+$0xFFFFFFF0];
	s25 =	sadd.s32 $0xC600, s24;
	[tilespmem:s17+$0x0] =	vst v7  }
0x80: {  	v14 =	vand.u32 $0xC00, v14;
	s1 =	sadd.s32 $0xC680, s24;
	v12 =	vor.u32 s0, v1;
	v11 =	vand.u32 $0x4F, v11;
	s9 =	sor.u32 s15, s25;
	[tilespmem:s5+$0x0] =	vst v0;
	v8 =	vld.idx.msk [tilespmem:v8+s31+$0x0], $0xffff  }
0x81: {  	s29 =	sadd.s32 $0xC700, s24;
	v12 =	vand.u32 $0x5F, v12;
	s13 =	sor.u32 s15, s1;
	[tilespmem:s9+$0x0] =	vst v0;
	v16 =	vshll.u32 v9, $0x9;
	v9 =	vshll.u32 v9, $0x7  }
0x82: {  	v17 =	vld [tilespmem:s11+$0x0];
	s14 =	sor.u32 s15, s29;
	v7 =	vshll.u32 v10, $0x3;
	v10 =	vmov s0;
	s17 =	sadd.s32 $0xC780, s24;
	[tilespmem:s13+$0x0] =	vst v0;
	v16 =	vand.u32 $0xFFFFF000, v16  }
0x83: {  	s11 =	sadd.s32 $0xD500, s28;
	s0 =	simm.s32 $0x80;
	v9 =	vand.u32 $0x380, v9;
	v7 =	vand.u32 $0xC00, v7;
	v10 =	vshll.u32 v10, $0x3;
	[tilespmem:s14+$0x0] =	vst v0;
	s20 =	sor.u32 s15, s17  }
0x84: {  	s5 =	sor.u32 s3, s11;
	s14 =	sand.u32 $0x40, s0;
	v10 =	vand.u32 $0xC00, v10;
	v7 =	vor.u32 v7, v16;
	v16 =	vshll.u32 v13, $0x9;
	[tilespmem:s20+$0x0] =	vst v0  }
0x85: {  	s9 =	sor.u32 s14, s30;
	v7 =	vor.u32 v9, v7;
	v9 =	vand.u32 $0xFFFFF000, v16;
	[tilespmem:s5+$0x0] =	vst v8;
	v8 =	vshll.u32 v13, $0x7  }
0x86: {  	s13 =	sor.u32 s14, s23;
	[tilespmem:s9+$0x0] =	vst v0;
	v7 =	vor.u32 v11, v7;
	v9 =	vor.u32 v10, v9;
	s5 =	simm.s32 $0x2A0;
	v8 =	vand.u32 $0x380, v8  }
0x87: {  	s20 =	sor.u32 s14, s22;
	[tilespmem:s13+$0x0] =	vst v0;
	v7 =	vadd.s32 $0x4000, v7;
	v10 =	vld [tilespmem:s5+$0x10];
	v8 =	vor.u32 v8, v9;
	v9 =	vshll.u32 v17, $0x9  }
0x88: {  	s9 =	sor.u32 s14, s25;
	v11 =	vshll.u32 v17, $0x7;
	[tilespmem:s20+$0x0] =	vst v0;
	v8 =	vor.u32 v12, v8;
	v9 =	vand.u32 $0xFFFFF000, v9  }
0x89: {  	s13 =	sor.u32 s14, s1;
	v11 =	vand.u32 $0x380, v11;
	[tilespmem:s9+$0x0] =	vst v0;
	v8 =	vadd.s32 $0x4000, v8;
	v9 =	vor.u32 v14, v9  }
0x8a: {  	s20 =	sor.u32 s14, s29;
	[tilespmem:s13+$0x0] =	vst v0;
	v12 =	vand.u32 $0x6F, v15;
	v9 =	vor.u32 v11, v9  }
0x8b: {  	s9 =	simm.s32 $0x8480;
	v13 =	vor.u32 s21, v1;
	[tilespmem:s20+$0x0] =	vst v0;
	v11 =	vmov s21;
	v9 =	vor.u32 v12, v9  }
0x8c: {  	s13 =	sor.u32 s14, s17;
	s20 =	simm.s32 $0x90;
	[tilespmem:v7+s9+$0x0] =	vst.idx.msk $0xffff, v2;
	v11 =	vshll.u32 v11, $0x3;
	v7 =	vadd.s32 $0x4000, v9;
	v9 =	vshll.u32 v10, $0x9  }
0x8d: {  	[tilespmem:s13+$0x0] =	vst v0;
	s9 =	sand.u32 $0x50, s20;
	s21 =	simm.s32 $0x8480;
	v11 =	vand.u32 $0xC00, v11;
	v10 =	vshll.u32 v10, $0x7;
	v9 =	vand.u32 $0xFFFFF000, v9  }
0x8e: {  	s13 =	sor.u32 s9, s30;
	v12 =	vld [tilespmem:s12+$0xFFFFFFE0];
	[tilespmem:v8+s21+$0x0] =	vst.idx.msk $0xffff, v2;
	v8 =	vor.u32 v11, v9;
	v9 =	vand.u32 $0x380, v10  }
0x8f: {  	[tilespmem:s13+$0x0] =	vst v0;
	v11 =	vand.u32 $0x7F, v13;
	s21 =	sor.u32 s9, s23;
	v8 =	vor.u32 v9, v8  }
0x90: {  	s13 =	simm.s32 $0x8480;
	v10 =	vld [tilespmem:s12+$0xFFFFFFF0];
	[tilespmem:s21+$0x0] =	vst v0;
	v8 =	vor.u32 v11, v8  }
0x91: {  	v9 =	vld [tilespmem:s5+$0xFFFFFFE0];
	s21 =	sor.u32 s9, s22;
	[tilespmem:v7+s13+$0x0] =	vst.idx.msk $0xffff, v2;
	v7 =	vadd.s32 $0x4000, v8  }
0x92: {  	v6 =	vadd.s32 $0x48, v6;
	[tilespmem:s21+$0x0] =	vst v0;
	v14 =	vld [tilespmem:s12+$0x0];
	s12 =	sor.u32 s9, s25  }
0x93: {  	v13 =	vmov s0;
	v12 =	vadd.s32 $0x1, v12;
	s13 =	sor.u32 s9, s1;
	[tilespmem:s12+$0x0] =	vst v0  }
0x94: {  	v13 =	vshll.u32 v13, $0x3;
	s21 =	sor.u32 s9, s29;
	vm11 =	vlt.s32 v12, $0x17;
	[tilespmem:s13+$0x0] =	vst v0  }
0x95: {  	s2 =	simm.s32 $0x8480;
	v16 =	vadd.s32 $0x30, v4;
	v13 =	vand.u32 $0xC00, v13;
	v12 =	vnsel vm11, $0x17, v12;
	s12 =	simm.s32 $0xA0;
	[tilespmem:s21+$0x0] =	vst v0  }
0x96: {  	v10 =	vadd.s32 $0x1, v10;
	v17 =	vshll.u32 v9, $0x9;
	v9 =	vshll.u32 v9, $0x7;
	s13 =	sor.u32 s9, s17;
	s21 =	sand.u32 $0x60, s12;
	[tilespmem:v7+s2+$0x0] =	vst.idx.msk $0xffff, v2  }
0x97: {  	v6 =	vld.idx.msk [tilespmem:v6+s31+$0x0], $0xffff;
	vm12 =	vlt.s32 v10, $0x17;
	v17 =	vand.u32 $0xFFFFF000, v17;
	v9 =	vand.u32 $0x380, v9;
	s2 =	simm.s32 $0x4A0;
	[tilespmem:s13+$0x0] =	vst v0;
	s13 =	sor.u32 s21, s30  }
0x98: {  	v10 =	vnsel vm12, $0x17, v10;
	v13 =	vor.u32 v13, v17;
	s30 =	sor.u32 s21, s23;
	v7 =	vadd.s32 $0x1, v14;
	v14 =	vld [tilespmem:s2+$0x10];
	[tilespmem:s13+$0x0] =	vst v0  }
0x99: {  	v8 =	vor.u32 s0, v1;
	v9 =	vor.u32 v9, v13;
	v13 =	vld [tilespmem:s5+$0xFFFFFFF0];
	s13 =	sor.u32 s21, s22;
	[tilespmem:s30+$0x0] =	vst v0  }
0x9a: {  	v8 =	vand.u32 $0x4F, v8;
	s23 =	smov.u32 s14;
	s14 =	sor.u32 s21, s25;
	v17 =	vor.u32 s20, v1;
	v18 =	vld.idx.msk [tilespmem:v12+s31+$0x0], $0xffff;
	vm13 =	vlt.s32 v7, $0x17;
	[tilespmem:s13+$0x0] =	vst v0  }
0x9b: {  	s0 =	sadd.s32 $0xD580, s28;
	v8 =	vor.u32 v8, v9;
	v9 =	vld.idx.msk [tilespmem:v16+s31+$0x0], $0xffff;
	v16 =	vmov s20;
	s20 =	sor.u32 s21, s1;
	v7 =	vnsel vm13, $0x17, v7;
	[tilespmem:s14+$0x0] =	vst v0  }
0x9c: {  	v8 =	vadd.s32 $0x4000, v8;
	s14 =	sor.u32 s3, s0;
	[tilespmem:s20+$0x0] =	vst v0  }
0x9d: {  	v11 =	vadd.s32 $0x30, v5;
	s22 =	sor.u32 s21, s29;
	v20 =	vld.idx.msk [tilespmem:v10+s31+$0x0], $0xffff;
	[tilespmem:s14+$0x0] =	vst v6  }
0x9e: {  	v15 =	vadd.s32 $0x30, v3;
	s1 =	sor.u32 s4, s10;
	[tilespmem:s22+$0x0] =	vst v0  }
0x9f: {  	v19 =	vadd.s32 $0x18, v12;
	s30 =	sor.u32 s21, s17;
	v16 =	vshll.u32 v16, $0x3;
	v22 =	vshll.u32 v13, $0x9;
	[tilespmem:s1+$0x0] =	vst v18  }
0xa0: {  	s25 =	simm.s32 $0x8480;
	v16 =	vand.u32 $0xC00, v16;
	v14 =	vadd.s32 $0x1, v14;
	v22 =	vand.u32 $0xFFFFF000, v22;
	[tilespmem:s30+$0x0] =	vst v0;
	v23 =	vld.idx.msk [tilespmem:v7+s31+$0x0], $0xffff  }
0xa1: {  	v21 =	vadd.s32 $0x18, v10;
	vm14 =	vlt.s32 v14, $0x17;
	[tilespmem:v8+s25+$0x0] =	vst.idx.msk $0xffff, v2;
	v8 =	vor.u32 v16, v22;
	v16 =	vld [tilespmem:s5+$0x0];
	s5 =	sor.u32 s6, s10  }
0xa2: {  	v11 =	vld.idx.msk [tilespmem:v11+s31+$0x0], $0xffff;
	v24 =	vshll.u32 v13, $0x7;
	v13 =	vnsel vm14, $0x17, v14;
	[tilespmem:s5+$0x0] =	vst v20  }
0xa3: {  	v15 =	vld.idx.msk [tilespmem:v15+s31+$0x0], $0xffff;
	v24 =	vand.u32 $0x380, v24;
	v14 =	vadd.s32 $0x18, v7;
	s20 =	sld [smem:$0x7F9]  }
0xa4: {  	v5 =	vadd.s32 $0x48, v5;
	v17 =	vand.u32 $0x5F, v17;
	v22 =	vld [tilespmem:s2+$0xFFFFFFE0];
	v8 =	vor.u32 v24, v8  }
0xa5: {  	v63 =	vadd.s32 $0x48, v3;
	s17 =	sor.u32 s8, s10;
	v3 =	vor.u32 v17, v8;
	v8 =	vld.idx.msk [tilespmem:v19+s31+$0x0], $0xffff  }
0xa6: {  	v19 =	vadd.s32 $0x48, v4;
	v6 =	vadd.s32 $0x4000, v3;
	v20 =	vld.idx.msk [tilespmem:v21+s31+$0x0], $0xffff;
	[tilespmem:s17+$0x0] =	vst v23;
	s22 =	sor.u32 s16, s20  }
0xa7: {  	v25 =	vadd.s32 $0x30, v12;
	s29 =	sor.u32 s4, s0;
	s13 =	simm.s32 $0x2A0;
	v4 =	vmov s12;
	v23 =	vld.idx.msk [tilespmem:v13+s31+$0x0], $0xffff;
	s28 =	sor.u32 s18, s20;
	[tilespmem:s22+$0x0] =	vst v11  }
0xa8: {  	s3 =	sor.u32 s4, s7;
	s14 =	sor.u32 s6, s11;
	v3 =	vadd.s32 $0x48, v12;
	v12 =	vor.u32 s12, v1;
	v4 =	vshll.u32 v4, $0x3;
	v14 =	vld.idx.msk [tilespmem:v14+s31+$0x0], $0xffff;
	s30 =	sor.u32 s19, s20;
	[tilespmem:s28+$0x0] =	vst v15  }
0xa9: {  	v26 =	vadd.s32 $0x30, v10;
	s10 =	sor.u32 s19, s26;
	s5 =	sor.u32 s6, s7;
	s12 =	sor.u32 s18, s26;
	v11 =	vand.u32 $0x6F, v12;
	v12 =	vand.u32 $0xC00, v4;
	[tilespmem:s30+$0x0] =	vst v9;
	v18 =	vld.idx.msk [tilespmem:v5+s31+$0x0], $0xffff  }
0xaa: {  	s17 =	sadd.s32 $0xC800, s24;
	s18 =	sor.u32 s4, s11;
	s22 =	sor.u32 s16, s26;
	v15 =	vadd.s32 $0x18, v13;
	v4 =	vadd.s32 $0x48, v10;
	[tilespmem:s3+$0x0] =	vst v8;
	v5 =	vshll.u32 v16, $0x9;
	v17 =	vld.idx.msk [tilespmem:v63+s31+$0x0], $0xffff  }
0xab: {  	v9 =	vshll.u32 v16, $0x7;
	s26 =	sor.u32 s8, s7;
	s7 =	simm.s32 $0x4A0;
	s30 =	sor.u32 s6, s0;
	v16 =	vadd.s32 $0x1, v22;
	[tilespmem:v6+s25+$0x0] =	vst.idx.msk $0xffff, v2;
	v10 =	vand.u32 $0xFFFFF000, v5;
	v5 =	vld.idx.msk [tilespmem:v19+s31+$0x0], $0xffff  }
0xac: {  	s19 =	sor.u32 s8, s11;
	s11 =	sor.u32 s8, s0;
	v6 =	vand.u32 $0x380, v9;
	vm15 =	vlt.s32 v16, $0x17;
	v21 =	vld [tilespmem:s7+$0xFFFFFFF0];
	[dreg:$0x6] =	wrdreg s30;
	v9 =	vor.u32 v12, v10  }
0xad: {  	s20 =	sor.u32 s23, s17;
	s4 =	sor.u32 s9, s17;
	s28 =	sor.u32 s15, s17;
	v12 =	vadd.s32 $0x30, v7;
	v19 =	vnsel vm15, $0x17, v16;
	[tilespmem:s5+$0x0] =	vst v20;
	v8 =	vor.u32 v6, v9;
	v9 =	vld.idx.msk [tilespmem:v25+s31+$0x0], $0xffff  }
0xae: {  	s16 =	simm.s32 $0x8;
	s6 =	smov.u32 s24;
	s24 =	smov.u32 s21;
	[tilespmem:s28+$0x0] =	vst v23;
	v6 =	vadd.s32 $0x48, v7;
	v7 =	vadd.s32 $0x30, v19;
	v10 =	vld.idx.msk [tilespmem:v26+s31+$0x0], $0xffff;
	v8 =	vor.u32 v11, v8  }
0xaf: {  	s3 =	sor.u32 s21, s17;
	s0 =	simm.s32 $0x600;
	s8 =	simm.s32 $0xC0;
	[tilespmem:s26+$0x0] =	vst v14;
	v11 =	vadd.s32 $0x18, v19;
	v22 =	vld.idx.msk [tilespmem:v15+s31+$0x0], $0xffff;
	v15 =	vadd.s32 $0x4000, v8;
	v8 =	vadd.s32 $0x48, v19  }
.LBB2_2:
0xb0: {  	[dreg:$0x14] =	wrdreg s9  }
0xb1: {  	[dreg:$0x13] =	wrdreg s29  }
0xb2: {  	[dreg:$0x10] =	wrdreg s14  }
0xb3: {  	[dreg:$0xf] =	wrdreg s20  }
0xb4: {  	[dreg:$0xe] =	wrdreg s10  }
0xb5: {  	[dreg:$0xd] =	wrdreg s18;
	s26 =	smov.u32 s23  }
0xb6: {  	s23 =	sand.u32 $0xC00, s0;
	s17 =	sadd.s32 $0x30, s8;
	s5 =	simm.s32 $0x8400;
	[tilespmem:s22+$0x0] =	vst v18  }
0xb7: {  	[dreg:$0xc] =	wrdreg s4;
	v14 =	vld.idx.msk [tilespmem:v12+s5+$0x0], $0xffff;
	s1 =	sadd.s32 $0xC480, s23;
	s22 =	sand.u32 $0x70, s17;
	[tilespmem:v15+s25+$0x0] =	vst.idx.msk $0xffff, v2  }
0xb8: {  	[dreg:$0x9] =	wrdreg s3;
	s29 =	sand.u32 $0x40, s8;
	[tilespmem:s12+$0x0] =	vst v17;
	s4 =	sor.u32 s22, s1  }
0xb9: {  	v16 =	vmov s8;
	s3 =	sadd.s32 $0x10, s8;
	v26 =	vadd.s32 $0x30, v13;
	s21 =	sadd.s32 $0xD480, s6;
	s31 =	sor.u32 s29, s1;
	[tilespmem:s4+$0x0] =	vst v0  }
0xba: {  	v12 =	vshll.u32 v16, $0x3;
	v16 =	vmov s3;
	v20 =	vor.u32 s3, v1;
	s9 =	sor.u32 s15, s21;
	v18 =	vld.idx.msk [tilespmem:v19+s5+$0x0], $0xffff;
	s12 =	sand.u32 $0x50, s3;
	s3 =	sadd.s32 $0xC500, s23;
	[tilespmem:s31+$0x0] =	vst v0  }
0xbb: {  	[dreg:$0xb] =	wrdreg s11;
	s10 =	sor.u32 s22, s3;
	[tilespmem:s9+$0x0] =	vst v22  }
0xbc: {  	[dreg:$0xa] =	wrdreg s19;
	s4 =	sadd.s32 $0xC580, s23;
	s9 =	sor.u32 s29, s3;
	[tilespmem:s10+$0x0] =	vst v0  }
0xbd: {  	[dreg:$0x8] =	wrdreg s0;
	s18 =	sadd.s32 $0xC600, s23;
	s11 =	sor.u32 s22, s4;
	[tilespmem:s9+$0x0] =	vst v0  }
0xbe: {  	s2 =	sadd.s32 $0x20, s8;
	s19 =	sadd.s32 $0xC680, s23;
	s14 =	sor.u32 s22, s18;
	v28 =	vld.idx.msk [tilespmem:v26+s5+$0x0], $0xffff;
	[tilespmem:s11+$0x0] =	vst v0  }
0xbf: {  	s16 =	sadd.s32 $0x4, s16;
	s20 =	sadd.s32 $0xC700, s23;
	s28 =	sor.u32 s22, s19;
	[tilespmem:s14+$0x0] =	vst v0  }
0xc0: {  	s25 =	sand.u32 $0x60, s2;
	[dreg:$0x7] =	wrdreg s16;
	v23 =	vand.u32 $0xC00, v12;
	v12 =	vshll.u32 v16, $0x3;
	s30 =	sor.u32 s22, s20;
	[tilespmem:s28+$0x0] =	vst v0  }
0xc1: {  	p0 =	slt.u32 s16, $0x1C;
	v58 =	vmov s17;
	v19 =	vand.u32 $0xC00, v12;
	v12 =	vor.u32 s2, v1;
	s11 =	sadd.s32 $0xC780, s23;
	s28 =	sor.u32 s29, s4;
	[tilespmem:s30+$0x0] =	vst v0  }
0xc2: {  	s16 =	sadd.s32 $0xD500, s6;
	v32 =	vor.u32 s17, v1;
	s17 =	sor.u32 s24, s21;
	v27 =	vld [tilespmem:s7+$0x0];
	v15 =	vand.u32 $0x6F, v12;
	v12 =	vadd.s32 $0x1, v21;
	s0 =	sor.u32 s22, s11;
	[tilespmem:s28+$0x0] =	vst v0  }
0xc3: {  	v16 =	vmov s2;
	s2 =	sor.u32 s15, s16;
	s31 =	sor.u32 s12, s1;
	vm0 =	vlt.s32 v12, $0x17;
	s30 =	sor.u32 s29, s18;
	[tilespmem:s0+$0x0] =	vst v0  }
0xc4: {  	s1 =	sor.u32 s25, s1;
	v29 =	vnsel vm0, $0x17, v12;
	s0 =	smov.u32 s7;
	s7 =	sadd.s32 $0x40, s13;
	[tilespmem:s30+$0x0] =	vst v0  }
0xc5: {  	v13 =	vadd.s32 $0x48, v13;
	s5 =	smov.u32 s15;
	s15 =	sor.u32 s29, s19;
	s14 =	sor.u32 s29, s20;
	v30 =	vld [tilespmem:s7+$0x10];
	[tilespmem:s2+$0x0] =	vst v28  }
0xc6: {  	s2 =	sor.u32 s12, s3;
	[tilespmem:s15+$0x0] =	vst v0;
	s15 =	sadd.s32 $0xD580, s6;
	s6 =	rddreg [dreg:$0x14]  }
0xc7: {  	v12 =	vadd.s32 $0x1, v27;
	s10 =	sor.u32 s29, s11;
	s13 =	simm.s32 $0x8400;
	[dreg:$0x19] =	wrdreg s2  }
0xc8: {  	vm13 =	vlt.s32 v12, $0x17;
	s2 =	sor.u32 s12, s4;
	s9 =	sor.u32 s5, s15;
	s5 =	rddreg [dreg:$0x13]  }
0xc9: {  	v16 =	vshll.u32 v16, $0x3;
	v27 =	vnsel vm13, $0x17, v12;
	s28 =	sor.u32 s12, s11;
	v57 =	vld.idx.msk [tilespmem:v29+s13+$0x0], $0xffff;
	[dreg:$0x18] =	wrdreg s2;
	s2 =	sor.u32 s12, s18  }
0xca: {  	v17 =	vand.u32 $0xC00, v16;
	v55 =	vadd.s32 $0x18, v29;
	s30 =	sor.u32 s25, s4;
	[tilespmem:s31+$0x0] =	vst v0;
	v13 =	vld.idx.msk [tilespmem:v13+s13+$0x0], $0xffff;
	s4 =	sor.u32 s25, s18;
	[dreg:$0x17] =	wrdreg s2  }
0xcb: {  	v16 =	vadd.s32 $0x30, v29;
	v21 =	vadd.s32 $0x48, v29;
	v56 =	vadd.s32 $0x18, v27;
	[tilespmem:s14+$0x0] =	vst v0;
	s14 =	sor.u32 s26, s16;
	s2 =	sor.u32 s12, s19;
	s31 =	rddreg [dreg:$0x18]  }
0xcc: {  	v12 =	vadd.s32 $0x30, v27;
	v29 =	vshll.u32 v58, $0x3;
	s18 =	sor.u32 s25, s19;
	[dreg:$0x16] =	wrdreg s2;
	s2 =	sor.u32 s12, s20;
	v31 =	vshll.u32 v30, $0x9  }
0xcd: {  	v29 =	vand.u32 $0xC00, v29;
	s19 =	sor.u32 s25, s20;
	s20 =	sor.u32 s26, s21;
	[dreg:$0x15] =	wrdreg s2;
	v30 =	vshll.u32 v30, $0x7;
	v31 =	vand.u32 $0xFFFFF000, v31  }
0xce: {  	v22 =	vadd.s32 $0x48, v27;
	[tilespmem:s10+$0x0] =	vst v0;
	s10 =	sor.u32 s26, s15;
	v27 =	vld.idx.msk [tilespmem:v27+s13+$0x0], $0xffff;
	s13 =	sor.u32 s6, s15;
	[dreg:$0x12] =	wrdreg s20;
	v30 =	vand.u32 $0x380, v30;
	v29 =	vor.u32 v29, v31  }
0xcf: {  	s2 =	sor.u32 s6, s21;
	s20 =	sor.u32 s6, s16;
	s16 =	sor.u32 s24, s16;
	[tilespmem:s9+$0x0] =	vst v13;
	v13 =	vand.u32 $0x7F, v32;
	v29 =	vor.u32 v30, v29  }
0xd0: {  	v59 =	vld [tilespmem:s7+$0xFFFFFFE0];
	s21 =	sor.u32 s24, s15;
	s6 =	smov.u32 s23;
	s24 =	rddreg [dreg:$0x19];
	v13 =	vor.u32 v13, v29  }
0xd1: {  	s23 =	smov.u32 s29;
	s29 =	smov.u32 s10;
	s10 =	rddreg [dreg:$0x6];
	[tilespmem:s24+$0x0] =	vst v0;
	v13 =	vadd.s32 $0x4000, v13  }
0xd2: {  	s11 =	sor.u32 s25, s11;
	s15 =	smov.u32 s22;
	[tilespmem:s31+$0x0] =	vst v0;
	s31 =	rddreg [dreg:$0x17]  }
0xd3: {  	s9 =	smov.u32 s12;
	s12 =	smov.u32 s10;
	s10 =	rddreg [dreg:$0x16];
	[tilespmem:s31+$0x0] =	vst v0  }
0xd4: {  	s22 =	smov.u32 s5;
	s5 =	smov.u32 s13;
	s13 =	rddreg [dreg:$0x15];
	[tilespmem:s10+$0x0] =	vst v0  }
0xd5: {  	s3 =	sor.u32 s25, s3;
	s24 =	smov.u32 s25;
	s25 =	simm.s32 $0x8480;
	v60 =	vshll.u32 v59, $0x9;
	[tilespmem:s13+$0x0] =	vst v0  }
0xd6: {  	s0 =	sadd.s32 $0x40, s0;
	v30 =	vshll.u32 v59, $0x7;
	v29 =	vand.u32 $0xFFFFF000, v60;
	[tilespmem:v13+s25+$0x0] =	vst.idx.msk $0xffff, v2  }
0xd7: {  	v24 =	vor.u32 s8, v1;
	v30 =	vand.u32 $0x380, v30;
	[tilespmem:s28+$0x0] =	vst v0;
	v13 =	vor.u32 v23, v29;
	v23 =	vld [tilespmem:s0+$0x10]  }
0xd8: {  	v25 =	vand.u32 $0x4F, v24;
	[tilespmem:s1+$0x0] =	vst v0;
	v61 =	vld [tilespmem:s7+$0xFFFFFFF0];
	v13 =	vor.u32 v30, v13  }
0xd9: {  	[tilespmem:s3+$0x0] =	vst v0;
	v13 =	vor.u32 v25, v13  }
0xda: {  	[tilespmem:s30+$0x0] =	vst v0;
	v25 =	vadd.s32 $0x4000, v13  }
0xdb: {  	[tilespmem:s4+$0x0] =	vst v0  }
0xdc: {  	s1 =	rddreg [dreg:$0x10];
	[tilespmem:s18+$0x0] =	vst v0;
	v13 =	vadd.s32 $0x1, v23  }
0xdd: {  	s3 =	rddreg [dreg:$0xe];
	[tilespmem:s19+$0x0] =	vst v0;
	v23 =	vshll.u32 v61, $0x9;
	vm14 =	vlt.s32 v13, $0x17  }
0xde: {  	s30 =	rddreg [dreg:$0x9];
	[tilespmem:s11+$0x0] =	vst v0;
	v29 =	vshll.u32 v61, $0x7;
	v23 =	vand.u32 $0xFFFFF000, v23;
	v13 =	vnsel vm14, $0x17, v13  }
0xdf: {  	s19 =	rddreg [dreg:$0xf];
	v29 =	vand.u32 $0x380, v29;
	[tilespmem:v25+s25+$0x0] =	vst.idx.msk $0xffff, v2;
	v19 =	vor.u32 v19, v23;
	v23 =	vld [tilespmem:s7+$0x0]  }
0xe0: {  	v20 =	vand.u32 $0x5F, v20;
	s26 =	simm.s32 $0x8400;
	s28 =	rddreg [dreg:$0xc];
	v25 =	vld [tilespmem:s0+$0xFFFFFFE0];
	v19 =	vor.u32 v29, v19;
	[tilespmem:s19+$0x0] =	vst v18  }
0xe1: {  	[dreg:$0x11] =	wrdreg s2;
	[tilespmem:s28+$0x0] =	vst v57;
	v18 =	vor.u32 v20, v19;
	v11 =	vld.idx.msk [tilespmem:v11+s26+$0x0], $0xffff  }
0xe2: {  	s31 =	rddreg [dreg:$0xd];
	[tilespmem:s30+$0x0] =	vst v27;
	v20 =	vld.idx.msk [tilespmem:v55+s26+$0x0], $0xffff;
	v19 =	vadd.s32 $0x4000, v18  }
0xe3: {  	[dreg:$0x6] =	wrdreg s5;
	[tilespmem:s31+$0x0] =	vst v9;
	v62 =	vld.idx.msk [tilespmem:v13+s26+$0x0], $0xffff  }
0xe4: {  	s2 =	rddreg [dreg:$0xa];
	[tilespmem:s1+$0x0] =	vst v10;
	v9 =	vshll.u32 v23, $0x9;
	v18 =	vshll.u32 v23, $0x7;
	v23 =	vld.idx.msk [tilespmem:v56+s26+$0x0], $0xffff  }
0xe5: {  	s8 =	sadd.s32 $0x40, s8;
	s4 =	rddreg [dreg:$0xb];
	[tilespmem:s2+$0x0] =	vst v14;
	v9 =	vand.u32 $0xFFFFF000, v9;
	v10 =	vand.u32 $0x380, v18;
	v18 =	vld.idx.msk [tilespmem:v3+s26+$0x0], $0xffff  }
0xe6: {  	s5 =	sadd.s32 $0xC800, s6;
	s18 =	smov.u32 s14;
	s13 =	smov.u32 s7;
	v63 =	vadd.s32 $0x18, v13;
	[tilespmem:s3+$0x0] =	vst v5;
	v9 =	vor.u32 v17, v9;
	v17 =	vld.idx.msk [tilespmem:v4+s26+$0x0], $0xffff  }
.Ltmp0:
0xe7: {  	s28 =	rddreg [dreg:$0x12];
	s7 =	smov.u32 s0;
	v3 =	vmov v8;
	v8 =	vadd.s32 $0x1, v25;
	v5 =	vld.idx.msk [tilespmem:v6+s26+$0x0], $0xffff;
	[tilespmem:v19+s25+$0x0] =	vst.idx.msk $0xffff, v2;
	(pc) =	sbr.rel @p0 .LBB2_2-.Ltmp0, $4  }
0xe8: {  	s14 =	smov.u32 s20;
	s20 =	sor.u32 s23, s5;
	s31 =	rddreg [dreg:$0x11];
	v4 =	vmov v21;
	vm15 =	vlt.s32 v8, $0x17;
	[tilespmem:s28+$0x0] =	vst v11;
	v9 =	vor.u32 v10, v9;
	v21 =	vld [tilespmem:s7+$0xFFFFFFF0]  }
0xe9: {  	s10 =	smov.u32 s4;
	s11 =	smov.u32 s21;
	s21 =	sor.u32 s15, s5;
	v19 =	vnsel vm15, $0x17, v8;
	v8 =	vor.u32 v15, v9;
	v9 =	vld.idx.msk [tilespmem:v7+s26+$0x0], $0xffff;
	[tilespmem:s31+$0x0] =	vst v20  }
0xea: {  	s4 =	sor.u32 s9, s5;
	s30 =	rddreg [dreg:$0x8];
	s19 =	smov.u32 s16;
	v11 =	vadd.s32 $0x18, v19;
	[tilespmem:s21+$0x0] =	vst v62;
	v10 =	vld.idx.msk [tilespmem:v16+s26+$0x0], $0xffff  }
0xeb: {  	s16 =	rddreg [dreg:$0x7];
	s0 =	sadd.s32 $0x200, s30;
	s3 =	sor.u32 s24, s5;
	v6 =	vmovc v22;
	v7 =	vadd.s32 $0x30, v19;
	v15 =	vadd.s32 $0x4000, v8;
	v8 =	vadd.s32 $0x48, v19;
	[tilespmem:s17+$0x0] =	vst v23;
	v22 =	vld.idx.msk [tilespmem:v63+s26+$0x0], $0xffff  }
0xec: {  	_ =	sdelay $0x3  }
0xed: {  	[tilespmem:v15+s25+$0x0] =	vst.idx.msk $0xffff, v2  }
0xee: {  	v14 =	vld [tilespmem:s7+$0x0];
	_ =	sdelay $0x2  }
0xef: {  	v16 =	vadd.s32 $0x1, v21  }
0xf0: {  	vm0 =	vlt.s32 v16, $0x17  }
0xf1: {  	v16 =	vnsel vm0, $0x17, v16;
	v14 =	vadd.s32 $0x1, v14  }
0xf2: {  	v15 =	vadd.s32 $0x30, v13;
	vm15 =	vlt.s32 v14, $0x17  }
0xf3: {  	v14 =	vnsel vm15, $0x17, v14  }
0xf4: {  	s0 =	sadd.s32 $0xD480, s6;
	s5 =	simm.s32 $0x8400  }
0xf5: {  	s1 =	sor.u32 s15, s0;
	v19 =	vld.idx.msk [tilespmem:v19+s5+$0x0], $0xffff  }
0xf6: {  	[tilespmem:s1+$0x0] =	vst v22;
	v20 =	vld.idx.msk [tilespmem:v16+s5+$0x0], $0xffff  }
0xf7: {  	v21 =	vadd.s32 $0x18, v16;
	v15 =	vld.idx.msk [tilespmem:v15+s5+$0x0], $0xffff  }
0xf8: {  	[tilespmem:s22+$0x0] =	vst v18;
	v22 =	vld.idx.msk [tilespmem:v14+s5+$0x0], $0xffff  }
0xf9: {  	[tilespmem:s12+$0x0] =	vst v17;
	v23 =	vadd.s32 $0x18, v14  }
0xfa: {  	s8 =	sadd.s32 $0xD500, s6;
	[tilespmem:s20+$0x0] =	vst v19  }
0xfb: {  	v13 =	vadd.s32 $0x48, v13;
	s2 =	sor.u32 s15, s8;
	v11 =	vld.idx.msk [tilespmem:v11+s5+$0x0], $0xffff;
	[tilespmem:s4+$0x0] =	vst v20  }
0xfc: {  	[tilespmem:s2+$0x0] =	vst v15;
	v15 =	vld.idx.msk [tilespmem:v21+s5+$0x0], $0xffff  }
0xfd: {  	v17 =	vadd.s32 $0x30, v16;
	[tilespmem:s3+$0x0] =	vst v22  }
0xfe: {  	[tilespmem:s10+$0x0] =	vst v5;
	v18 =	vld.idx.msk [tilespmem:v23+s5+$0x0], $0xffff  }
0xff: {  	v12 =	vld.idx.msk [tilespmem:v12+s5+$0x0], $0xffff;
	s17 =	sor.u32 s23, s0;
	[tilespmem:s18+$0x0] =	vst v9;
	v19 =	vadd.s32 $0x30, v14  }
0x100: {  	s18 =	sor.u32 s9, s0;
	v13 =	vld.idx.msk [tilespmem:v13+s5+$0x0], $0xffff;
	[tilespmem:s17+$0x0] =	vst v11  }
0x101: {  	v7 =	vld.idx.msk [tilespmem:v7+s5+$0x0], $0xffff;
	[tilespmem:s18+$0x0] =	vst v15  }
0x102: {  	s0 =	sor.u32 s24, s0;
	[tilespmem:s14+$0x0] =	vst v10;
	v9 =	vld.idx.msk [tilespmem:v17+s5+$0x0], $0xffff  }
0x103: {  	s13 =	sadd.s32 $0xD580, s6;
	v11 =	vadd.s32 $0x48, v16;
	[tilespmem:s0+$0x0] =	vst v18  }
0x104: {  	s16 =	sor.u32 s15, s13;
	[tilespmem:s19+$0x0] =	vst v12;
	v10 =	vld.idx.msk [tilespmem:v19+s5+$0x0], $0xffff  }
0x105: {  	v3 =	vld.idx.msk [tilespmem:v3+s5+$0x0], $0xffff;
	s20 =	sor.u32 s23, s8;
	[tilespmem:s16+$0x0] =	vst v13;
	v13 =	vadd.s32 $0x48, v14  }
0x106: {  	s21 =	sor.u32 s9, s8;
	v5 =	vld.idx.msk [tilespmem:v6+s5+$0x0], $0xffff;
	[tilespmem:s20+$0x0] =	vst v7  }
0x107: {  	v6 =	vld.idx.msk [tilespmem:v8+s5+$0x0], $0xffff;
	[tilespmem:s21+$0x0] =	vst v9  }
0x108: {  	s22 =	sor.u32 s24, s8;
	v7 =	vld.idx.msk [tilespmem:v11+s5+$0x0], $0xffff  }
0x109: {  	v4 =	vld.idx.msk [tilespmem:v4+s5+$0x0], $0xffff;
	[tilespmem:s22+$0x0] =	vst v10  }
0x10a: {  	[tilespmem:s29+$0x0] =	vst v3;
	v3 =	vld.idx.msk [tilespmem:v13+s5+$0x0], $0xffff  }
0x10b: {  	s26 =	sor.u32 s23, s13;
	s0 =	rddreg [dreg:$0x6];
	[tilespmem:s11+$0x0] =	vst v5  }
0x10c: {  	s28 =	sor.u32 s9, s13;
	[tilespmem:s26+$0x0] =	vst v6  }
0x10d: {  	[tilespmem:s28+$0x0] =	vst v7  }
0x10e: {  	s29 =	sor.u32 s24, s13;
	[tilespmem:s0+$0x0] =	vst v4  }
0x10f: {  	s30 =	simm.s32 $0x1;
	s2 =	simm.s32 $0x0;
	[tilespmem:s29+$0x0] =	vst v3  }
0x110: {  	s31 =	sand.u32 $0x40, s2;
	_ =	swait.ge [sflag:s30], $0x1F80  }
0x111: {  	s7 =	sor.u32 $0x30, s31;
	s3 =	sand.u32 $0x180, s2;
	[sflag:s30] =	ssyncset.done $0x0  }
0x112: {  	s8 =	sor.u32 $0x10, s31;
	s9 =	sor.u32 s7, s3;
	[sflag:s30] =	ssyncadd.s32 $0xFFFFE080  }
0x113: {  	s10 =	sor.u32 s8, s3;
	v8 =	vld [tilespmem:s9+$0x0]  }
0x114: {  	s11 =	sor.u32 $0x20, s31;
	v6 =	vld [tilespmem:s10+$0x0]  }
0x115: {  	s1 =	sor.u32 s11, s3;
	v3 =	vld [tilespmem:s2+$0x0]  }
0x116: {  	v7 =	vld [tilespmem:s1+$0x0];
	_ =	sdelay $0x1  }
0x117: {  	v4 =	vadd.s32 $0x1, v8  }
0x118: {  	v5 =	vadd.s32 $0x1, v6  }
0x119: {  	v9 =	vadd.s32 $0x1, v3  }
0x11a: {  	v10 =	vadd.s32 $0x1, v7  }
0x11b: {  	s24 =	simm.s32 $0x600  }
0x11c: {  	v4 =	vld.idx.msk [tilespmem:v4+s24+$0x0], $0xffff  }
0x11d: {  	v11 =	vadd.s32 $0x3F1, v8;
	v5 =	vld.idx.msk [tilespmem:v5+s24+$0x0], $0xffff  }
0x11e: {  	s12 =	sand.u32 $0xC00, s2;
	v12 =	vadd.s32 $0x3F1, v6;
	v9 =	vld.idx.msk [tilespmem:v9+s24+$0x0], $0xffff  }
0x11f: {  	s13 =	sadd.s32 $0x8480, s12;
	v13 =	vadd.s32 $0x3F1, v3;
	v10 =	vld.idx.msk [tilespmem:v10+s24+$0x0], $0xffff  }
0x120: {  	s3 =	sor.u32 s7, s13;
	v14 =	vadd.s32 $0x3F1, v7  }
0x121: {  	s4 =	sor.u32 s8, s13;
	[tilespmem:s3+$0x0] =	vst v4  }
0x122: {  	s1 =	sor.u32 s31, s13;
	[tilespmem:s4+$0x0] =	vst v5;
	v4 =	vld.idx.msk [tilespmem:v11+s24+$0x0], $0xffff  }
0x123: {  	s5 =	sor.u32 s11, s13;
	[tilespmem:s1+$0x0] =	vst v9;
	v9 =	vadd.s32 $0x7E1, v8;
	v5 =	vld.idx.msk [tilespmem:v12+s24+$0x0], $0xffff  }
0x124: {  	[tilespmem:s5+$0x0] =	vst v10;
	v11 =	vadd.s32 $0x7E1, v6;
	v12 =	vld.idx.msk [tilespmem:v13+s24+$0x0], $0xffff  }
0x125: {  	v10 =	vld.idx.msk [tilespmem:v14+s24+$0x0], $0xffff;
	v13 =	vadd.s32 $0x7E1, v3  }
0x126: {  	v14 =	vadd.s32 $0x7E1, v7  }
0x127: {  	[tilespmem:s3+$0x80] =	vst v4  }
0x128: {  	[tilespmem:s4+$0x80] =	vst v5;
	v5 =	vld.idx.msk [tilespmem:v9+s24+$0x0], $0xffff  }
0x129: {  	s0 =	simm.s32 $0x40;
	[tilespmem:s1+$0x80] =	vst v12;
	v9 =	vld.idx.msk [tilespmem:v11+s24+$0x0], $0xffff;
	v11 =	vadd.s32 $0xBD1, v8  }
0x12a: {  	s14 =	sand.u32 $0x40, s0;
	v12 =	vadd.s32 $0xBD1, v6;
	[tilespmem:s5+$0x80] =	vst v10;
	v13 =	vld.idx.msk [tilespmem:v13+s24+$0x0], $0xffff  }
0x12b: {  	s23 =	sand.u32 $0x180, s0;
	s26 =	sor.u32 $0x30, s14;
	v10 =	vld.idx.msk [tilespmem:v14+s24+$0x0], $0xffff;
	v14 =	vadd.s32 $0xBD1, v3  }
0x12c: {  	s8 =	sor.u32 s26, s23;
	v15 =	vadd.s32 $0xBD1, v7;
	v4 =	vld [tilespmem:s0+$0x0]  }
0x12d: {  	[tilespmem:s3+$0x100] =	vst v5;
	v5 =	vld [tilespmem:s8+$0x0]  }
0x12e: {  	[tilespmem:s4+$0x100] =	vst v9;
	v9 =	vld.idx.msk [tilespmem:v11+s24+$0x0], $0xffff  }
0x12f: {  	[tilespmem:s1+$0x100] =	vst v13;
	v11 =	vld.idx.msk [tilespmem:v12+s24+$0x0], $0xffff  }
0x130: {  	s28 =	sor.u32 $0x10, s14;
	[tilespmem:s5+$0x100] =	vst v10;
	v12 =	vadd.s32 $0xFC1, v8;
	v13 =	vld.idx.msk [tilespmem:v14+s24+$0x0], $0xffff  }
0x131: {  	s29 =	sor.u32 s28, s23;
	v10 =	vld.idx.msk [tilespmem:v15+s24+$0x0], $0xffff;
	v14 =	vadd.s32 $0xFC1, v6  }
0x132: {  	s30 =	sor.u32 $0x20, s14;
	v18 =	vld [tilespmem:s29+$0x0];
	v15 =	vadd.s32 $0xFC1, v7  }
0x133: {  	s31 =	sor.u32 s30, s23;
	v16 =	vadd.s32 $0x1, v4  }
0x134: {  	v19 =	vld [tilespmem:s31+$0x0];
	[tilespmem:s3+$0x180] =	vst v9  }
0x135: {  	p0 =	por $0x0, $0x0;
	s9 =	simm.s32 $0x1;
	v9 =	vadd.s32 $0xFC1, v3;
	[tilespmem:s4+$0x180] =	vst v11;
	v12 =	vld.idx.msk [tilespmem:v12+s24+$0x0], $0xffff  }
0x136: {  	s9 =	simm.s32 @!p0 $0x0;
	[tilespmem:s5+$0x180] =	vst v10;
	v10 =	vadd.s32 $0x1, v5;
	v14 =	vld.idx.msk [tilespmem:v14+s24+$0x0], $0xffff  }
0x137: {  	s4 =	sshll.u32 s9, $0x6;
	[tilespmem:s1+$0x180] =	vst v13;
	v13 =	vld.idx.msk [tilespmem:v15+s24+$0x0], $0xffff;
	v15 =	vadd.s32 $0x1, v18  }
0x138: {  	v16 =	vld.idx.msk [tilespmem:v16+s24+$0x0], $0xffff;
	v11 =	vadd.s32 $0x13B1, v8;
	s5 =	sadd.s32 $0x0, s4  }
0x139: {  	v20 =	vadd.s32 $0x1, v19;
	s3 =	simm.s32 $0x200;
	s9 =	sadd.s32 $0x30, s5  }
0x13a: {  	v17 =	vadd.s32 $0x13B1, v6;
	s22 =	sand.u32 $0xC00, s3;
	s17 =	sadd.s32 $0x10, s5;
	s16 =	sor.u32 $0x200, s9;
	v9 =	vld.idx.msk [tilespmem:v9+s24+$0x0], $0xffff  }
0x13b: {  	s11 =	sadd.s32 $0x8480, s22;
	s18 =	sor.u32 $0x200, s17;
	v10 =	vld.idx.msk [tilespmem:v10+s24+$0x0], $0xffff;
	[tilespmem:s16+$0x8480] =	vst v12;
	v12 =	vadd.s32 $0x13B1, v7  }
0x13c: {  	v21 =	vadd.s32 $0x13B1, v3;
	s19 =	sadd.s32 $0x20, s5;
	s7 =	sor.u32 s14, s11;
	[tilespmem:s18+$0x8480] =	vst v14;
	v14 =	vld.idx.msk [tilespmem:v15+s24+$0x0], $0xffff  }
0x13d: {  	v22 =	vadd.s32 $0x3F1, v5;
	s20 =	sor.u32 $0x200, s19;
	[tilespmem:s7+$0x0] =	vst v16;
	v11 =	vld.idx.msk [tilespmem:v11+s24+$0x0], $0xffff  }
0x13e: {  	v23 =	vadd.s32 $0x3F1, v18;
	s21 =	sor.u32 $0x200, s5;
	[tilespmem:s20+$0x8480] =	vst v13;
	v13 =	vld.idx.msk [tilespmem:v20+s24+$0x0], $0xffff  }
0x13f: {  	s15 =	sor.u32 s26, s11;
	v15 =	vadd.s32 $0x17A1, v8;
	v17 =	vld.idx.msk [tilespmem:v17+s24+$0x0], $0xffff;
	[tilespmem:s21+$0x8480] =	vst v9  }
0x140: {  	s12 =	sor.u32 s28, s11;
	v20 =	vadd.s32 $0x3F1, v19;
	[tilespmem:s15+$0x0] =	vst v10;
	v12 =	vld.idx.msk [tilespmem:v12+s24+$0x0], $0xffff  }
0x141: {  	s23 =	sor.u32 $0x280, s9;
	v9 =	vadd.s32 $0x3F1, v4;
	v24 =	vld.idx.msk [tilespmem:v21+s24+$0x0], $0xffff;
	[tilespmem:s12+$0x0] =	vst v14  }
0x142: {  	s11 =	sor.u32 s30, s11;
	v14 =	vld.idx.msk [tilespmem:v22+s24+$0x0], $0xffff;
	[tilespmem:s23+$0x8480] =	vst v11;
	v11 =	vadd.s32 $0x17A1, v6  }
0x143: {  	[tilespmem:s11+$0x0] =	vst v13;
	v13 =	vadd.s32 $0x7E1, v5;
	v16 =	vld.idx.msk [tilespmem:v23+s24+$0x0], $0xffff  }
0x144: {  	s26 =	sor.u32 $0x280, s17;
	v10 =	vld.idx.msk [tilespmem:v15+s24+$0x0], $0xffff;
	v15 =	vadd.s32 $0x17A1, v7  }
0x145: {  	s28 =	sor.u32 $0x280, s19;
	v8 =	vadd.s32 $0x1B91, v8;
	v23 =	vld.idx.msk [tilespmem:v20+s24+$0x0], $0xffff;
	[tilespmem:s26+$0x8480] =	vst v17  }
0x146: {  	v21 =	vadd.s32 $0x7E1, v18;
	v9 =	vld.idx.msk [tilespmem:v9+s24+$0x0], $0xffff;
	[tilespmem:s28+$0x8480] =	vst v12  }
0x147: {  	v26 =	vadd.s32 $0x7E1, v19;
	[tilespmem:s15+$0x80] =	vst v14;
	v25 =	vld.idx.msk [tilespmem:v11+s24+$0x0], $0xffff  }
0x148: {  	s29 =	sor.u32 $0x300, s9;
	v22 =	vadd.s32 $0x7E1, v4;
	[tilespmem:s12+$0x80] =	vst v16;
	v20 =	vld.idx.msk [tilespmem:v13+s24+$0x0], $0xffff  }
0x149: {  	v14 =	vadd.s32 $0x17A1, v3;
	v17 =	vld.idx.msk [tilespmem:v15+s24+$0x0], $0xffff;
	[tilespmem:s29+$0x8480] =	vst v10  }
0x14a: {  	v28 =	vadd.s32 $0x1B91, v6;
	[tilespmem:s11+$0x80] =	vst v23;
	v27 =	vld.idx.msk [tilespmem:v8+s24+$0x0], $0xffff  }
0x14b: {  	s13 =	sor.u32 $0x300, s17;
	v6 =	vadd.s32 $0x1B91, v7;
	v21 =	vld.idx.msk [tilespmem:v21+s24+$0x0], $0xffff;
	[tilespmem:s7+$0x80] =	vst v9  }
0x14c: {  	s6 =	simm.s32 $0x4;
	s2 =	sor.u32 s2, s2;
	s30 =	sor.u32 $0x280, s5;
	v7 =	vadd.s32 $0x1B91, v18;
	v12 =	vadd.s32 $0xFC1, v18;
	v23 =	vld.idx.msk [tilespmem:v26+s24+$0x0], $0xffff;
	[tilespmem:s13+$0x8480] =	vst v25;
	v25 =	vadd.s32 $0xBD1, v5  }
0x14d: {  	s2 =	sor.u32 $0x380, s2;
	s31 =	sor.u32 s3, s0;
	s10 =	sor.u32 $0x300, s5;
	[tilespmem:s30+$0x8480] =	vst v24;
	v24 =	vadd.s32 $0xBD1, v4;
	v16 =	vadd.s32 $0xBD1, v19;
	v15 =	vadd.s32 $0xBD1, v18;
	v22 =	vld.idx.msk [tilespmem:v22+s24+$0x0], $0xffff  }
0x14e: {  	s4 =	sor.u32 $0x380, s31;
	s14 =	sor.u32 $0x300, s19;
	s1 =	sor.u32 $0x380, s9;
	v13 =	vadd.s32 $0xFC1, v19;
	v10 =	vadd.s32 $0x13B1, v18;
	v9 =	vadd.s32 $0x17A1, v18;
	v18 =	vld.idx.msk [tilespmem:v14+s24+$0x0], $0xffff  }
0x14f: {  	s8 =	sor.u32 $0x380, s17;
	s5 =	sor.u32 $0x380, s19;
	s9 =	simm.s32 $0x80;
	v11 =	vadd.s32 $0x13B1, v19;
	v8 =	vadd.s32 $0x17A1, v19;
	v14 =	vadd.s32 $0x1B91, v19;
	v19 =	vld.idx.msk [tilespmem:v28+s24+$0x0], $0xffff;
	[tilespmem:s1+$0x8480] =	vst v27  }
.LBB2_4:
0x150: {  	v26 =	vld [tilespmem:s9+$0x0];
	[tilespmem:s15+$0x100] =	vst v20  }
0x151: {  	[tilespmem:s12+$0x100] =	vst v21;
	v20 =	vld.idx.msk [tilespmem:v25+s24+$0x0], $0xffff  }
0x152: {  	s0 =	sadd.s32 $0x40, s0;
	[tilespmem:s7+$0x100] =	vst v22;
	v15 =	vld.idx.msk [tilespmem:v15+s24+$0x0], $0xffff  }
0x153: {  	s6 =	sadd.s32 $0x4, s6;
	s1 =	sand.u32 $0x40, s0;
	v22 =	vadd.s32 $0xFC1, v5;
	v21 =	vld.idx.msk [tilespmem:v24+s24+$0x0], $0xffff;
	[tilespmem:s11+$0x100] =	vst v23  }
0x154: {  	s13 =	sand.u32 $0x180, s0;
	p1 =	slt.u32 s6, $0x1C;
	s17 =	sor.u32 $0x30, s1;
	v16 =	vld.idx.msk [tilespmem:v16+s24+$0x0], $0xffff;
	[tilespmem:s14+$0x8480] =	vst v17  }
0x155: {  	s19 =	sor.u32 $0x10, s1;
	s18 =	sor.u32 $0x20, s1;
	s14 =	sor.u32 s17, s13;
	[tilespmem:s10+$0x8480] =	vst v18;
	v17 =	vld.idx.msk [tilespmem:v6+s24+$0x0], $0xffff;
	v6 =	vmov v14  }
0x156: {  	s10 =	sor.u32 s19, s13;
	s13 =	sor.u32 s18, s13;
	v18 =	vld [tilespmem:s14+$0x0];
	[tilespmem:s8+$0x8480] =	vst v19  }
0x157: {  	v19 =	vadd.s32 $0xFC1, v4;
	v14 =	vld [tilespmem:s10+$0x0];
	[tilespmem:s15+$0x180] =	vst v20  }
0x158: {  	p0 =	por !p0, !p0;
	s8 =	simm.s32 $0x1;
	[tilespmem:s12+$0x180] =	vst v15;
	v20 =	vld.idx.msk [tilespmem:v22+s24+$0x0], $0xffff;
	v22 =	vadd.s32 $0x1B91, v3;
	v3 =	vmov v4;
	v4 =	vmov v26  }
0x159: {  	s8 =	simm.s32 @!p0 $0x0;
	v23 =	vadd.s32 $0x1, v4;
	v24 =	vld [tilespmem:s13+$0x0];
	[tilespmem:s7+$0x180] =	vst v21  }
0x15a: {  	v25 =	vadd.s32 $0x13B1, v5;
	s7 =	sshll.u32 s8, $0x6;
	v21 =	vld.idx.msk [tilespmem:v12+s24+$0x0], $0xffff;
	[tilespmem:s11+$0x180] =	vst v16  }
0x15b: {  	v27 =	vadd.s32 $0x13B1, v3;
	s7 =	sadd.s32 s7, s3;
	v26 =	vadd.s32 $0x1, v18;
	v28 =	vld.idx.msk [tilespmem:v13+s24+$0x0], $0xffff;
	[tilespmem:s5+$0x8480] =	vst v17  }
0x15c: {  	s5 =	sadd.s32 $0x10, s7;
	s11 =	sadd.s32 $0x20, s7;
	s16 =	sadd.s32 $0x30, s7;
	v17 =	vadd.s32 $0x1, v14;
	v29 =	vadd.s32 $0x3F1, v14;
	v30 =	vadd.s32 $0x7E1, v14;
	v19 =	vld.idx.msk [tilespmem:v19+s24+$0x0], $0xffff  }
0x15d: {  	v15 =	vadd.s32 $0xBD1, v14;
	v12 =	vadd.s32 $0xFC1, v14;
	v31 =	vadd.s32 $0x13B1, v14;
	s8 =	sor.u32 $0x200, s5;
	s12 =	sor.u32 $0x200, s11;
	s10 =	sor.u32 $0x200, s16;
	v22 =	vld.idx.msk [tilespmem:v22+s24+$0x0], $0xffff  }
0x15e: {  	s13 =	sor.u32 $0x200, s7;
	s23 =	sor.u32 $0x280, s5;
	s22 =	sor.u32 $0x280, s11;
	v23 =	vld.idx.msk [tilespmem:v23+s24+$0x0], $0xffff;
	v32 =	vadd.s32 $0x1, v24;
	v33 =	vadd.s32 $0x3F1, v24;
	v34 =	vadd.s32 $0x7E1, v24;
	[tilespmem:s10+$0x8480] =	vst v20  }
0x15f: {  	s21 =	sor.u32 $0x280, s7;
	s20 =	sor.u32 $0x300, s5;
	s14 =	sor.u32 $0x300, s11;
	v16 =	vadd.s32 $0xBD1, v24;
	v13 =	vadd.s32 $0xFC1, v24;
	v20 =	vadd.s32 $0x13B1, v24;
	v25 =	vld.idx.msk [tilespmem:v25+s24+$0x0], $0xffff  }
0x160: {  	v35 =	vadd.s32 $0x17A1, v14;
	v36 =	vadd.s32 $0x1B91, v14;
	v37 =	vadd.s32 $0x17A1, v24;
	s10 =	sor.u32 $0x300, s7;
	v26 =	vld.idx.msk [tilespmem:v26+s24+$0x0], $0xffff;
	[tilespmem:s8+$0x8480] =	vst v21;
	s8 =	sor.u32 $0x380, s5;
	s5 =	sor.u32 $0x380, s11  }
0x161: {  	v14 =	vadd.s32 $0x1B91, v24;
	v21 =	vadd.s32 $0x17A1, v5;
	v17 =	vld.idx.msk [tilespmem:v17+s24+$0x0], $0xffff;
	[tilespmem:s12+$0x8480] =	vst v28  }
0x162: {  	s3 =	sadd.s32 $0x200, s3;
	v24 =	vadd.s32 $0x3F1, v18;
	[tilespmem:s13+$0x8480] =	vst v19;
	v19 =	vld.idx.msk [tilespmem:v10+s24+$0x0], $0xffff;
	v10 =	vmov v31  }
0x163: {  	s7 =	sand.u32 $0xC00, s3;
	s11 =	sor.u32 s3, s0;
	v28 =	vld.idx.msk [tilespmem:v32+s24+$0x0], $0xffff;
	[tilespmem:s2+$0x8480] =	vst v22;
	s2 =	smov.u32 s4  }
0x164: {  	s13 =	sadd.s32 $0x8480, s7;
	v22 =	vadd.s32 $0x3F1, v4;
	s4 =	sor.u32 $0x380, s11;
	s11 =	sor.u32 $0x280, s16;
	v31 =	vld.idx.msk [tilespmem:v11+s24+$0x0], $0xffff;
	v11 =	vmov v20  }
0x165: {  	s7 =	sor.u32 s1, s13;
	s12 =	sor.u32 s19, s13;
	s15 =	sor.u32 s17, s13;
	v27 =	vld.idx.msk [tilespmem:v27+s24+$0x0], $0xffff;
	[tilespmem:s11+$0x8480] =	vst v25  }
0x166: {  	s11 =	sor.u32 s18, s13;
	[tilespmem:s15+$0x0] =	vst v26;
	v20 =	vld.idx.msk [tilespmem:v21+s24+$0x0], $0xffff  }
0x167: {  	[tilespmem:s12+$0x0] =	vst v17;
	v21 =	vld.idx.msk [tilespmem:v24+s24+$0x0], $0xffff  }
0x168: {  	v24 =	vadd.s32 $0x1B91, v5;
	v5 =	vmov v18;
	[tilespmem:s7+$0x0] =	vst v23;
	v23 =	vld.idx.msk [tilespmem:v29+s24+$0x0], $0xffff  }
0x169: {  	v18 =	vld.idx.msk [tilespmem:v22+s24+$0x0], $0xffff;
	[tilespmem:s11+$0x0] =	vst v28;
	v22 =	vadd.s32 $0x7E1, v5  }
0x16a: {  	v25 =	vld.idx.msk [tilespmem:v33+s24+$0x0], $0xffff;
	[tilespmem:s23+$0x8480] =	vst v19  }
0x16b: {  	s1 =	sor.u32 $0x300, s16;
	v19 =	vadd.s32 $0x7E1, v4;
	v26 =	vld.idx.msk [tilespmem:v9+s24+$0x0], $0xffff;
	[tilespmem:s22+$0x8480] =	vst v31;
	v9 =	vmov v35  }
0x16c: {  	v17 =	vld.idx.msk [tilespmem:v8+s24+$0x0], $0xffff;
	[tilespmem:s1+$0x8480] =	vst v20;
	v8 =	vmov v37  }
0x16d: {  	v28 =	vadd.s32 $0x17A1, v3;
	[tilespmem:s15+$0x80] =	vst v21;
	v29 =	vld.idx.msk [tilespmem:v24+s24+$0x0], $0xffff  }
0x16e: {  	[tilespmem:s12+$0x80] =	vst v23;
	v20 =	vld.idx.msk [tilespmem:v22+s24+$0x0], $0xffff  }
.Ltmp1:
0x16f: {  	[tilespmem:s7+$0x80] =	vst v18;
	v21 =	vld.idx.msk [tilespmem:v30+s24+$0x0], $0xffff;
	(pc) =	sbr.rel @p1 .LBB2_4-.Ltmp1, $4  }
0x170: {  	v22 =	vld.idx.msk [tilespmem:v19+s24+$0x0], $0xffff;
	[tilespmem:s11+$0x80] =	vst v25;
	v25 =	vadd.s32 $0xBD1, v5  }
0x171: {  	v23 =	vld.idx.msk [tilespmem:v34+s24+$0x0], $0xffff;
	[tilespmem:s21+$0x8480] =	vst v27  }
0x172: {  	s1 =	sor.u32 $0x380, s16;
	v24 =	vadd.s32 $0xBD1, v4;
	v18 =	vld.idx.msk [tilespmem:v28+s24+$0x0], $0xffff;
	[tilespmem:s20+$0x8480] =	vst v26  }
0x173: {  	s9 =	sadd.s32 $0x40, s9;
	v19 =	vld.idx.msk [tilespmem:v7+s24+$0x0], $0xffff;
	[tilespmem:s1+$0x8480] =	vst v29;
	v7 =	vmov v36  }
0x174: {  	_ =	sdelay $0x2  }
0x175: {  	[tilespmem:s15+$0x100] =	vst v20  }
0x176: {  	[tilespmem:s12+$0x100] =	vst v21;
	v20 =	vld.idx.msk [tilespmem:v25+s24+$0x0], $0xffff  }
0x177: {  	v15 =	vld.idx.msk [tilespmem:v15+s24+$0x0], $0xffff;
	[tilespmem:s7+$0x100] =	vst v22  }
0x178: {  	v21 =	vadd.s32 $0xFC1, v5;
	[tilespmem:s11+$0x100] =	vst v23;
	v22 =	vld.idx.msk [tilespmem:v24+s24+$0x0], $0xffff  }
0x179: {  	v16 =	vld.idx.msk [tilespmem:v16+s24+$0x0], $0xffff  }
0x17a: {  	v23 =	vadd.s32 $0xFC1, v4  }
0x17b: {  	[tilespmem:s15+$0x180] =	vst v20  }
0x17c: {  	p0 =	por !p0, !p0;
	s0 =	simm.s32 $0x1;
	[tilespmem:s12+$0x180] =	vst v15  }
0x17d: {  	s0 =	simm.s32 @!p0 $0x0;
	v15 =	vld.idx.msk [tilespmem:v21+s24+$0x0], $0xffff;
	[tilespmem:s7+$0x180] =	vst v22  }
0x17e: {  	s0 =	sshll.u32 s0, $0x6;
	v12 =	vld.idx.msk [tilespmem:v12+s24+$0x0], $0xffff;
	[tilespmem:s11+$0x180] =	vst v16;
	v16 =	vadd.s32 $0x13B1, v5  }
0x17f: {  	s0 =	sadd.s32 s0, s3;
	v20 =	vld.idx.msk [tilespmem:v23+s24+$0x0], $0xffff  }
0x180: {  	s1 =	sadd.s32 $0x30, s0;
	v21 =	vadd.s32 $0x13B1, v4;
	v13 =	vld.idx.msk [tilespmem:v13+s24+$0x0], $0xffff  }
0x181: {  	s3 =	sadd.s32 $0x10, s0;
	s6 =	sor.u32 $0x200, s1  }
0x182: {  	s9 =	sor.u32 $0x200, s3;
	[tilespmem:s6+$0x8480] =	vst v15  }
0x183: {  	s22 =	sadd.s32 $0x20, s0;
	s26 =	sor.u32 $0x200, s0;
	[tilespmem:s9+$0x8480] =	vst v12;
	v15 =	vld.idx.msk [tilespmem:v16+s24+$0x0], $0xffff  }
0x184: {  	s23 =	sor.u32 $0x200, s22;
	v12 =	vadd.s32 $0x17A1, v5;
	v10 =	vld.idx.msk [tilespmem:v10+s24+$0x0], $0xffff;
	[tilespmem:s26+$0x8480] =	vst v20  }
0x185: {  	[tilespmem:s23+$0x8480] =	vst v13;
	v13 =	vld.idx.msk [tilespmem:v21+s24+$0x0], $0xffff  }
0x186: {  	v16 =	vadd.s32 $0x17A1, v4;
	v11 =	vld.idx.msk [tilespmem:v11+s24+$0x0], $0xffff  }
0x187: {  	[tilespmem:s14+$0x8480] =	vst v17;
	s28 =	sor.u32 $0x280, s1  }
0x188: {  	s29 =	sor.u32 $0x280, s3;
	[tilespmem:s28+$0x8480] =	vst v15  }
0x189: {  	v3 =	vadd.s32 $0x1B91, v3;
	s31 =	sor.u32 $0x280, s0;
	[tilespmem:s29+$0x8480] =	vst v10;
	v12 =	vld.idx.msk [tilespmem:v12+s24+$0x0], $0xffff  }
0x18a: {  	s30 =	sor.u32 $0x280, s22;
	v5 =	vadd.s32 $0x1B91, v5;
	v9 =	vld.idx.msk [tilespmem:v9+s24+$0x0], $0xffff;
	[tilespmem:s31+$0x8480] =	vst v13  }
0x18b: {  	[tilespmem:s30+$0x8480] =	vst v11;
	v10 =	vld.idx.msk [tilespmem:v16+s24+$0x0], $0xffff  }
0x18c: {  	[tilespmem:s10+$0x8480] =	vst v18;
	v4 =	vadd.s32 $0x1B91, v4;
	v8 =	vld.idx.msk [tilespmem:v8+s24+$0x0], $0xffff  }
0x18d: {  	v6 =	vld.idx.msk [tilespmem:v6+s24+$0x0], $0xffff;
	[tilespmem:s8+$0x8480] =	vst v19;
	s10 =	sor.u32 $0x300, s1  }
0x18e: {  	v3 =	vld.idx.msk [tilespmem:v3+s24+$0x0], $0xffff;
	s11 =	sor.u32 $0x300, s3;
	[tilespmem:s10+$0x8480] =	vst v12  }
0x18f: {  	s0 =	sor.u32 $0x300, s0;
	[tilespmem:s11+$0x8480] =	vst v9;
	v5 =	vld.idx.msk [tilespmem:v5+s24+$0x0], $0xffff  }
0x190: {  	s12 =	sor.u32 $0x300, s22;
	v7 =	vld.idx.msk [tilespmem:v7+s24+$0x0], $0xffff;
	[tilespmem:s0+$0x8480] =	vst v10  }
0x191: {  	[tilespmem:s12+$0x8480] =	vst v8;
	v4 =	vld.idx.msk [tilespmem:v4+s24+$0x0], $0xffff  }
0x192: {  	[tilespmem:s5+$0x8480] =	vst v6;
	v8 =	vld.idx.msk [tilespmem:v14+s24+$0x0], $0xffff  }
0x193: {  	s13 =	sor.u32 $0x380, s1;
	[tilespmem:s2+$0x8480] =	vst v3  }
0x194: {  	s14 =	sor.u32 $0x380, s3;
	[tilespmem:s13+$0x8480] =	vst v5  }
0x195: {  	[tilespmem:s14+$0x8480] =	vst v7  }
0x196: {  	s15 =	sor.u32 $0x380, s22;
	[tilespmem:s4+$0x8480] =	vst v4  }
0x197: {  	s16 =	simm.s32 $0x0;
	s17 =	simm.s32 $0x2;
	[tilespmem:s15+$0x8480] =	vst v8  }
0x198: {  	s8 =	sand.u32 $0x40, s16;
	_ =	swait.ge [sflag:s17], $0x1F80  }
0x199: {  	s18 =	sand.u32 $0x180, s16;
	s9 =	sor.u32 $0x30, s8;
	[sflag:s17] =	ssyncset.done $0x0  }
0x19a: {  	s2 =	sor.u32 $0x10, s8;
	s19 =	sor.u32 s9, s18;
	[sflag:s17] =	ssyncadd.s32 $0xFFFFE080  }
0x19b: {  	s20 =	sor.u32 s2, s18;
	v8 =	vld [tilespmem:s19+$0x0]  }
0x19c: {  	s0 =	sor.u32 $0x20, s8;
	v7 =	vld [tilespmem:s20+$0x0]  }
0x19d: {  	s3 =	sor.u32 s0, s18;
	v3 =	vld [tilespmem:s16+$0x0]  }
0x19e: {  	v6 =	vld [tilespmem:s3+$0x0];
	_ =	sdelay $0x1  }
0x19f: {  	v4 =	vadd.s32 $0x1F81, v8  }
0x1a0: {  	v5 =	vadd.s32 $0x1F81, v7  }
0x1a1: {  	v9 =	vadd.s32 $0x1F81, v3  }
0x1a2: {  	v10 =	vadd.s32 $0x1F81, v6;
	_ =	sdelay $0x1  }
0x1a3: {  	v4 =	vld.idx.msk [tilespmem:v4+s24+$0x0], $0xffff  }
0x1a4: {  	v11 =	vadd.s32 $0x2371, v8;
	v5 =	vld.idx.msk [tilespmem:v5+s24+$0x0], $0xffff  }
0x1a5: {  	s10 =	sand.u32 $0xC00, s16;
	v12 =	vadd.s32 $0x2371, v7;
	v9 =	vld.idx.msk [tilespmem:v9+s24+$0x0], $0xffff  }
0x1a6: {  	s1 =	sadd.s32 $0x9480, s10;
	v13 =	vadd.s32 $0x2371, v3;
	v10 =	vld.idx.msk [tilespmem:v10+s24+$0x0], $0xffff  }
0x1a7: {  	s21 =	sor.u32 s9, s1;
	v14 =	vadd.s32 $0x2371, v6  }
0x1a8: {  	s22 =	sor.u32 s2, s1;
	[tilespmem:s21+$0x0] =	vst v4  }
0x1a9: {  	s23 =	sor.u32 s8, s1;
	[tilespmem:s22+$0x0] =	vst v5;
	v4 =	vld.idx.msk [tilespmem:v11+s24+$0x0], $0xffff  }
0x1aa: {  	s1 =	sor.u32 s0, s1;
	[tilespmem:s23+$0x0] =	vst v9;
	v9 =	vadd.s32 $0x2761, v8;
	v5 =	vld.idx.msk [tilespmem:v12+s24+$0x0], $0xffff  }
0x1ab: {  	[tilespmem:s1+$0x0] =	vst v10;
	v11 =	vadd.s32 $0x2761, v7;
	v12 =	vld.idx.msk [tilespmem:v13+s24+$0x0], $0xffff  }
0x1ac: {  	s26 =	sadd.s32 $0x9500, s10;
	v10 =	vld.idx.msk [tilespmem:v14+s24+$0x0], $0xffff;
	v13 =	vadd.s32 $0x2761, v3  }
0x1ad: {  	s28 =	sor.u32 s9, s26;
	v14 =	vadd.s32 $0x2761, v6  }
0x1ae: {  	s29 =	sor.u32 s2, s26;
	[tilespmem:s28+$0x0] =	vst v4  }
0x1af: {  	s30 =	sor.u32 s8, s26;
	[tilespmem:s29+$0x0] =	vst v5;
	v5 =	vld.idx.msk [tilespmem:v9+s24+$0x0], $0xffff  }
0x1b0: {  	s4 =	simm.s32 $0x40;
	s1 =	sor.u32 s0, s26;
	[tilespmem:s30+$0x0] =	vst v12;
	v9 =	vld.idx.msk [tilespmem:v11+s24+$0x0], $0xffff;
	v11 =	vadd.s32 $0x2B51, v8  }
0x1b1: {  	s14 =	sand.u32 $0x40, s4;
	v12 =	vadd.s32 $0x2B51, v7;
	[tilespmem:s1+$0x0] =	vst v10;
	v13 =	vld.idx.msk [tilespmem:v13+s24+$0x0], $0xffff  }
0x1b2: {  	s31 =	sadd.s32 $0x9580, s10;
	s11 =	sand.u32 $0x180, s4;
	s15 =	sor.u32 $0x30, s14;
	v10 =	vld.idx.msk [tilespmem:v14+s24+$0x0], $0xffff;
	v14 =	vadd.s32 $0x2B51, v3  }
0x1b3: {  	s5 =	sor.u32 s9, s31;
	s12 =	sor.u32 s15, s11;
	v15 =	vadd.s32 $0x2B51, v6;
	v4 =	vld [tilespmem:s4+$0x0]  }
0x1b4: {  	s6 =	sor.u32 s2, s31;
	[tilespmem:s5+$0x0] =	vst v5;
	v5 =	vld [tilespmem:s12+$0x0]  }
0x1b5: {  	s7 =	sor.u32 s8, s31;
	[tilespmem:s6+$0x0] =	vst v9;
	v9 =	vld.idx.msk [tilespmem:v11+s24+$0x0], $0xffff  }
0x1b6: {  	s1 =	sor.u32 s0, s31;
	[tilespmem:s7+$0x0] =	vst v13;
	v11 =	vld.idx.msk [tilespmem:v12+s24+$0x0], $0xffff  }
0x1b7: {  	s16 =	sor.u32 $0x10, s14;
	[tilespmem:s1+$0x0] =	vst v10;
	v12 =	vadd.s32 $0x2F41, v8;
	v13 =	vld.idx.msk [tilespmem:v14+s24+$0x0], $0xffff  }
0x1b8: {  	s17 =	sor.u32 s16, s11;
	v10 =	vld.idx.msk [tilespmem:v15+s24+$0x0], $0xffff;
	v14 =	vadd.s32 $0x2F41, v7  }
0x1b9: {  	s13 =	sadd.s32 $0x9600, s10;
	s18 =	sor.u32 $0x20, s14;
	v18 =	vld [tilespmem:s17+$0x0];
	v15 =	vadd.s32 $0x2F41, v6  }
0x1ba: {  	s19 =	sor.u32 s9, s13;
	v16 =	vadd.s32 $0x1F81, v4;
	s1 =	sor.u32 s18, s11  }
0x1bb: {  	s20 =	sor.u32 s2, s13;
	v19 =	vld [tilespmem:s1+$0x0];
	[tilespmem:s19+$0x0] =	vst v9  }
0x1bc: {  	s21 =	sor.u32 s0, s13;
	v9 =	vadd.s32 $0x2F41, v3;
	[tilespmem:s20+$0x0] =	vst v11;
	v12 =	vld.idx.msk [tilespmem:v12+s24+$0x0], $0xffff  }
0x1bd: {  	s22 =	sor.u32 s8, s13;
	[tilespmem:s21+$0x0] =	vst v10;
	v10 =	vadd.s32 $0x1F81, v5;
	v14 =	vld.idx.msk [tilespmem:v14+s24+$0x0], $0xffff  }
0x1be: {  	[tilespmem:s22+$0x0] =	vst v13;
	v13 =	vld.idx.msk [tilespmem:v15+s24+$0x0], $0xffff;
	v15 =	vadd.s32 $0x1F81, v18  }
0x1bf: {  	v16 =	vld.idx.msk [tilespmem:v16+s24+$0x0], $0xffff;
	v11 =	vadd.s32 $0x3331, v8  }
0x1c0: {  	s23 =	sadd.s32 $0x9680, s10;
	s5 =	simm.s32 $0x200;
	v20 =	vadd.s32 $0x1F81, v19  }
0x1c1: {  	v17 =	vadd.s32 $0x3331, v7;
	s26 =	sor.u32 s9, s23;
	s3 =	sand.u32 $0xC00, s5;
	v9 =	vld.idx.msk [tilespmem:v9+s24+$0x0], $0xffff  }
0x1c2: {  	s28 =	sor.u32 s2, s23;
	s31 =	sadd.s32 $0x9480, s3;
	v10 =	vld.idx.msk [tilespmem:v10+s24+$0x0], $0xffff;
	[tilespmem:s26+$0x0] =	vst v12;
	v12 =	vadd.s32 $0x3331, v6  }
0x1c3: {  	v21 =	vadd.s32 $0x3331, v3;
	s17 =	sor.u32 s14, s31;
	[tilespmem:s28+$0x0] =	vst v14;
	v14 =	vld.idx.msk [tilespmem:v15+s24+$0x0], $0xffff  }
0x1c4: {  	s29 =	sor.u32 s0, s23;
	v22 =	vadd.s32 $0x2371, v5;
	[tilespmem:s17+$0x0] =	vst v16;
	v11 =	vld.idx.msk [tilespmem:v11+s24+$0x0], $0xffff  }
0x1c5: {  	v23 =	vadd.s32 $0x2371, v18;
	s1 =	sor.u32 s8, s23;
	[tilespmem:s29+$0x0] =	vst v13;
	v13 =	vld.idx.msk [tilespmem:v20+s24+$0x0], $0xffff  }
0x1c6: {  	s12 =	sor.u32 s15, s31;
	v15 =	vadd.s32 $0x3721, v8;
	v17 =	vld.idx.msk [tilespmem:v17+s24+$0x0], $0xffff;
	[tilespmem:s1+$0x0] =	vst v9  }
0x1c7: {  	s30 =	sadd.s32 $0x9700, s10;
	s13 =	sor.u32 s16, s31;
	v20 =	vadd.s32 $0x2371, v19;
	[tilespmem:s12+$0x0] =	vst v10;
	v12 =	vld.idx.msk [tilespmem:v12+s24+$0x0], $0xffff  }
0x1c8: {  	s11 =	sor.u32 s9, s30;
	v9 =	vadd.s32 $0x2371, v4;
	v24 =	vld.idx.msk [tilespmem:v21+s24+$0x0], $0xffff;
	[tilespmem:s13+$0x0] =	vst v14  }
0x1c9: {  	s1 =	sor.u32 s18, s31;
	v14 =	vld.idx.msk [tilespmem:v22+s24+$0x0], $0xffff;
	[tilespmem:s11+$0x0] =	vst v11;
	v11 =	vadd.s32 $0x3721, v7  }
0x1ca: {  	[tilespmem:s1+$0x0] =	vst v13;
	v13 =	vadd.s32 $0x2761, v5;
	v16 =	vld.idx.msk [tilespmem:v23+s24+$0x0], $0xffff  }
0x1cb: {  	v10 =	vld.idx.msk [tilespmem:v15+s24+$0x0], $0xffff;
	v15 =	vadd.s32 $0x3721, v6  }
0x1cc: {  	s19 =	sor.u32 s2, s30;
	s22 =	sadd.s32 $0x9500, s3;
	v8 =	vadd.s32 $0x3B11, v8;
	v23 =	vld.idx.msk [tilespmem:v20+s24+$0x0], $0xffff  }
0x1cd: {  	s26 =	sor.u32 s15, s22;
	v21 =	vadd.s32 $0x2761, v18;
	[tilespmem:s19+$0x0] =	vst v17;
	v9 =	vld.idx.msk [tilespmem:v9+s24+$0x0], $0xffff  }
0x1ce: {  	v25 =	vadd.s32 $0x2761, v4;
	s20 =	sor.u32 s0, s30;
	s21 =	sadd.s32 $0x9780, s10;
	[tilespmem:s26+$0x0] =	vst v14;
	v26 =	vld.idx.msk [tilespmem:v11+s24+$0x0], $0xffff  }
0x1cf: {  	v27 =	vadd.s32 $0x2761, v19;
	s23 =	sor.u32 s9, s21;
	[tilespmem:s20+$0x0] =	vst v12;
	v20 =	vld.idx.msk [tilespmem:v13+s24+$0x0], $0xffff  }
0x1d0: {  	s28 =	sor.u32 s16, s22;
	v14 =	vadd.s32 $0x3721, v3;
	v17 =	vld.idx.msk [tilespmem:v15+s24+$0x0], $0xffff;
	[tilespmem:s23+$0x0] =	vst v10  }
0x1d1: {  	v29 =	vadd.s32 $0x3B11, v7;
	s13 =	sor.u32 s14, s22;
	[tilespmem:s28+$0x0] =	vst v16;
	v28 =	vld.idx.msk [tilespmem:v8+s24+$0x0], $0xffff  }
0x1d2: {  	s6 =	simm.s32 $0x4;
	s29 =	sor.u32 s18, s22;
	v7 =	vadd.s32 $0x3B11, v18;
	v22 =	vld.idx.msk [tilespmem:v21+s24+$0x0], $0xffff;
	[tilespmem:s13+$0x0] =	vst v9  }
0x1d3: {  	s7 =	simm.s32 $0x80;
	s30 =	sor.u32 s8, s30;
	s12 =	sadd.s32 $0x9800, s10;
	v6 =	vadd.s32 $0x3B11, v6;
	v12 =	vadd.s32 $0x2F41, v18;
	[tilespmem:s29+$0x0] =	vst v23;
	v21 =	vld.idx.msk [tilespmem:v25+s24+$0x0], $0xffff;
	v25 =	vadd.s32 $0x2B51, v5  }
0x1d4: {  	s17 =	sor.u32 s2, s21;
	s1 =	sor.u32 s0, s21;
	s31 =	sor.u32 s9, s12;
	[tilespmem:s30+$0x0] =	vst v24;
	v24 =	vadd.s32 $0x2B51, v4;
	v16 =	vadd.s32 $0x2B51, v19;
	v15 =	vadd.s32 $0x2B51, v18;
	v23 =	vld.idx.msk [tilespmem:v27+s24+$0x0], $0xffff  }
0x1d5: {  	s11 =	sor.u32 s8, s21;
	s19 =	sadd.s32 $0x9580, s3;
	s8 =	sor.u32 s8, s12;
	v13 =	vadd.s32 $0x2F41, v19;
	v10 =	vadd.s32 $0x3331, v18;
	v9 =	vadd.s32 $0x3721, v18;
	v18 =	vld.idx.msk [tilespmem:v14+s24+$0x0], $0xffff;
	[tilespmem:s17+$0x0] =	vst v26  }
0x1d6: {  	s9 =	sor.u32 s16, s19;
	s10 =	sor.u32 s15, s19;
	v11 =	vadd.s32 $0x3331, v19;
	v8 =	vadd.s32 $0x3721, v19;
	v14 =	vadd.s32 $0x3B11, v19;
	s17 =	sor.u32 s14, s19;
	v19 =	vld.idx.msk [tilespmem:v29+s24+$0x0], $0xffff;
	[tilespmem:s31+$0x0] =	vst v28  }
.LBB2_6:
0x1d7: {  	v26 =	vld [tilespmem:s7+$0x0];
	s13 =	sor.u32 s18, s19;
	[tilespmem:s10+$0x0] =	vst v20;
	s19 =	sor.u32 s2, s12;
	s12 =	sor.u32 s0, s12  }
0x1d8: {  	s10 =	smov.u32 s14;
	s2 =	smov.u32 s16;
	[tilespmem:s9+$0x0] =	vst v22;
	v20 =	vld.idx.msk [tilespmem:v25+s24+$0x0], $0xffff;
	s9 =	smov.u32 s15  }
0x1d9: {  	s4 =	sadd.s32 $0x40, s4;
	s0 =	smov.u32 s18;
	[tilespmem:s17+$0x0] =	vst v21;
	v15 =	vld.idx.msk [tilespmem:v15+s24+$0x0], $0xffff  }
0x1da: {  	s6 =	sadd.s32 $0x4, s6;
	s14 =	sand.u32 $0x40, s4;
	v22 =	vadd.s32 $0x2F41, v5;
	v21 =	vld.idx.msk [tilespmem:v24+s24+$0x0], $0xffff;
	[tilespmem:s13+$0x0] =	vst v23  }
0x1db: {  	p0 =	slt.u32 s6, $0x1C;
	s15 =	sor.u32 $0x30, s14;
	s13 =	sand.u32 $0x180, s4;
	v16 =	vld.idx.msk [tilespmem:v16+s24+$0x0], $0xffff;
	[tilespmem:s1+$0x0] =	vst v17  }
0x1dc: {  	s16 =	sor.u32 $0x10, s14;
	s17 =	sadd.s32 $0x9600, s3;
	s1 =	sor.u32 s15, s13;
	[tilespmem:s11+$0x0] =	vst v18;
	v17 =	vld.idx.msk [tilespmem:v6+s24+$0x0], $0xffff;
	v6 =	vmov v14  }
0x1dd: {  	s18 =	sor.u32 $0x20, s14;
	s11 =	sor.u32 s16, s13;
	v18 =	vld [tilespmem:s1+$0x0];
	s1 =	sor.u32 s9, s17;
	[tilespmem:s19+$0x0] =	vst v19  }
0x1de: {  	v19 =	vadd.s32 $0x2F41, v4;
	s19 =	sor.u32 s2, s17;
	v14 =	vld [tilespmem:s11+$0x0];
	s11 =	sor.u32 s18, s13;
	s13 =	sor.u32 s10, s17;
	[tilespmem:s1+$0x0] =	vst v20  }
0x1df: {  	s1 =	sor.u32 s0, s17;
	[tilespmem:s19+$0x0] =	vst v15;
	v20 =	vld.idx.msk [tilespmem:v22+s24+$0x0], $0xffff;
	v22 =	vadd.s32 $0x3B11, v3;
	v3 =	vmov v4;
	v4 =	vmov v26  }
0x1e0: {  	v23 =	vadd.s32 $0x1F81, v4;
	v24 =	vld [tilespmem:s11+$0x0];
	[tilespmem:s13+$0x0] =	vst v21  }
0x1e1: {  	v25 =	vadd.s32 $0x3331, v5;
	v21 =	vld.idx.msk [tilespmem:v12+s24+$0x0], $0xffff;
	[tilespmem:s1+$0x0] =	vst v16  }
0x1e2: {  	v27 =	vadd.s32 $0x3331, v3;
	v26 =	vadd.s32 $0x1F81, v18;
	v28 =	vld.idx.msk [tilespmem:v13+s24+$0x0], $0xffff;
	[tilespmem:s12+$0x0] =	vst v17  }
0x1e3: {  	s1 =	sadd.s32 $0x9680, s3;
	v17 =	vadd.s32 $0x1F81, v14;
	v29 =	vadd.s32 $0x2371, v14;
	v30 =	vadd.s32 $0x2761, v14;
	v19 =	vld.idx.msk [tilespmem:v19+s24+$0x0], $0xffff  }
0x1e4: {  	s11 =	sor.u32 s10, s1;
	s12 =	sor.u32 s2, s1;
	s13 =	sor.u32 s9, s1;
	v15 =	vadd.s32 $0x2B51, v14;
	v12 =	vadd.s32 $0x2F41, v14;
	v31 =	vadd.s32 $0x3331, v14;
	v22 =	vld.idx.msk [tilespmem:v22+s24+$0x0], $0xffff  }
0x1e5: {  	s1 =	sor.u32 s0, s1;
	v23 =	vld.idx.msk [tilespmem:v23+s24+$0x0], $0xffff;
	v32 =	vadd.s32 $0x1F81, v24;
	v33 =	vadd.s32 $0x2371, v24;
	v34 =	vadd.s32 $0x2761, v24;
	[tilespmem:s13+$0x0] =	vst v20  }
0x1e6: {  	v16 =	vadd.s32 $0x2B51, v24;
	v13 =	vadd.s32 $0x2F41, v24;
	v20 =	vadd.s32 $0x3331, v24;
	v25 =	vld.idx.msk [tilespmem:v25+s24+$0x0], $0xffff  }
0x1e7: {  	v35 =	vadd.s32 $0x3721, v14;
	v36 =	vadd.s32 $0x3B11, v14;
	v37 =	vadd.s32 $0x3721, v24;
	v26 =	vld.idx.msk [tilespmem:v26+s24+$0x0], $0xffff;
	[tilespmem:s12+$0x0] =	vst v21  }
0x1e8: {  	v14 =	vadd.s32 $0x3B11, v24;
	v21 =	vadd.s32 $0x3721, v5;
	v17 =	vld.idx.msk [tilespmem:v17+s24+$0x0], $0xffff;
	[tilespmem:s1+$0x0] =	vst v28  }
0x1e9: {  	s5 =	sadd.s32 $0x200, s5;
	v24 =	vadd.s32 $0x2371, v18;
	[tilespmem:s11+$0x0] =	vst v19;
	v19 =	vld.idx.msk [tilespmem:v10+s24+$0x0], $0xffff;
	v10 =	vmov v31  }
0x1ea: {  	s17 =	sand.u32 $0xC00, s5;
	s1 =	sadd.s32 $0x9700, s3;
	v28 =	vld.idx.msk [tilespmem:v32+s24+$0x0], $0xffff;
	[tilespmem:s8+$0x0] =	vst v22  }
0x1eb: {  	s11 =	sadd.s32 $0x9480, s17;
	s12 =	sor.u32 s9, s1;
	v22 =	vadd.s32 $0x2371, v4;
	s8 =	sor.u32 s10, s1;
	v31 =	vld.idx.msk [tilespmem:v11+s24+$0x0], $0xffff;
	v11 =	vmov v20  }
0x1ec: {  	s13 =	sor.u32 s14, s11;
	s19 =	sor.u32 s16, s11;
	s20 =	sor.u32 s15, s11;
	v27 =	vld.idx.msk [tilespmem:v27+s24+$0x0], $0xffff;
	[tilespmem:s12+$0x0] =	vst v25  }
0x1ed: {  	s11 =	sor.u32 s18, s11;
	s12 =	sor.u32 s2, s1;
	s1 =	sor.u32 s0, s1;
	[tilespmem:s20+$0x0] =	vst v26;
	v20 =	vld.idx.msk [tilespmem:v21+s24+$0x0], $0xffff  }
0x1ee: {  	[tilespmem:s19+$0x0] =	vst v17;
	v21 =	vld.idx.msk [tilespmem:v24+s24+$0x0], $0xffff  }
0x1ef: {  	v24 =	vadd.s32 $0x3B11, v5;
	v5 =	vmov v18;
	[tilespmem:s13+$0x0] =	vst v23;
	v23 =	vld.idx.msk [tilespmem:v29+s24+$0x0], $0xffff  }
0x1f0: {  	v18 =	vld.idx.msk [tilespmem:v22+s24+$0x0], $0xffff;
	[tilespmem:s11+$0x0] =	vst v28;
	v22 =	vadd.s32 $0x2761, v5  }
0x1f1: {  	s13 =	sadd.s32 $0x9780, s3;
	v25 =	vld.idx.msk [tilespmem:v33+s24+$0x0], $0xffff;
	[tilespmem:s12+$0x0] =	vst v19  }
0x1f2: {  	s11 =	sor.u32 s10, s13;
	s12 =	sadd.s32 $0x9500, s17;
	v19 =	vadd.s32 $0x2761, v4;
	v26 =	vld.idx.msk [tilespmem:v9+s24+$0x0], $0xffff;
	[tilespmem:s1+$0x0] =	vst v31;
	s1 =	sor.u32 s9, s13;
	v9 =	vmov v35  }
0x1f3: {  	s19 =	sor.u32 s14, s12;
	s20 =	sor.u32 s16, s12;
	s21 =	sor.u32 s15, s12;
	v17 =	vld.idx.msk [tilespmem:v8+s24+$0x0], $0xffff;
	[tilespmem:s1+$0x0] =	vst v20;
	v8 =	vmov v37  }
0x1f4: {  	v28 =	vadd.s32 $0x3721, v3;
	s12 =	sor.u32 s18, s12;
	s1 =	sor.u32 s0, s13;
	[tilespmem:s21+$0x0] =	vst v21;
	s21 =	sor.u32 s2, s13;
	v29 =	vld.idx.msk [tilespmem:v24+s24+$0x0], $0xffff  }
0x1f5: {  	[tilespmem:s20+$0x0] =	vst v23;
	v20 =	vld.idx.msk [tilespmem:v22+s24+$0x0], $0xffff  }
.Ltmp2:
0x1f6: {  	[tilespmem:s19+$0x0] =	vst v18;
	v22 =	vld.idx.msk [tilespmem:v30+s24+$0x0], $0xffff;
	(pc) =	sbr.rel @p0 .LBB2_6-.Ltmp2, $4  }
0x1f7: {  	v21 =	vld.idx.msk [tilespmem:v19+s24+$0x0], $0xffff;
	[tilespmem:s12+$0x0] =	vst v25;
	v25 =	vadd.s32 $0x2B51, v5  }
0x1f8: {  	s7 =	sadd.s32 $0x40, s7;
	s12 =	sadd.s32 $0x9800, s3;
	s3 =	smov.u32 s17;
	v23 =	vld.idx.msk [tilespmem:v34+s24+$0x0], $0xffff;
	[tilespmem:s8+$0x0] =	vst v27  }
0x1f9: {  	v24 =	vadd.s32 $0x2B51, v4;
	s19 =	sadd.s32 $0x9580, s3;
	s8 =	sor.u32 s10, s12;
	s13 =	sor.u32 s9, s12;
	v18 =	vld.idx.msk [tilespmem:v28+s24+$0x0], $0xffff;
	[tilespmem:s21+$0x0] =	vst v26  }
0x1fa: {  	s17 =	sor.u32 s14, s19;
	s9 =	sor.u32 s16, s19;
	s10 =	sor.u32 s15, s19;
	v19 =	vld.idx.msk [tilespmem:v7+s24+$0x0], $0xffff;
	[tilespmem:s13+$0x0] =	vst v29;
	v7 =	vmov v36  }
0x1fb: {  	_ =	sdelay $0x2  }
0x1fc: {  	[tilespmem:s10+$0x0] =	vst v20  }
0x1fd: {  	[tilespmem:s9+$0x0] =	vst v22;
	v20 =	vld.idx.msk [tilespmem:v25+s24+$0x0], $0xffff  }
0x1fe: {  	s4 =	sor.u32 s18, s19;
	v15 =	vld.idx.msk [tilespmem:v15+s24+$0x0], $0xffff;
	[tilespmem:s17+$0x0] =	vst v21  }
0x1ff: {  	v22 =	vadd.s32 $0x2F41, v5;
	[tilespmem:s4+$0x0] =	vst v23;
	v21 =	vld.idx.msk [tilespmem:v24+s24+$0x0], $0xffff  }
0x200: {  	s17 =	sadd.s32 $0x9600, s3;
	v16 =	vld.idx.msk [tilespmem:v16+s24+$0x0], $0xffff  }
0x201: {  	s5 =	sor.u32 s15, s17;
	v23 =	vadd.s32 $0x2F41, v4  }
0x202: {  	s6 =	sor.u32 s16, s17;
	[tilespmem:s5+$0x0] =	vst v20  }
0x203: {  	s4 =	sor.u32 s14, s17;
	[tilespmem:s6+$0x0] =	vst v15  }
0x204: {  	s19 =	sor.u32 s18, s17;
	v15 =	vld.idx.msk [tilespmem:v22+s24+$0x0], $0xffff;
	[tilespmem:s4+$0x0] =	vst v21  }
0x205: {  	v12 =	vld.idx.msk [tilespmem:v12+s24+$0x0], $0xffff;
	[tilespmem:s19+$0x0] =	vst v16;
	v16 =	vadd.s32 $0x3331, v5  }
0x206: {  	v20 =	vld.idx.msk [tilespmem:v23+s24+$0x0], $0xffff  }
0x207: {  	s20 =	sadd.s32 $0x9680, s3;
	v21 =	vadd.s32 $0x3331, v4;
	v13 =	vld.idx.msk [tilespmem:v13+s24+$0x0], $0xffff  }
0x208: {  	s21 =	sor.u32 s15, s20  }
0x209: {  	s22 =	sor.u32 s16, s20;
	[tilespmem:s21+$0x0] =	vst v15  }
0x20a: {  	s4 =	sor.u32 s14, s20;
	[tilespmem:s22+$0x0] =	vst v12;
	v15 =	vld.idx.msk [tilespmem:v16+s24+$0x0], $0xffff  }
0x20b: {  	s23 =	sor.u32 s18, s20;
	v12 =	vadd.s32 $0x3721, v5;
	v10 =	vld.idx.msk [tilespmem:v10+s24+$0x0], $0xffff;
	[tilespmem:s4+$0x0] =	vst v20  }
0x20c: {  	[tilespmem:s23+$0x0] =	vst v13;
	v13 =	vld.idx.msk [tilespmem:v21+s24+$0x0], $0xffff  }
0x20d: {  	s26 =	sadd.s32 $0x9700, s3;
	v16 =	vadd.s32 $0x3721, v4;
	v11 =	vld.idx.msk [tilespmem:v11+s24+$0x0], $0xffff  }
0x20e: {  	[tilespmem:s1+$0x0] =	vst v17;
	s28 =	sor.u32 s15, s26  }
0x20f: {  	s29 =	sor.u32 s16, s26;
	[tilespmem:s28+$0x0] =	vst v15  }
0x210: {  	v3 =	vadd.s32 $0x3B11, v3;
	s31 =	sor.u32 s14, s26;
	[tilespmem:s29+$0x0] =	vst v10;
	v12 =	vld.idx.msk [tilespmem:v12+s24+$0x0], $0xffff  }
0x211: {  	s30 =	sor.u32 s18, s26;
	v5 =	vadd.s32 $0x3B11, v5;
	v9 =	vld.idx.msk [tilespmem:v9+s24+$0x0], $0xffff;
	[tilespmem:s31+$0x0] =	vst v13  }
0x212: {  	[tilespmem:s30+$0x0] =	vst v11;
	v10 =	vld.idx.msk [tilespmem:v16+s24+$0x0], $0xffff  }
0x213: {  	s2 =	sor.u32 s2, s12;
	[tilespmem:s11+$0x0] =	vst v18;
	s4 =	sadd.s32 $0x9780, s3;
	v4 =	vadd.s32 $0x3B11, v4;
	v8 =	vld.idx.msk [tilespmem:v8+s24+$0x0], $0xffff  }
0x214: {  	v6 =	vld.idx.msk [tilespmem:v6+s24+$0x0], $0xffff;
	[tilespmem:s2+$0x0] =	vst v19;
	s5 =	sor.u32 s15, s4  }
0x215: {  	v3 =	vld.idx.msk [tilespmem:v3+s24+$0x0], $0xffff;
	s6 =	sor.u32 s16, s4;
	[tilespmem:s5+$0x0] =	vst v12  }
0x216: {  	s9 =	sor.u32 s14, s4;
	[tilespmem:s6+$0x0] =	vst v9;
	v5 =	vld.idx.msk [tilespmem:v5+s24+$0x0], $0xffff  }
0x217: {  	s7 =	sor.u32 s18, s4;
	v7 =	vld.idx.msk [tilespmem:v7+s24+$0x0], $0xffff;
	[tilespmem:s9+$0x0] =	vst v10  }
0x218: {  	s0 =	sor.u32 s0, s12;
	[tilespmem:s7+$0x0] =	vst v8;
	v4 =	vld.idx.msk [tilespmem:v4+s24+$0x0], $0xffff  }
0x219: {  	s10 =	sadd.s32 $0x9800, s3;
	[tilespmem:s0+$0x0] =	vst v6;
	v8 =	vld.idx.msk [tilespmem:v14+s24+$0x0], $0xffff  }
0x21a: {  	s11 =	sor.u32 s15, s10;
	[tilespmem:s8+$0x0] =	vst v3  }
0x21b: {  	s12 =	sor.u32 s16, s10;
	[tilespmem:s11+$0x0] =	vst v5  }
0x21c: {  	s0 =	sor.u32 s14, s10;
	[tilespmem:s12+$0x0] =	vst v7  }
0x21d: {  	s13 =	sor.u32 s18, s10;
	[tilespmem:s0+$0x0] =	vst v4  }
0x21e: {  	s14 =	simm.s32 $0x0;
	s15 =	simm.s32 $0x3;
	[tilespmem:s13+$0x0] =	vst v8  }
0x21f: {  	s8 =	sand.u32 $0x40, s14;
	_ =	swait.ge [sflag:s15], $0x1F80  }
0x220: {  	s16 =	sand.u32 $0x180, s14;
	s9 =	sor.u32 $0x30, s8;
	[sflag:s15] =	ssyncset.done $0x0  }
0x221: {  	s2 =	sor.u32 $0x10, s8;
	s17 =	sor.u32 s9, s16;
	[sflag:s15] =	ssyncadd.s32 $0xFFFFE080  }
0x222: {  	s18 =	sor.u32 s2, s16;
	v8 =	vld [tilespmem:s17+$0x0]  }
0x223: {  	s0 =	sor.u32 $0x20, s8;
	v7 =	vld [tilespmem:s18+$0x0]  }
0x224: {  	s3 =	sor.u32 s0, s16;
	v3 =	vld [tilespmem:s14+$0x0]  }
0x225: {  	v6 =	vld [tilespmem:s3+$0x0];
	_ =	sdelay $0x1  }
0x226: {  	v4 =	vadd.s32 $0x3F01, v8  }
0x227: {  	v5 =	vadd.s32 $0x3F01, v7  }
0x228: {  	v9 =	vadd.s32 $0x3F01, v3  }
0x229: {  	v10 =	vadd.s32 $0x3F01, v6;
	_ =	sdelay $0x1  }
0x22a: {  	v4 =	vld.idx.msk [tilespmem:v4+s24+$0x0], $0xffff  }
0x22b: {  	v11 =	vadd.s32 $0x42F1, v8;
	v5 =	vld.idx.msk [tilespmem:v5+s24+$0x0], $0xffff  }
0x22c: {  	s10 =	sand.u32 $0xC00, s14;
	v12 =	vadd.s32 $0x42F1, v7;
	v9 =	vld.idx.msk [tilespmem:v9+s24+$0x0], $0xffff  }
0x22d: {  	s1 =	sadd.s32 $0xA480, s10;
	v13 =	vadd.s32 $0x42F1, v3;
	v10 =	vld.idx.msk [tilespmem:v10+s24+$0x0], $0xffff  }
0x22e: {  	s19 =	sor.u32 s9, s1;
	v14 =	vadd.s32 $0x42F1, v6  }
0x22f: {  	s20 =	sor.u32 s2, s1;
	[tilespmem:s19+$0x0] =	vst v4  }
0x230: {  	s21 =	sor.u32 s8, s1;
	[tilespmem:s20+$0x0] =	vst v5;
	v4 =	vld.idx.msk [tilespmem:v11+s24+$0x0], $0xffff  }
0x231: {  	s1 =	sor.u32 s0, s1;
	[tilespmem:s21+$0x0] =	vst v9;
	v9 =	vadd.s32 $0x46E1, v8;
	v5 =	vld.idx.msk [tilespmem:v12+s24+$0x0], $0xffff  }
0x232: {  	[tilespmem:s1+$0x0] =	vst v10;
	v11 =	vadd.s32 $0x46E1, v7;
	v12 =	vld.idx.msk [tilespmem:v13+s24+$0x0], $0xffff  }
0x233: {  	s22 =	sadd.s32 $0xA500, s10;
	v10 =	vld.idx.msk [tilespmem:v14+s24+$0x0], $0xffff;
	v13 =	vadd.s32 $0x46E1, v3  }
0x234: {  	s23 =	sor.u32 s9, s22;
	v14 =	vadd.s32 $0x46E1, v6  }
0x235: {  	s26 =	sor.u32 s2, s22;
	[tilespmem:s23+$0x0] =	vst v4  }
0x236: {  	s28 =	sor.u32 s8, s22;
	[tilespmem:s26+$0x0] =	vst v5;
	v5 =	vld.idx.msk [tilespmem:v9+s24+$0x0], $0xffff  }
0x237: {  	s4 =	simm.s32 $0x40;
	s1 =	sor.u32 s0, s22;
	[tilespmem:s28+$0x0] =	vst v12;
	v9 =	vld.idx.msk [tilespmem:v11+s24+$0x0], $0xffff;
	v11 =	vadd.s32 $0x4AD1, v8  }
0x238: {  	s14 =	sand.u32 $0x40, s4;
	v12 =	vadd.s32 $0x4AD1, v7;
	[tilespmem:s1+$0x0] =	vst v10;
	v13 =	vld.idx.msk [tilespmem:v13+s24+$0x0], $0xffff  }
0x239: {  	s29 =	sadd.s32 $0xA580, s10;
	s7 =	sand.u32 $0x180, s4;
	s15 =	sor.u32 $0x30, s14;
	v10 =	vld.idx.msk [tilespmem:v14+s24+$0x0], $0xffff;
	v14 =	vadd.s32 $0x4AD1, v3  }
0x23a: {  	s30 =	sor.u32 s9, s29;
	s11 =	sor.u32 s15, s7;
	v15 =	vadd.s32 $0x4AD1, v6;
	v4 =	vld [tilespmem:s4+$0x0]  }
0x23b: {  	s31 =	sor.u32 s2, s29;
	[tilespmem:s30+$0x0] =	vst v5;
	v5 =	vld [tilespmem:s11+$0x0]  }
0x23c: {  	s6 =	sor.u32 s8, s29;
	[tilespmem:s31+$0x0] =	vst v9;
	v9 =	vld.idx.msk [tilespmem:v11+s24+$0x0], $0xffff  }
0x23d: {  	s1 =	sor.u32 s0, s29;
	[tilespmem:s6+$0x0] =	vst v13;
	v11 =	vld.idx.msk [tilespmem:v12+s24+$0x0], $0xffff  }
0x23e: {  	s16 =	sor.u32 $0x10, s14;
	[tilespmem:s1+$0x0] =	vst v10;
	v12 =	vadd.s32 $0x4EC1, v8;
	v13 =	vld.idx.msk [tilespmem:v14+s24+$0x0], $0xffff  }
0x23f: {  	s13 =	sor.u32 s16, s7;
	v10 =	vld.idx.msk [tilespmem:v15+s24+$0x0], $0xffff;
	v14 =	vadd.s32 $0x4EC1, v7  }
0x240: {  	s12 =	sadd.s32 $0xA600, s10;
	s18 =	sor.u32 $0x20, s14;
	v18 =	vld [tilespmem:s13+$0x0];
	v15 =	vadd.s32 $0x4EC1, v6  }
0x241: {  	s17 =	sor.u32 s9, s12;
	v16 =	vadd.s32 $0x3F01, v4;
	s1 =	sor.u32 s18, s7  }
0x242: {  	s19 =	sor.u32 s2, s12;
	v19 =	vld [tilespmem:s1+$0x0];
	[tilespmem:s17+$0x0] =	vst v9  }
0x243: {  	s20 =	sor.u32 s0, s12;
	v9 =	vadd.s32 $0x4EC1, v3;
	[tilespmem:s19+$0x0] =	vst v11;
	v12 =	vld.idx.msk [tilespmem:v12+s24+$0x0], $0xffff  }
0x244: {  	s21 =	sor.u32 s8, s12;
	[tilespmem:s20+$0x0] =	vst v10;
	v10 =	vadd.s32 $0x3F01, v5;
	v14 =	vld.idx.msk [tilespmem:v14+s24+$0x0], $0xffff  }
0x245: {  	[tilespmem:s21+$0x0] =	vst v13;
	v13 =	vld.idx.msk [tilespmem:v15+s24+$0x0], $0xffff;
	v15 =	vadd.s32 $0x3F01, v18  }
0x246: {  	v16 =	vld.idx.msk [tilespmem:v16+s24+$0x0], $0xffff;
	v11 =	vadd.s32 $0x52B1, v8  }
0x247: {  	s5 =	simm.s32 $0x200;
	s22 =	sadd.s32 $0xA680, s10;
	v20 =	vadd.s32 $0x3F01, v19  }
0x248: {  	s3 =	sand.u32 $0xC00, s5;
	v17 =	vadd.s32 $0x52B1, v7;
	s23 =	sor.u32 s9, s22;
	v9 =	vld.idx.msk [tilespmem:v9+s24+$0x0], $0xffff  }
0x249: {  	s26 =	sor.u32 s2, s22;
	s29 =	sadd.s32 $0xA480, s3;
	v10 =	vld.idx.msk [tilespmem:v10+s24+$0x0], $0xffff;
	[tilespmem:s23+$0x0] =	vst v12;
	v12 =	vadd.s32 $0x52B1, v6  }
0x24a: {  	v21 =	vadd.s32 $0x52B1, v3;
	s13 =	sor.u32 s14, s29;
	[tilespmem:s26+$0x0] =	vst v14;
	v14 =	vld.idx.msk [tilespmem:v15+s24+$0x0], $0xffff  }
0x24b: {  	s28 =	sor.u32 s0, s22;
	v22 =	vadd.s32 $0x42F1, v5;
	[tilespmem:s13+$0x0] =	vst v16;
	v11 =	vld.idx.msk [tilespmem:v11+s24+$0x0], $0xffff  }
0x24c: {  	v23 =	vadd.s32 $0x42F1, v18;
	s1 =	sor.u32 s8, s22;
	[tilespmem:s28+$0x0] =	vst v13;
	v13 =	vld.idx.msk [tilespmem:v20+s24+$0x0], $0xffff  }
0x24d: {  	s31 =	sor.u32 s15, s29;
	v15 =	vadd.s32 $0x56A1, v8;
	v17 =	vld.idx.msk [tilespmem:v17+s24+$0x0], $0xffff;
	[tilespmem:s1+$0x0] =	vst v9  }
0x24e: {  	s12 =	sor.u32 s16, s29;
	s7 =	sadd.s32 $0xA700, s10;
	v20 =	vadd.s32 $0x42F1, v19;
	[tilespmem:s31+$0x0] =	vst v10;
	v12 =	vld.idx.msk [tilespmem:v12+s24+$0x0], $0xffff  }
0x24f: {  	s30 =	sor.u32 s9, s7;
	v9 =	vadd.s32 $0x42F1, v4;
	v24 =	vld.idx.msk [tilespmem:v21+s24+$0x0], $0xffff;
	[tilespmem:s12+$0x0] =	vst v14  }
0x250: {  	s1 =	sor.u32 s18, s29;
	v14 =	vld.idx.msk [tilespmem:v22+s24+$0x0], $0xffff;
	[tilespmem:s30+$0x0] =	vst v11;
	v11 =	vadd.s32 $0x56A1, v7  }
0x251: {  	[tilespmem:s1+$0x0] =	vst v13;
	v13 =	vadd.s32 $0x46E1, v5;
	v16 =	vld.idx.msk [tilespmem:v23+s24+$0x0], $0xffff  }
0x252: {  	v10 =	vld.idx.msk [tilespmem:v15+s24+$0x0], $0xffff;
	v15 =	vadd.s32 $0x56A1, v6  }
0x253: {  	s17 =	sor.u32 s2, s7;
	s21 =	sadd.s32 $0xA500, s3;
	v8 =	vadd.s32 $0x5A91, v8;
	v23 =	vld.idx.msk [tilespmem:v20+s24+$0x0], $0xffff  }
0x254: {  	s23 =	sor.u32 s15, s21;
	v21 =	vadd.s32 $0x46E1, v18;
	[tilespmem:s17+$0x0] =	vst v17;
	v9 =	vld.idx.msk [tilespmem:v9+s24+$0x0], $0xffff  }
0x255: {  	v25 =	vadd.s32 $0x46E1, v4;
	s19 =	sor.u32 s0, s7;
	s20 =	sadd.s32 $0xA780, s10;
	[tilespmem:s23+$0x0] =	vst v14;
	v26 =	vld.idx.msk [tilespmem:v11+s24+$0x0], $0xffff  }
0x256: {  	v27 =	vadd.s32 $0x46E1, v19;
	s22 =	sor.u32 s9, s20;
	[tilespmem:s19+$0x0] =	vst v12;
	v20 =	vld.idx.msk [tilespmem:v13+s24+$0x0], $0xffff  }
0x257: {  	s26 =	sor.u32 s16, s21;
	v14 =	vadd.s32 $0x56A1, v3;
	v17 =	vld.idx.msk [tilespmem:v15+s24+$0x0], $0xffff;
	[tilespmem:s22+$0x0] =	vst v10  }
0x258: {  	v29 =	vadd.s32 $0x5A91, v7;
	s13 =	sor.u32 s14, s21;
	[tilespmem:s26+$0x0] =	vst v16;
	v28 =	vld.idx.msk [tilespmem:v8+s24+$0x0], $0xffff  }
0x259: {  	s6 =	simm.s32 $0x4;
	s28 =	sor.u32 s18, s21;
	v7 =	vadd.s32 $0x5A91, v18;
	v22 =	vld.idx.msk [tilespmem:v21+s24+$0x0], $0xffff;
	[tilespmem:s13+$0x0] =	vst v9  }
0x25a: {  	s11 =	sor.u32 s8, s20;
	s29 =	sor.u32 s8, s7;
	s7 =	simm.s32 $0x80;
	v6 =	vadd.s32 $0x5A91, v6;
	v12 =	vadd.s32 $0x4EC1, v18;
	[tilespmem:s28+$0x0] =	vst v23;
	v21 =	vld.idx.msk [tilespmem:v25+s24+$0x0], $0xffff;
	v25 =	vadd.s32 $0x4AD1, v5  }
0x25b: {  	s1 =	sor.u32 s0, s20;
	s12 =	sadd.s32 $0xA800, s10;
	s30 =	sor.u32 s2, s20;
	[tilespmem:s29+$0x0] =	vst v24;
	v24 =	vadd.s32 $0x4AD1, v4;
	v16 =	vadd.s32 $0x4AD1, v19;
	v15 =	vadd.s32 $0x4AD1, v18;
	v23 =	vld.idx.msk [tilespmem:v27+s24+$0x0], $0xffff  }
0x25c: {  	s8 =	sor.u32 s8, s12;
	s31 =	sor.u32 s9, s12;
	s19 =	sadd.s32 $0xA580, s3;
	v13 =	vadd.s32 $0x4EC1, v19;
	v10 =	vadd.s32 $0x52B1, v18;
	v9 =	vadd.s32 $0x56A1, v18;
	v18 =	vld.idx.msk [tilespmem:v14+s24+$0x0], $0xffff;
	[tilespmem:s30+$0x0] =	vst v26  }
0x25d: {  	v11 =	vadd.s32 $0x52B1, v19;
	s17 =	sor.u32 s14, s19;
	s9 =	sor.u32 s16, s19;
	s10 =	sor.u32 s15, s19;
	v8 =	vadd.s32 $0x56A1, v19;
	v14 =	vadd.s32 $0x5A91, v19;
	v19 =	vld.idx.msk [tilespmem:v29+s24+$0x0], $0xffff;
	[tilespmem:s31+$0x0] =	vst v28  }
.LBB2_8:
0x25e: {  	v26 =	vld [tilespmem:s7+$0x0];
	s13 =	sor.u32 s18, s19;
	[tilespmem:s10+$0x0] =	vst v20;
	s19 =	sor.u32 s2, s12;
	s12 =	sor.u32 s0, s12  }
0x25f: {  	s10 =	smov.u32 s14;
	s2 =	smov.u32 s16;
	[tilespmem:s9+$0x0] =	vst v22;
	v20 =	vld.idx.msk [tilespmem:v25+s24+$0x0], $0xffff;
	s9 =	smov.u32 s15  }
0x260: {  	s4 =	sadd.s32 $0x40, s4;
	s0 =	smov.u32 s18;
	[tilespmem:s17+$0x0] =	vst v21;
	v15 =	vld.idx.msk [tilespmem:v15+s24+$0x0], $0xffff  }
0x261: {  	s6 =	sadd.s32 $0x4, s6;
	s14 =	sand.u32 $0x40, s4;
	v22 =	vadd.s32 $0x4EC1, v5;
	v21 =	vld.idx.msk [tilespmem:v24+s24+$0x0], $0xffff;
	[tilespmem:s13+$0x0] =	vst v23  }
0x262: {  	p0 =	slt.u32 s6, $0x1C;
	s15 =	sor.u32 $0x30, s14;
	s13 =	sand.u32 $0x180, s4;
	v16 =	vld.idx.msk [tilespmem:v16+s24+$0x0], $0xffff;
	[tilespmem:s1+$0x0] =	vst v17  }
0x263: {  	s16 =	sor.u32 $0x10, s14;
	s17 =	sadd.s32 $0xA600, s3;
	s1 =	sor.u32 s15, s13;
	[tilespmem:s11+$0x0] =	vst v18;
	v17 =	vld.idx.msk [tilespmem:v6+s24+$0x0], $0xffff;
	v6 =	vmov v14  }
0x264: {  	s18 =	sor.u32 $0x20, s14;
	s11 =	sor.u32 s16, s13;
	v18 =	vld [tilespmem:s1+$0x0];
	s1 =	sor.u32 s9, s17;
	[tilespmem:s19+$0x0] =	vst v19  }
0x265: {  	v19 =	vadd.s32 $0x4EC1, v4;
	s19 =	sor.u32 s2, s17;
	v14 =	vld [tilespmem:s11+$0x0];
	s11 =	sor.u32 s18, s13;
	s13 =	sor.u32 s10, s17;
	[tilespmem:s1+$0x0] =	vst v20  }
0x266: {  	s1 =	sor.u32 s0, s17;
	[tilespmem:s19+$0x0] =	vst v15;
	v20 =	vld.idx.msk [tilespmem:v22+s24+$0x0], $0xffff;
	v22 =	vadd.s32 $0x5A91, v3;
	v3 =	vmov v4;
	v4 =	vmov v26  }
0x267: {  	v23 =	vadd.s32 $0x3F01, v4;
	v24 =	vld [tilespmem:s11+$0x0];
	[tilespmem:s13+$0x0] =	vst v21  }
0x268: {  	v25 =	vadd.s32 $0x52B1, v5;
	v21 =	vld.idx.msk [tilespmem:v12+s24+$0x0], $0xffff;
	[tilespmem:s1+$0x0] =	vst v16  }
0x269: {  	v27 =	vadd.s32 $0x52B1, v3;
	v26 =	vadd.s32 $0x3F01, v18;
	v28 =	vld.idx.msk [tilespmem:v13+s24+$0x0], $0xffff;
	[tilespmem:s12+$0x0] =	vst v17  }
0x26a: {  	s1 =	sadd.s32 $0xA680, s3;
	v17 =	vadd.s32 $0x3F01, v14;
	v29 =	vadd.s32 $0x42F1, v14;
	v30 =	vadd.s32 $0x46E1, v14;
	v19 =	vld.idx.msk [tilespmem:v19+s24+$0x0], $0xffff  }
0x26b: {  	s11 =	sor.u32 s10, s1;
	s12 =	sor.u32 s2, s1;
	s13 =	sor.u32 s9, s1;
	v15 =	vadd.s32 $0x4AD1, v14;
	v12 =	vadd.s32 $0x4EC1, v14;
	v31 =	vadd.s32 $0x52B1, v14;
	v22 =	vld.idx.msk [tilespmem:v22+s24+$0x0], $0xffff  }
0x26c: {  	s1 =	sor.u32 s0, s1;
	v23 =	vld.idx.msk [tilespmem:v23+s24+$0x0], $0xffff;
	v32 =	vadd.s32 $0x3F01, v24;
	v33 =	vadd.s32 $0x42F1, v24;
	v34 =	vadd.s32 $0x46E1, v24;
	[tilespmem:s13+$0x0] =	vst v20  }
0x26d: {  	v16 =	vadd.s32 $0x4AD1, v24;
	v13 =	vadd.s32 $0x4EC1, v24;
	v20 =	vadd.s32 $0x52B1, v24;
	v25 =	vld.idx.msk [tilespmem:v25+s24+$0x0], $0xffff  }
0x26e: {  	v35 =	vadd.s32 $0x56A1, v14;
	v36 =	vadd.s32 $0x5A91, v14;
	v37 =	vadd.s32 $0x56A1, v24;
	v26 =	vld.idx.msk [tilespmem:v26+s24+$0x0], $0xffff;
	[tilespmem:s12+$0x0] =	vst v21  }
0x26f: {  	v14 =	vadd.s32 $0x5A91, v24;
	v21 =	vadd.s32 $0x56A1, v5;
	v17 =	vld.idx.msk [tilespmem:v17+s24+$0x0], $0xffff;
	[tilespmem:s1+$0x0] =	vst v28  }
0x270: {  	s5 =	sadd.s32 $0x200, s5;
	v24 =	vadd.s32 $0x42F1, v18;
	[tilespmem:s11+$0x0] =	vst v19;
	v19 =	vld.idx.msk [tilespmem:v10+s24+$0x0], $0xffff;
	v10 =	vmov v31  }
0x271: {  	s17 =	sand.u32 $0xC00, s5;
	s1 =	sadd.s32 $0xA700, s3;
	v28 =	vld.idx.msk [tilespmem:v32+s24+$0x0], $0xffff;
	[tilespmem:s8+$0x0] =	vst v22  }
0x272: {  	s11 =	sadd.s32 $0xA480, s17;
	s12 =	sor.u32 s9, s1;
	v22 =	vadd.s32 $0x42F1, v4;
	s8 =	sor.u32 s10, s1;
	v31 =	vld.idx.msk [tilespmem:v11+s24+$0x0], $0xffff;
	v11 =	vmov v20  }
0x273: {  	s13 =	sor.u32 s14, s11;
	s19 =	sor.u32 s16, s11;
	s20 =	sor.u32 s15, s11;
	v27 =	vld.idx.msk [tilespmem:v27+s24+$0x0], $0xffff;
	[tilespmem:s12+$0x0] =	vst v25  }
0x274: {  	s11 =	sor.u32 s18, s11;
	s12 =	sor.u32 s2, s1;
	s1 =	sor.u32 s0, s1;
	[tilespmem:s20+$0x0] =	vst v26;
	v20 =	vld.idx.msk [tilespmem:v21+s24+$0x0], $0xffff  }
0x275: {  	[tilespmem:s19+$0x0] =	vst v17;
	v21 =	vld.idx.msk [tilespmem:v24+s24+$0x0], $0xffff  }
0x276: {  	v24 =	vadd.s32 $0x5A91, v5;
	v5 =	vmov v18;
	[tilespmem:s13+$0x0] =	vst v23;
	v23 =	vld.idx.msk [tilespmem:v29+s24+$0x0], $0xffff  }
0x277: {  	v18 =	vld.idx.msk [tilespmem:v22+s24+$0x0], $0xffff;
	[tilespmem:s11+$0x0] =	vst v28;
	v22 =	vadd.s32 $0x46E1, v5  }
0x278: {  	s13 =	sadd.s32 $0xA780, s3;
	v25 =	vld.idx.msk [tilespmem:v33+s24+$0x0], $0xffff;
	[tilespmem:s12+$0x0] =	vst v19  }
0x279: {  	s11 =	sor.u32 s10, s13;
	s12 =	sadd.s32 $0xA500, s17;
	v19 =	vadd.s32 $0x46E1, v4;
	v26 =	vld.idx.msk [tilespmem:v9+s24+$0x0], $0xffff;
	[tilespmem:s1+$0x0] =	vst v31;
	s1 =	sor.u32 s9, s13;
	v9 =	vmov v35  }
0x27a: {  	s19 =	sor.u32 s14, s12;
	s20 =	sor.u32 s16, s12;
	s21 =	sor.u32 s15, s12;
	v17 =	vld.idx.msk [tilespmem:v8+s24+$0x0], $0xffff;
	[tilespmem:s1+$0x0] =	vst v20;
	v8 =	vmov v37  }
0x27b: {  	v28 =	vadd.s32 $0x56A1, v3;
	s12 =	sor.u32 s18, s12;
	s1 =	sor.u32 s0, s13;
	[tilespmem:s21+$0x0] =	vst v21;
	s21 =	sor.u32 s2, s13;
	v29 =	vld.idx.msk [tilespmem:v24+s24+$0x0], $0xffff  }
0x27c: {  	[tilespmem:s20+$0x0] =	vst v23;
	v20 =	vld.idx.msk [tilespmem:v22+s24+$0x0], $0xffff  }
.Ltmp3:
0x27d: {  	[tilespmem:s19+$0x0] =	vst v18;
	v22 =	vld.idx.msk [tilespmem:v30+s24+$0x0], $0xffff;
	(pc) =	sbr.rel @p0 .LBB2_8-.Ltmp3, $4  }
0x27e: {  	v21 =	vld.idx.msk [tilespmem:v19+s24+$0x0], $0xffff;
	[tilespmem:s12+$0x0] =	vst v25;
	v25 =	vadd.s32 $0x4AD1, v5  }
0x27f: {  	s7 =	sadd.s32 $0x40, s7;
	s12 =	sadd.s32 $0xA800, s3;
	s3 =	smov.u32 s17;
	v23 =	vld.idx.msk [tilespmem:v34+s24+$0x0], $0xffff;
	[tilespmem:s8+$0x0] =	vst v27  }
0x280: {  	v24 =	vadd.s32 $0x4AD1, v4;
	s19 =	sadd.s32 $0xA580, s3;
	s8 =	sor.u32 s10, s12;
	s13 =	sor.u32 s9, s12;
	v18 =	vld.idx.msk [tilespmem:v28+s24+$0x0], $0xffff;
	[tilespmem:s21+$0x0] =	vst v26  }
0x281: {  	s17 =	sor.u32 s14, s19;
	s9 =	sor.u32 s16, s19;
	s10 =	sor.u32 s15, s19;
	v19 =	vld.idx.msk [tilespmem:v7+s24+$0x0], $0xffff;
	[tilespmem:s13+$0x0] =	vst v29;
	v7 =	vmov v36  }
0x282: {  	_ =	sdelay $0x2  }
0x283: {  	[tilespmem:s10+$0x0] =	vst v20  }
0x284: {  	[tilespmem:s9+$0x0] =	vst v22;
	v20 =	vld.idx.msk [tilespmem:v25+s24+$0x0], $0xffff  }
0x285: {  	s4 =	sor.u32 s18, s19;
	v15 =	vld.idx.msk [tilespmem:v15+s24+$0x0], $0xffff;
	[tilespmem:s17+$0x0] =	vst v21  }
0x286: {  	v22 =	vadd.s32 $0x4EC1, v5;
	[tilespmem:s4+$0x0] =	vst v23;
	v21 =	vld.idx.msk [tilespmem:v24+s24+$0x0], $0xffff  }
0x287: {  	s17 =	sadd.s32 $0xA600, s3;
	v16 =	vld.idx.msk [tilespmem:v16+s24+$0x0], $0xffff  }
0x288: {  	s5 =	sor.u32 s15, s17;
	v23 =	vadd.s32 $0x4EC1, v4  }
0x289: {  	s6 =	sor.u32 s16, s17;
	[tilespmem:s5+$0x0] =	vst v20  }
0x28a: {  	s4 =	sor.u32 s14, s17;
	[tilespmem:s6+$0x0] =	vst v15  }
0x28b: {  	s19 =	sor.u32 s18, s17;
	v15 =	vld.idx.msk [tilespmem:v22+s24+$0x0], $0xffff;
	[tilespmem:s4+$0x0] =	vst v21  }
0x28c: {  	v12 =	vld.idx.msk [tilespmem:v12+s24+$0x0], $0xffff;
	[tilespmem:s19+$0x0] =	vst v16;
	v16 =	vadd.s32 $0x52B1, v5  }
0x28d: {  	v20 =	vld.idx.msk [tilespmem:v23+s24+$0x0], $0xffff  }
0x28e: {  	s20 =	sadd.s32 $0xA680, s3;
	v21 =	vadd.s32 $0x52B1, v4;
	v13 =	vld.idx.msk [tilespmem:v13+s24+$0x0], $0xffff  }
0x28f: {  	s21 =	sor.u32 s15, s20  }
0x290: {  	s22 =	sor.u32 s16, s20;
	[tilespmem:s21+$0x0] =	vst v15  }
0x291: {  	s4 =	sor.u32 s14, s20;
	[tilespmem:s22+$0x0] =	vst v12;
	v15 =	vld.idx.msk [tilespmem:v16+s24+$0x0], $0xffff  }
0x292: {  	s23 =	sor.u32 s18, s20;
	v12 =	vadd.s32 $0x56A1, v5;
	v10 =	vld.idx.msk [tilespmem:v10+s24+$0x0], $0xffff;
	[tilespmem:s4+$0x0] =	vst v20  }
0x293: {  	[tilespmem:s23+$0x0] =	vst v13;
	v13 =	vld.idx.msk [tilespmem:v21+s24+$0x0], $0xffff  }
0x294: {  	s26 =	sadd.s32 $0xA700, s3;
	v16 =	vadd.s32 $0x56A1, v4;
	v11 =	vld.idx.msk [tilespmem:v11+s24+$0x0], $0xffff  }
0x295: {  	[tilespmem:s1+$0x0] =	vst v17;
	s28 =	sor.u32 s15, s26  }
0x296: {  	s29 =	sor.u32 s16, s26;
	[tilespmem:s28+$0x0] =	vst v15  }
0x297: {  	v3 =	vadd.s32 $0x5A91, v3;
	s31 =	sor.u32 s14, s26;
	[tilespmem:s29+$0x0] =	vst v10;
	v12 =	vld.idx.msk [tilespmem:v12+s24+$0x0], $0xffff  }
0x298: {  	s30 =	sor.u32 s18, s26;
	v5 =	vadd.s32 $0x5A91, v5;
	v9 =	vld.idx.msk [tilespmem:v9+s24+$0x0], $0xffff;
	[tilespmem:s31+$0x0] =	vst v13  }
0x299: {  	[tilespmem:s30+$0x0] =	vst v11;
	v10 =	vld.idx.msk [tilespmem:v16+s24+$0x0], $0xffff  }
0x29a: {  	s2 =	sor.u32 s2, s12;
	[tilespmem:s11+$0x0] =	vst v18;
	s4 =	sadd.s32 $0xA780, s3;
	v4 =	vadd.s32 $0x5A91, v4;
	v8 =	vld.idx.msk [tilespmem:v8+s24+$0x0], $0xffff  }
0x29b: {  	v6 =	vld.idx.msk [tilespmem:v6+s24+$0x0], $0xffff;
	[tilespmem:s2+$0x0] =	vst v19;
	s5 =	sor.u32 s15, s4  }
0x29c: {  	v3 =	vld.idx.msk [tilespmem:v3+s24+$0x0], $0xffff;
	s6 =	sor.u32 s16, s4;
	[tilespmem:s5+$0x0] =	vst v12  }
0x29d: {  	s9 =	sor.u32 s14, s4;
	[tilespmem:s6+$0x0] =	vst v9;
	v5 =	vld.idx.msk [tilespmem:v5+s24+$0x0], $0xffff  }
0x29e: {  	s7 =	sor.u32 s18, s4;
	v7 =	vld.idx.msk [tilespmem:v7+s24+$0x0], $0xffff;
	[tilespmem:s9+$0x0] =	vst v10  }
0x29f: {  	s0 =	sor.u32 s0, s12;
	[tilespmem:s7+$0x0] =	vst v8;
	v4 =	vld.idx.msk [tilespmem:v4+s24+$0x0], $0xffff  }
0x2a0: {  	s10 =	sadd.s32 $0xA800, s3;
	[tilespmem:s0+$0x0] =	vst v6;
	v8 =	vld.idx.msk [tilespmem:v14+s24+$0x0], $0xffff  }
0x2a1: {  	s11 =	sor.u32 s15, s10;
	[tilespmem:s8+$0x0] =	vst v3  }
0x2a2: {  	s12 =	sor.u32 s16, s10;
	[tilespmem:s11+$0x0] =	vst v5  }
0x2a3: {  	s0 =	sor.u32 s14, s10;
	[tilespmem:s12+$0x0] =	vst v7  }
0x2a4: {  	s13 =	sor.u32 s18, s10;
	[tilespmem:s0+$0x0] =	vst v4  }
0x2a5: {  	s14 =	simm.s32 $0x0;
	s15 =	simm.s32 $0x4;
	[tilespmem:s13+$0x0] =	vst v8  }
0x2a6: {  	s8 =	sand.u32 $0x40, s14;
	_ =	swait.ge [sflag:s15], $0x1F80  }
0x2a7: {  	s16 =	sand.u32 $0x180, s14;
	s9 =	sor.u32 $0x30, s8;
	[sflag:s15] =	ssyncset.done $0x0  }
0x2a8: {  	s2 =	sor.u32 $0x10, s8;
	s17 =	sor.u32 s9, s16;
	[sflag:s15] =	ssyncadd.s32 $0xFFFFE080  }
0x2a9: {  	s18 =	sor.u32 s2, s16;
	v8 =	vld [tilespmem:s17+$0x0]  }
0x2aa: {  	s0 =	sor.u32 $0x20, s8;
	v7 =	vld [tilespmem:s18+$0x0]  }
0x2ab: {  	s3 =	sor.u32 s0, s16;
	v3 =	vld [tilespmem:s14+$0x0]  }
0x2ac: {  	v6 =	vld [tilespmem:s3+$0x0];
	_ =	sdelay $0x1  }
0x2ad: {  	v4 =	vadd.s32 $0x5E81, v8  }
0x2ae: {  	v5 =	vadd.s32 $0x5E81, v7  }
0x2af: {  	v9 =	vadd.s32 $0x5E81, v3  }
0x2b0: {  	v10 =	vadd.s32 $0x5E81, v6;
	_ =	sdelay $0x1  }
0x2b1: {  	v4 =	vld.idx.msk [tilespmem:v4+s24+$0x0], $0xffff  }
0x2b2: {  	v11 =	vadd.s32 $0x6271, v8;
	v5 =	vld.idx.msk [tilespmem:v5+s24+$0x0], $0xffff  }
0x2b3: {  	s10 =	sand.u32 $0xC00, s14;
	v12 =	vadd.s32 $0x6271, v7;
	v9 =	vld.idx.msk [tilespmem:v9+s24+$0x0], $0xffff  }
0x2b4: {  	s1 =	sadd.s32 $0xB480, s10;
	v13 =	vadd.s32 $0x6271, v3;
	v10 =	vld.idx.msk [tilespmem:v10+s24+$0x0], $0xffff  }
0x2b5: {  	s19 =	sor.u32 s9, s1;
	v14 =	vadd.s32 $0x6271, v6  }
0x2b6: {  	s20 =	sor.u32 s2, s1;
	[tilespmem:s19+$0x0] =	vst v4  }
0x2b7: {  	s21 =	sor.u32 s8, s1;
	[tilespmem:s20+$0x0] =	vst v5;
	v4 =	vld.idx.msk [tilespmem:v11+s24+$0x0], $0xffff  }
0x2b8: {  	s1 =	sor.u32 s0, s1;
	[tilespmem:s21+$0x0] =	vst v9;
	v9 =	vadd.s32 $0x6661, v8;
	v5 =	vld.idx.msk [tilespmem:v12+s24+$0x0], $0xffff  }
0x2b9: {  	[tilespmem:s1+$0x0] =	vst v10;
	v11 =	vadd.s32 $0x6661, v7;
	v12 =	vld.idx.msk [tilespmem:v13+s24+$0x0], $0xffff  }
0x2ba: {  	s22 =	sadd.s32 $0xB500, s10;
	v10 =	vld.idx.msk [tilespmem:v14+s24+$0x0], $0xffff;
	v13 =	vadd.s32 $0x6661, v3  }
0x2bb: {  	s23 =	sor.u32 s9, s22;
	v14 =	vadd.s32 $0x6661, v6  }
0x2bc: {  	s26 =	sor.u32 s2, s22;
	[tilespmem:s23+$0x0] =	vst v4  }
0x2bd: {  	s28 =	sor.u32 s8, s22;
	[tilespmem:s26+$0x0] =	vst v5;
	v5 =	vld.idx.msk [tilespmem:v9+s24+$0x0], $0xffff  }
0x2be: {  	s4 =	simm.s32 $0x40;
	s1 =	sor.u32 s0, s22;
	[tilespmem:s28+$0x0] =	vst v12;
	v9 =	vld.idx.msk [tilespmem:v11+s24+$0x0], $0xffff;
	v11 =	vadd.s32 $0x6A51, v8  }
0x2bf: {  	s14 =	sand.u32 $0x40, s4;
	v12 =	vadd.s32 $0x6A51, v7;
	[tilespmem:s1+$0x0] =	vst v10;
	v13 =	vld.idx.msk [tilespmem:v13+s24+$0x0], $0xffff  }
0x2c0: {  	s29 =	sadd.s32 $0xB580, s10;
	s7 =	sand.u32 $0x180, s4;
	s15 =	sor.u32 $0x30, s14;
	v10 =	vld.idx.msk [tilespmem:v14+s24+$0x0], $0xffff;
	v14 =	vadd.s32 $0x6A51, v3  }
0x2c1: {  	s30 =	sor.u32 s9, s29;
	s11 =	sor.u32 s15, s7;
	v15 =	vadd.s32 $0x6A51, v6;
	v4 =	vld [tilespmem:s4+$0x0]  }
0x2c2: {  	s31 =	sor.u32 s2, s29;
	[tilespmem:s30+$0x0] =	vst v5;
	v5 =	vld [tilespmem:s11+$0x0]  }
0x2c3: {  	s6 =	sor.u32 s8, s29;
	[tilespmem:s31+$0x0] =	vst v9;
	v9 =	vld.idx.msk [tilespmem:v11+s24+$0x0], $0xffff  }
0x2c4: {  	s1 =	sor.u32 s0, s29;
	[tilespmem:s6+$0x0] =	vst v13;
	v11 =	vld.idx.msk [tilespmem:v12+s24+$0x0], $0xffff  }
0x2c5: {  	s16 =	sor.u32 $0x10, s14;
	[tilespmem:s1+$0x0] =	vst v10;
	v12 =	vadd.s32 $0x6E41, v8;
	v13 =	vld.idx.msk [tilespmem:v14+s24+$0x0], $0xffff  }
0x2c6: {  	s13 =	sor.u32 s16, s7;
	v10 =	vld.idx.msk [tilespmem:v15+s24+$0x0], $0xffff;
	v14 =	vadd.s32 $0x6E41, v7  }
0x2c7: {  	s12 =	sadd.s32 $0xB600, s10;
	s18 =	sor.u32 $0x20, s14;
	v18 =	vld [tilespmem:s13+$0x0];
	v15 =	vadd.s32 $0x6E41, v6  }
0x2c8: {  	s17 =	sor.u32 s9, s12;
	v16 =	vadd.s32 $0x5E81, v4;
	s1 =	sor.u32 s18, s7  }
0x2c9: {  	s19 =	sor.u32 s2, s12;
	v19 =	vld [tilespmem:s1+$0x0];
	[tilespmem:s17+$0x0] =	vst v9  }
0x2ca: {  	s20 =	sor.u32 s0, s12;
	v9 =	vadd.s32 $0x6E41, v3;
	[tilespmem:s19+$0x0] =	vst v11;
	v12 =	vld.idx.msk [tilespmem:v12+s24+$0x0], $0xffff  }
0x2cb: {  	s21 =	sor.u32 s8, s12;
	[tilespmem:s20+$0x0] =	vst v10;
	v10 =	vadd.s32 $0x5E81, v5;
	v14 =	vld.idx.msk [tilespmem:v14+s24+$0x0], $0xffff  }
0x2cc: {  	[tilespmem:s21+$0x0] =	vst v13;
	v13 =	vld.idx.msk [tilespmem:v15+s24+$0x0], $0xffff;
	v15 =	vadd.s32 $0x5E81, v18  }
0x2cd: {  	v16 =	vld.idx.msk [tilespmem:v16+s24+$0x0], $0xffff;
	v11 =	vadd.s32 $0x7231, v8  }
0x2ce: {  	s5 =	simm.s32 $0x200;
	s22 =	sadd.s32 $0xB680, s10;
	v20 =	vadd.s32 $0x5E81, v19  }
0x2cf: {  	s3 =	sand.u32 $0xC00, s5;
	v17 =	vadd.s32 $0x7231, v7;
	s23 =	sor.u32 s9, s22;
	v9 =	vld.idx.msk [tilespmem:v9+s24+$0x0], $0xffff  }
0x2d0: {  	s26 =	sor.u32 s2, s22;
	s29 =	sadd.s32 $0xB480, s3;
	v10 =	vld.idx.msk [tilespmem:v10+s24+$0x0], $0xffff;
	[tilespmem:s23+$0x0] =	vst v12;
	v12 =	vadd.s32 $0x7231, v6  }
0x2d1: {  	v21 =	vadd.s32 $0x7231, v3;
	s13 =	sor.u32 s14, s29;
	[tilespmem:s26+$0x0] =	vst v14;
	v14 =	vld.idx.msk [tilespmem:v15+s24+$0x0], $0xffff  }
0x2d2: {  	s28 =	sor.u32 s0, s22;
	v22 =	vadd.s32 $0x6271, v5;
	[tilespmem:s13+$0x0] =	vst v16;
	v11 =	vld.idx.msk [tilespmem:v11+s24+$0x0], $0xffff  }
0x2d3: {  	v23 =	vadd.s32 $0x6271, v18;
	s1 =	sor.u32 s8, s22;
	[tilespmem:s28+$0x0] =	vst v13;
	v13 =	vld.idx.msk [tilespmem:v20+s24+$0x0], $0xffff  }
0x2d4: {  	s31 =	sor.u32 s15, s29;
	v15 =	vadd.s32 $0x7621, v8;
	v17 =	vld.idx.msk [tilespmem:v17+s24+$0x0], $0xffff;
	[tilespmem:s1+$0x0] =	vst v9  }
0x2d5: {  	s12 =	sor.u32 s16, s29;
	s7 =	sadd.s32 $0xB700, s10;
	v20 =	vadd.s32 $0x6271, v19;
	[tilespmem:s31+$0x0] =	vst v10;
	v12 =	vld.idx.msk [tilespmem:v12+s24+$0x0], $0xffff  }
0x2d6: {  	s30 =	sor.u32 s9, s7;
	v9 =	vadd.s32 $0x6271, v4;
	v24 =	vld.idx.msk [tilespmem:v21+s24+$0x0], $0xffff;
	[tilespmem:s12+$0x0] =	vst v14  }
0x2d7: {  	s1 =	sor.u32 s18, s29;
	v14 =	vld.idx.msk [tilespmem:v22+s24+$0x0], $0xffff;
	[tilespmem:s30+$0x0] =	vst v11;
	v11 =	vadd.s32 $0x7621, v7  }
0x2d8: {  	[tilespmem:s1+$0x0] =	vst v13;
	v13 =	vadd.s32 $0x6661, v5;
	v16 =	vld.idx.msk [tilespmem:v23+s24+$0x0], $0xffff  }
0x2d9: {  	v10 =	vld.idx.msk [tilespmem:v15+s24+$0x0], $0xffff;
	v15 =	vadd.s32 $0x7621, v6  }
0x2da: {  	s17 =	sor.u32 s2, s7;
	s21 =	sadd.s32 $0xB500, s3;
	v8 =	vadd.s32 $0x7A11, v8;
	v23 =	vld.idx.msk [tilespmem:v20+s24+$0x0], $0xffff  }
0x2db: {  	s23 =	sor.u32 s15, s21;
	v21 =	vadd.s32 $0x6661, v18;
	[tilespmem:s17+$0x0] =	vst v17;
	v9 =	vld.idx.msk [tilespmem:v9+s24+$0x0], $0xffff  }
0x2dc: {  	v25 =	vadd.s32 $0x6661, v4;
	s19 =	sor.u32 s0, s7;
	s20 =	sadd.s32 $0xB780, s10;
	[tilespmem:s23+$0x0] =	vst v14;
	v26 =	vld.idx.msk [tilespmem:v11+s24+$0x0], $0xffff  }
0x2dd: {  	v27 =	vadd.s32 $0x6661, v19;
	s22 =	sor.u32 s9, s20;
	[tilespmem:s19+$0x0] =	vst v12;
	v20 =	vld.idx.msk [tilespmem:v13+s24+$0x0], $0xffff  }
0x2de: {  	s26 =	sor.u32 s16, s21;
	v14 =	vadd.s32 $0x7621, v3;
	v17 =	vld.idx.msk [tilespmem:v15+s24+$0x0], $0xffff;
	[tilespmem:s22+$0x0] =	vst v10  }
0x2df: {  	v29 =	vadd.s32 $0x7A11, v7;
	s13 =	sor.u32 s14, s21;
	[tilespmem:s26+$0x0] =	vst v16;
	v28 =	vld.idx.msk [tilespmem:v8+s24+$0x0], $0xffff  }
0x2e0: {  	s6 =	simm.s32 $0x4;
	s28 =	sor.u32 s18, s21;
	v7 =	vadd.s32 $0x7A11, v18;
	v22 =	vld.idx.msk [tilespmem:v21+s24+$0x0], $0xffff;
	[tilespmem:s13+$0x0] =	vst v9  }
0x2e1: {  	s11 =	sor.u32 s8, s20;
	s29 =	sor.u32 s8, s7;
	s7 =	simm.s32 $0x80;
	v6 =	vadd.s32 $0x7A11, v6;
	v12 =	vadd.s32 $0x6E41, v18;
	[tilespmem:s28+$0x0] =	vst v23;
	v21 =	vld.idx.msk [tilespmem:v25+s24+$0x0], $0xffff;
	v25 =	vadd.s32 $0x6A51, v5  }
0x2e2: {  	s1 =	sor.u32 s0, s20;
	s12 =	sadd.s32 $0xB800, s10;
	s30 =	sor.u32 s2, s20;
	[tilespmem:s29+$0x0] =	vst v24;
	v24 =	vadd.s32 $0x6A51, v4;
	v16 =	vadd.s32 $0x6A51, v19;
	v15 =	vadd.s32 $0x6A51, v18;
	v23 =	vld.idx.msk [tilespmem:v27+s24+$0x0], $0xffff  }
0x2e3: {  	s8 =	sor.u32 s8, s12;
	s31 =	sor.u32 s9, s12;
	s19 =	sadd.s32 $0xB580, s3;
	v13 =	vadd.s32 $0x6E41, v19;
	v10 =	vadd.s32 $0x7231, v18;
	v9 =	vadd.s32 $0x7621, v18;
	v18 =	vld.idx.msk [tilespmem:v14+s24+$0x0], $0xffff;
	[tilespmem:s30+$0x0] =	vst v26  }
0x2e4: {  	v11 =	vadd.s32 $0x7231, v19;
	s17 =	sor.u32 s14, s19;
	s9 =	sor.u32 s16, s19;
	s10 =	sor.u32 s15, s19;
	v8 =	vadd.s32 $0x7621, v19;
	v14 =	vadd.s32 $0x7A11, v19;
	v19 =	vld.idx.msk [tilespmem:v29+s24+$0x0], $0xffff;
	[tilespmem:s31+$0x0] =	vst v28  }
.LBB2_10:
0x2e5: {  	v26 =	vld [tilespmem:s7+$0x0];
	s13 =	sor.u32 s18, s19;
	[tilespmem:s10+$0x0] =	vst v20;
	s19 =	sor.u32 s2, s12;
	s12 =	sor.u32 s0, s12  }
0x2e6: {  	s10 =	smov.u32 s14;
	s2 =	smov.u32 s16;
	[tilespmem:s9+$0x0] =	vst v22;
	v20 =	vld.idx.msk [tilespmem:v25+s24+$0x0], $0xffff;
	s9 =	smov.u32 s15  }
0x2e7: {  	s4 =	sadd.s32 $0x40, s4;
	s0 =	smov.u32 s18;
	[tilespmem:s17+$0x0] =	vst v21;
	v15 =	vld.idx.msk [tilespmem:v15+s24+$0x0], $0xffff  }
0x2e8: {  	s6 =	sadd.s32 $0x4, s6;
	s14 =	sand.u32 $0x40, s4;
	v22 =	vadd.s32 $0x6E41, v5;
	v21 =	vld.idx.msk [tilespmem:v24+s24+$0x0], $0xffff;
	[tilespmem:s13+$0x0] =	vst v23  }
0x2e9: {  	p0 =	slt.u32 s6, $0x1C;
	s15 =	sor.u32 $0x30, s14;
	s13 =	sand.u32 $0x180, s4;
	v16 =	vld.idx.msk [tilespmem:v16+s24+$0x0], $0xffff;
	[tilespmem:s1+$0x0] =	vst v17  }
0x2ea: {  	s16 =	sor.u32 $0x10, s14;
	s17 =	sadd.s32 $0xB600, s3;
	s1 =	sor.u32 s15, s13;
	[tilespmem:s11+$0x0] =	vst v18;
	v17 =	vld.idx.msk [tilespmem:v6+s24+$0x0], $0xffff;
	v6 =	vmov v14  }
0x2eb: {  	s18 =	sor.u32 $0x20, s14;
	s11 =	sor.u32 s16, s13;
	v18 =	vld [tilespmem:s1+$0x0];
	s1 =	sor.u32 s9, s17;
	[tilespmem:s19+$0x0] =	vst v19  }
0x2ec: {  	v19 =	vadd.s32 $0x6E41, v4;
	s19 =	sor.u32 s2, s17;
	v14 =	vld [tilespmem:s11+$0x0];
	s11 =	sor.u32 s18, s13;
	s13 =	sor.u32 s10, s17;
	[tilespmem:s1+$0x0] =	vst v20  }
0x2ed: {  	s1 =	sor.u32 s0, s17;
	[tilespmem:s19+$0x0] =	vst v15;
	v20 =	vld.idx.msk [tilespmem:v22+s24+$0x0], $0xffff;
	v22 =	vadd.s32 $0x7A11, v3;
	v3 =	vmov v4;
	v4 =	vmov v26  }
0x2ee: {  	v23 =	vadd.s32 $0x5E81, v4;
	v24 =	vld [tilespmem:s11+$0x0];
	[tilespmem:s13+$0x0] =	vst v21  }
0x2ef: {  	v25 =	vadd.s32 $0x7231, v5;
	v21 =	vld.idx.msk [tilespmem:v12+s24+$0x0], $0xffff;
	[tilespmem:s1+$0x0] =	vst v16  }
0x2f0: {  	v27 =	vadd.s32 $0x7231, v3;
	v26 =	vadd.s32 $0x5E81, v18;
	v28 =	vld.idx.msk [tilespmem:v13+s24+$0x0], $0xffff;
	[tilespmem:s12+$0x0] =	vst v17  }
0x2f1: {  	s1 =	sadd.s32 $0xB680, s3;
	v17 =	vadd.s32 $0x5E81, v14;
	v29 =	vadd.s32 $0x6271, v14;
	v30 =	vadd.s32 $0x6661, v14;
	v19 =	vld.idx.msk [tilespmem:v19+s24+$0x0], $0xffff  }
0x2f2: {  	s11 =	sor.u32 s10, s1;
	s12 =	sor.u32 s2, s1;
	s13 =	sor.u32 s9, s1;
	v15 =	vadd.s32 $0x6A51, v14;
	v12 =	vadd.s32 $0x6E41, v14;
	v31 =	vadd.s32 $0x7231, v14;
	v22 =	vld.idx.msk [tilespmem:v22+s24+$0x0], $0xffff  }
0x2f3: {  	s1 =	sor.u32 s0, s1;
	v23 =	vld.idx.msk [tilespmem:v23+s24+$0x0], $0xffff;
	v32 =	vadd.s32 $0x5E81, v24;
	v33 =	vadd.s32 $0x6271, v24;
	v34 =	vadd.s32 $0x6661, v24;
	[tilespmem:s13+$0x0] =	vst v20  }
0x2f4: {  	v16 =	vadd.s32 $0x6A51, v24;
	v13 =	vadd.s32 $0x6E41, v24;
	v20 =	vadd.s32 $0x7231, v24;
	v25 =	vld.idx.msk [tilespmem:v25+s24+$0x0], $0xffff  }
0x2f5: {  	v35 =	vadd.s32 $0x7621, v14;
	v36 =	vadd.s32 $0x7A11, v14;
	v37 =	vadd.s32 $0x7621, v24;
	v26 =	vld.idx.msk [tilespmem:v26+s24+$0x0], $0xffff;
	[tilespmem:s12+$0x0] =	vst v21  }
0x2f6: {  	v14 =	vadd.s32 $0x7A11, v24;
	v21 =	vadd.s32 $0x7621, v5;
	v17 =	vld.idx.msk [tilespmem:v17+s24+$0x0], $0xffff;
	[tilespmem:s1+$0x0] =	vst v28  }
0x2f7: {  	s5 =	sadd.s32 $0x200, s5;
	v24 =	vadd.s32 $0x6271, v18;
	[tilespmem:s11+$0x0] =	vst v19;
	v19 =	vld.idx.msk [tilespmem:v10+s24+$0x0], $0xffff;
	v10 =	vmov v31  }
0x2f8: {  	s17 =	sand.u32 $0xC00, s5;
	s1 =	sadd.s32 $0xB700, s3;
	v28 =	vld.idx.msk [tilespmem:v32+s24+$0x0], $0xffff;
	[tilespmem:s8+$0x0] =	vst v22  }
0x2f9: {  	s11 =	sadd.s32 $0xB480, s17;
	s12 =	sor.u32 s9, s1;
	v22 =	vadd.s32 $0x6271, v4;
	s8 =	sor.u32 s10, s1;
	v31 =	vld.idx.msk [tilespmem:v11+s24+$0x0], $0xffff;
	v11 =	vmov v20  }
0x2fa: {  	s13 =	sor.u32 s14, s11;
	s19 =	sor.u32 s16, s11;
	s20 =	sor.u32 s15, s11;
	v27 =	vld.idx.msk [tilespmem:v27+s24+$0x0], $0xffff;
	[tilespmem:s12+$0x0] =	vst v25  }
0x2fb: {  	s11 =	sor.u32 s18, s11;
	s12 =	sor.u32 s2, s1;
	s1 =	sor.u32 s0, s1;
	[tilespmem:s20+$0x0] =	vst v26;
	v20 =	vld.idx.msk [tilespmem:v21+s24+$0x0], $0xffff  }
0x2fc: {  	[tilespmem:s19+$0x0] =	vst v17;
	v21 =	vld.idx.msk [tilespmem:v24+s24+$0x0], $0xffff  }
0x2fd: {  	v24 =	vadd.s32 $0x7A11, v5;
	v5 =	vmov v18;
	[tilespmem:s13+$0x0] =	vst v23;
	v23 =	vld.idx.msk [tilespmem:v29+s24+$0x0], $0xffff  }
0x2fe: {  	v18 =	vld.idx.msk [tilespmem:v22+s24+$0x0], $0xffff;
	[tilespmem:s11+$0x0] =	vst v28;
	v22 =	vadd.s32 $0x6661, v5  }
0x2ff: {  	s13 =	sadd.s32 $0xB780, s3;
	v25 =	vld.idx.msk [tilespmem:v33+s24+$0x0], $0xffff;
	[tilespmem:s12+$0x0] =	vst v19  }
0x300: {  	s11 =	sor.u32 s10, s13;
	s12 =	sadd.s32 $0xB500, s17;
	v19 =	vadd.s32 $0x6661, v4;
	v26 =	vld.idx.msk [tilespmem:v9+s24+$0x0], $0xffff;
	[tilespmem:s1+$0x0] =	vst v31;
	s1 =	sor.u32 s9, s13;
	v9 =	vmov v35  }
0x301: {  	s19 =	sor.u32 s14, s12;
	s20 =	sor.u32 s16, s12;
	s21 =	sor.u32 s15, s12;
	v17 =	vld.idx.msk [tilespmem:v8+s24+$0x0], $0xffff;
	[tilespmem:s1+$0x0] =	vst v20;
	v8 =	vmov v37  }
0x302: {  	v28 =	vadd.s32 $0x7621, v3;
	s12 =	sor.u32 s18, s12;
	s1 =	sor.u32 s0, s13;
	[tilespmem:s21+$0x0] =	vst v21;
	s21 =	sor.u32 s2, s13;
	v29 =	vld.idx.msk [tilespmem:v24+s24+$0x0], $0xffff  }
0x303: {  	[tilespmem:s20+$0x0] =	vst v23;
	v20 =	vld.idx.msk [tilespmem:v22+s24+$0x0], $0xffff  }
.Ltmp4:
0x304: {  	[tilespmem:s19+$0x0] =	vst v18;
	v22 =	vld.idx.msk [tilespmem:v30+s24+$0x0], $0xffff;
	(pc) =	sbr.rel @p0 .LBB2_10-.Ltmp4, $4  }
0x305: {  	v21 =	vld.idx.msk [tilespmem:v19+s24+$0x0], $0xffff;
	[tilespmem:s12+$0x0] =	vst v25;
	v25 =	vadd.s32 $0x6A51, v5  }
0x306: {  	s7 =	sadd.s32 $0x40, s7;
	s12 =	sadd.s32 $0xB800, s3;
	s3 =	smov.u32 s17;
	v23 =	vld.idx.msk [tilespmem:v34+s24+$0x0], $0xffff;
	[tilespmem:s8+$0x0] =	vst v27  }
0x307: {  	v24 =	vadd.s32 $0x6A51, v4;
	s19 =	sadd.s32 $0xB580, s3;
	s8 =	sor.u32 s10, s12;
	s13 =	sor.u32 s9, s12;
	v18 =	vld.idx.msk [tilespmem:v28+s24+$0x0], $0xffff;
	[tilespmem:s21+$0x0] =	vst v26  }
0x308: {  	s17 =	sor.u32 s14, s19;
	s9 =	sor.u32 s16, s19;
	s10 =	sor.u32 s15, s19;
	v19 =	vld.idx.msk [tilespmem:v7+s24+$0x0], $0xffff;
	[tilespmem:s13+$0x0] =	vst v29;
	v7 =	vmov v36  }
0x309: {  	_ =	sdelay $0x2  }
0x30a: {  	[tilespmem:s10+$0x0] =	vst v20  }
0x30b: {  	[tilespmem:s9+$0x0] =	vst v22;
	v20 =	vld.idx.msk [tilespmem:v25+s24+$0x0], $0xffff  }
0x30c: {  	s4 =	sor.u32 s18, s19;
	v52 =	vadd.s32 $0x6E41, v5;
	v15 =	vld.idx.msk [tilespmem:v15+s24+$0x0], $0xffff;
	[tilespmem:s17+$0x0] =	vst v21  }
0x30d: {  	[tilespmem:s4+$0x0] =	vst v23;
	v21 =	vld.idx.msk [tilespmem:v24+s24+$0x0], $0xffff  }
0x30e: {  	s22 =	sadd.s32 $0xB600, s3;
	v53 =	vadd.s32 $0x6E41, v4;
	v16 =	vld.idx.msk [tilespmem:v16+s24+$0x0], $0xffff  }
0x30f: {  	s5 =	sor.u32 s15, s22  }
0x310: {  	s6 =	sor.u32 s16, s22;
	[tilespmem:s5+$0x0] =	vst v20  }
0x311: {  	s4 =	sor.u32 s14, s22;
	[tilespmem:s6+$0x0] =	vst v15;
	v54 =	vld.idx.msk [tilespmem:v52+s24+$0x0], $0xffff  }
0x312: {  	v55 =	vadd.s32 $0x7231, v5;
	s23 =	sor.u32 s18, s22;
	v12 =	vld.idx.msk [tilespmem:v12+s24+$0x0], $0xffff;
	[tilespmem:s4+$0x0] =	vst v21  }
0x313: {  	[tilespmem:s23+$0x0] =	vst v16;
	v56 =	vld.idx.msk [tilespmem:v53+s24+$0x0], $0xffff  }
0x314: {  	s26 =	sadd.s32 $0xB680, s3;
	v57 =	vadd.s32 $0x7231, v4;
	v13 =	vld.idx.msk [tilespmem:v13+s24+$0x0], $0xffff  }
0x315: {  	s28 =	sor.u32 s15, s26  }
0x316: {  	s29 =	sor.u32 s16, s26;
	[tilespmem:s28+$0x0] =	vst v54  }
0x317: {  	s4 =	sor.u32 s14, s26;
	[tilespmem:s29+$0x0] =	vst v12;
	v15 =	vld.idx.msk [tilespmem:v55+s24+$0x0], $0xffff  }
0x318: {  	v58 =	vadd.s32 $0x7621, v5;
	s30 =	sor.u32 s18, s26;
	v10 =	vld.idx.msk [tilespmem:v10+s24+$0x0], $0xffff;
	[tilespmem:s4+$0x0] =	vst v56  }
0x319: {  	[tilespmem:s30+$0x0] =	vst v13;
	v59 =	vld.idx.msk [tilespmem:v57+s24+$0x0], $0xffff  }
0x31a: {  	s31 =	sadd.s32 $0xB700, s3;
	v60 =	vadd.s32 $0x7621, v4;
	v11 =	vld.idx.msk [tilespmem:v11+s24+$0x0], $0xffff  }
0x31b: {  	[tilespmem:s1+$0x0] =	vst v17;
	s5 =	sor.u32 s15, s31  }
0x31c: {  	s6 =	sor.u32 s16, s31;
	[tilespmem:s5+$0x0] =	vst v15  }
0x31d: {  	v3 =	vadd.s32 $0x7A11, v3;
	s9 =	sor.u32 s14, s31;
	[tilespmem:s6+$0x0] =	vst v10;
	v12 =	vld.idx.msk [tilespmem:v58+s24+$0x0], $0xffff  }
0x31e: {  	v61 =	vadd.s32 $0x7A11, v5;
	s7 =	sor.u32 s18, s31;
	v9 =	vld.idx.msk [tilespmem:v9+s24+$0x0], $0xffff;
	[tilespmem:s9+$0x0] =	vst v59  }
0x31f: {  	[tilespmem:s7+$0x0] =	vst v11;
	v62 =	vld.idx.msk [tilespmem:v60+s24+$0x0], $0xffff  }
0x320: {  	s10 =	sor.u32 s2, s12;
	v63 =	vadd.s32 $0x7A11, v4;
	[tilespmem:s11+$0x0] =	vst v18;
	s11 =	sadd.s32 $0xB780, s3;
	v8 =	vld.idx.msk [tilespmem:v8+s24+$0x0], $0xffff  }
0x321: {  	v6 =	vld.idx.msk [tilespmem:v6+s24+$0x0], $0xffff;
	[tilespmem:s10+$0x0] =	vst v19;
	s13 =	sor.u32 s15, s11  }
0x322: {  	s17 =	sor.u32 s16, s11;
	v3 =	vld.idx.msk [tilespmem:v3+s24+$0x0], $0xffff;
	[tilespmem:s13+$0x0] =	vst v12  }
0x323: {  	s20 =	sor.u32 s14, s11;
	[tilespmem:s17+$0x0] =	vst v9;
	v5 =	vld.idx.msk [tilespmem:v61+s24+$0x0], $0xffff  }
0x324: {  	s19 =	sor.u32 s18, s11;
	v7 =	vld.idx.msk [tilespmem:v7+s24+$0x0], $0xffff;
	[tilespmem:s20+$0x0] =	vst v62  }
0x325: {  	s0 =	sor.u32 s0, s12;
	[tilespmem:s19+$0x0] =	vst v8;
	v4 =	vld.idx.msk [tilespmem:v63+s24+$0x0], $0xffff  }
0x326: {  	s21 =	sadd.s32 $0xB800, s3;
	[tilespmem:s0+$0x0] =	vst v6;
	v8 =	vld.idx.msk [tilespmem:v14+s24+$0x0], $0xffff  }
0x327: {  	s22 =	sor.u32 s15, s21;
	[tilespmem:s8+$0x0] =	vst v3  }
0x328: {  	s23 =	sor.u32 s16, s21;
	[tilespmem:s22+$0x0] =	vst v5  }
0x329: {  	s0 =	sor.u32 s14, s21;
	[tilespmem:s23+$0x0] =	vst v7  }
0x32a: {  	s26 =	sor.u32 s18, s21;
	[tilespmem:s0+$0x0] =	vst v4  }
0x32b: {  	[tilespmem:s26+$0x0] =	vst v8  }
0x32c: {  	s0 =	sld [smem:$0x7FC];
	_ =	sdelay $0x1  }
0x32d: {  	s3 =	simm.s32 $0x5;
	s28 =	simm.s32 $0x1000;
	s29 =	simm.s32 $0x20000  }
0x32e: {  	[hbm4b:s0+s28] =	stream.strided.scatter [tilespmem:s25], [sflag:$0x5], $0x6000, s29, s28, $0x38;
	[tilespmem:$0xE480] =	vst v63  }
0x32f: {  	_ =	swait.ge [sflag:s3], $0x6000  }
0x330: {  	s30 =	sld [smem:$0x7F8]  }
0x331: {  	s31 =	sld [smem:$0x7FD];
	_ =	sdelay $0x1  }
0x332: {  	s1 =	sadd.s32 $0x1, s30  }
0x333: {  	p0 =	sne.s32 s1, s31  }
.Ltmp5:
0x334: {  	_ = 	snop;
	(pc) =	sbr.rel @p0 .LBB2_1-.Ltmp5, $3  }
0x335: {  	_ =	sdelay $0x1  }
0x336: {  	[sflag:s3] =	ssyncset.done $0x0  }
0x337: {  	[sflag:s3] =	ssyncadd.s32 $0xFFFFA000  }
0x338: {  	_ =	sfence.sel $0x180000  }
0x339: {  	[bflag:$0x0] =	sbarrier.arrive $0xFFFF  }
0x33a: {  	_ =	strace $0x90000047  }
0x33b: {  	s0 =	stileid.u32;
	[bflag:$0x2] =	sbarrier.arrive $0xFFFF  }
0x33c: {  	p0 =	sne.s32 s0, $0x0;
	s0 =	rddreg [dreg:$0x5]  }
0x33d: {  	s0 =	sadd.s32 @!p0 $0x100000, s0  }
0x33e: {  	[sflag:s0] =	ssyncadd.tile.s32 @!p0 $0x1;
	_ =	shalt  }
.Lfunc_end2:
_tile_overlayer_lowered:
.L_overlay_start_2:
0x33f: {  	(tag) =	ssettag $0x2  }
0x340: {  	s0 =	rddreg [dreg:$0x0];
	s2 =	stileid.u32  }
0x341: {  	s1 =	rddreg [dreg:$0x1];
	p0 =	sne.s32 s2, $0x0  }
0x342: {  	s3 =	rddreg [dreg:$0x2];
	[bflag:$0x3] =	sbarrier.arrive $0xFFFF;
	s2 =	simm.s32 @!p0 $0x1C05  }
0x343: {  	[timem:s3], [sflag:s2] =	dma.local @!p0 [hbm:s0], s1  }
0x344: {  	s0 =	simm.s32 @!p0 $0x5  }
0x345: {  	_ =	swait.ge @!p0 [sflag:s0], s1  }
0x346: {  	s1 =	ssub.s32 @!p0 $0x0, s1;
	[sflag:s0] =	ssyncset.done @!p0 $0x0  }
0x347: {  	[sflag:s0] =	ssyncadd.s32 @!p0 s1  }
0x348: {  	[bflag:$0x3] =	sbarrier.arrive $0xFFFF  }
0x349: {  	_ =	shalt  }

</sc_bundles>
